<compile_context>
chip_gen: v7x
topology: tpu7x:2x2x1
jax: 0.10.2.dev20260603
libtpu: 0.0.44.dev20260713+nightly
codegen_flags: <defaults>
</compile_context>

<pallas_src>
import functools

import jax
import jax.numpy as jnp
from jax import lax
from jax.experimental import pallas as pl
from jax.experimental.pallas import tpu as pltpu
from jax.experimental.pallas import tpu_sc as plsc

N_NODES = 10000
N_EDGES = 320000
NFEAT = 128

NC = 2
NS = 16
NW = NC * NS
EPT = N_EDGES // NW
CHUNK = 184
NFULL = 56
EPT_PAD = NFULL * CHUNK
N_PAD = 10240
RPT = N_PAD // NS

_mesh = plsc.VectorSubcoreMesh(core_axis_name="c", subcore_axis_name="s")



@functools.partial(
    pl.kernel,
    mesh=_mesh,
    out_type=jax.ShapeDtypeStruct((NW, N_PAD), jnp.float32),
    scratch_types=[
        pltpu.VMEM((N_PAD,), jnp.float32),
        pltpu.VMEM((EPT,), jnp.int32),
    ],
    compiler_params=pltpu.CompilerParams(needs_layout_passes=False),
)
def _deg_kernel(dst_hbm, out_hbm, hist, dstv):
    c = lax.axis_index("c")
    s = lax.axis_index("s")
    wid = c * NS + s

    def zero(i, carry):
        hist[pl.ds(i * 16, 16)] = jnp.zeros((16,), jnp.float32)
        return carry

    lax.fori_loop(0, N_PAD // 16, zero, 0)

    pltpu.sync_copy(dst_hbm.at[pl.ds(wid * EPT, EPT)], dstv)
    ones = jnp.ones((16,), jnp.float32)

    def step(i, carry):
        idx = dstv[pl.ds(i * 16, 16)]
        plsc.addupdate_scatter(hist, [idx], ones)
        return carry

    lax.fori_loop(0, EPT // 16, step, 0)
    pltpu.sync_copy(hist, out_hbm.at[wid])


@functools.partial(
    pl.kernel,
    mesh=_mesh,
    out_type=jax.ShapeDtypeStruct((NC, N_PAD, NFEAT), jnp.float32),
    scratch_types=[
        pltpu.VMEM_SHARED((N_PAD, NFEAT), jnp.float32),
        [pltpu.VMEM((CHUNK,), jnp.int32) for _ in range(4)],
        [pltpu.VMEM((CHUNK,), jnp.int32) for _ in range(4)],
        [pltpu.VMEM((CHUNK, NFEAT), jnp.float32) for _ in range(2)],
        [pltpu.SemaphoreType.DMA for _ in range(4)],
        [pltpu.SemaphoreType.DMA for _ in range(4)],
        [pltpu.SemaphoreType.DMA for _ in range(2)],
        [pltpu.SemaphoreType.DMA for _ in range(2)],
    ],
    compiler_params=pltpu.CompilerParams(needs_layout_passes=False),
)
def _scatter_kernel(h_hbm, src_hbm, dst_hbm, zeros_hbm, out_hbm,
                    acc, srcvs, dstvs, rowss, ssems, dsems, gsems, csems):
    c = lax.axis_index("c")
    s = lax.axis_index("s")
    wid = c * NS + s
    ebase = wid * EPT_PAD

    def prefetch(i, m):
        base = ebase + i * CHUNK
        pltpu.async_copy(src_hbm.at[pl.ds(base, CHUNK)], srcvs[m], ssems[m])
        pltpu.async_copy(dst_hbm.at[pl.ds(base, CHUNK)], dstvs[m], dsems[m])

    def body(i, m, r, drain):
        base = ebase + i * CHUNK
        pltpu.make_async_copy(src_hbm.at[pl.ds(base, CHUNK)], srcvs[m],
                              ssems[m]).wait()
        pltpu.make_async_copy(dst_hbm.at[pl.ds(base, CHUNK)], dstvs[m],
                              dsems[m]).wait()
        m2 = (m + 2) % 4
        if drain:
            pltpu.make_async_copy(rowss[r], acc.at[dstvs[m2]],
                                  csems[r]).wait()

        @pl.when(i + 2 < NFULL)
        def _():
            prefetch(i + 2, m2)

        pltpu.async_copy(h_hbm.at[srcvs[m]], rowss[r], gsems[r]).wait()
        pltpu.async_copy(rowss[r], acc.at[dstvs[m]], csems[r], add=True)

    prefetch(0, 0)
    prefetch(1, 1)

    pltpu.sync_copy(zeros_hbm.at[pl.ds(s * RPT, RPT)],
                    acc.at[pl.ds(s * RPT, RPT)])
    plsc.subcore_barrier()

    body(0, 0, 0, False)
    body(1, 1, 1, False)
    body(2, 2, 0, True)
    body(3, 3, 1, True)

    def quad(k, carry):
        i0 = 4 * k
        body(i0, 0, 0, True)
        body(i0 + 1, 1, 1, True)
        body(i0 + 2, 2, 0, True)
        body(i0 + 3, 3, 1, True)
        return carry

    lax.fori_loop(1, NFULL // 4, quad, 0)
    pltpu.make_async_copy(rowss[0], acc.at[dstvs[2]], csems[0]).wait()
    pltpu.make_async_copy(rowss[1], acc.at[dstvs[3]], csems[1]).wait()
    plsc.subcore_barrier()

    pltpu.sync_copy(acc.at[pl.ds(s * RPT, RPT)],
                    out_hbm.at[c, pl.ds(s * RPT, RPT)])



_RB = 1024
_GRID = N_PAD // _RB


def _in_body(hist_ref, x_ref, w_ref, h1p_ref, dinv_ref):
    deg = 1.0 + jnp.sum(hist_ref[...], axis=0)
    dinv = lax.rsqrt(deg)[:, None]
    h1 = jnp.dot(x_ref[...], w_ref[...], preferred_element_type=jnp.float32)
    h1p_ref[...] = h1 * dinv
    dinv_ref[...] = dinv


def _gcn_in(hist, x, w1):
    return pl.pallas_call(
        _in_body,
        grid=(_GRID,),
        in_specs=[
            pl.BlockSpec((NW, _RB), lambda i: (0, i)),
            pl.BlockSpec((_RB, NFEAT), lambda i: (i, 0)),
            pl.BlockSpec((NFEAT, NFEAT), lambda i: (0, 0)),
        ],
        out_specs=[
            pl.BlockSpec((_RB, NFEAT), lambda i: (i, 0)),
            pl.BlockSpec((_RB, 1), lambda i: (i, 0)),
        ],
        out_shape=[
            jax.ShapeDtypeStruct((N_PAD, NFEAT), jnp.float32),
            jax.ShapeDtypeStruct((N_PAD, 1), jnp.float32),
        ],
    )(hist, x, w1)


def _mid_body(p_ref, h1p_ref, dinv_ref, b1_ref, w2_ref, h2p_ref):
    psum = p_ref[0] + p_ref[1]
    u = (psum + h1p_ref[...]) * dinv_ref[...] + b1_ref[...]
    u = jnp.maximum(u, 0.0)
    h2 = jnp.dot(u, w2_ref[...], preferred_element_type=jnp.float32)
    h2p_ref[...] = h2 * dinv_ref[...]


def _mid(p1, h1p, dinv, b1, w2):
    return pl.pallas_call(
        _mid_body,
        grid=(_GRID,),
        in_specs=[
            pl.BlockSpec((NC, _RB, NFEAT), lambda i: (0, i, 0)),
            pl.BlockSpec((_RB, NFEAT), lambda i: (i, 0)),
            pl.BlockSpec((_RB, 1), lambda i: (i, 0)),
            pl.BlockSpec((1, NFEAT), lambda i: (0, 0)),
            pl.BlockSpec((NFEAT, NFEAT), lambda i: (0, 0)),
        ],
        out_specs=pl.BlockSpec((_RB, NFEAT), lambda i: (i, 0)),
        out_shape=jax.ShapeDtypeStruct((N_PAD, NFEAT), jnp.float32),
    )(p1, h1p, dinv, b1, w2)


def _fin_body(p_ref, h2p_ref, dinv_ref, b2_ref, wfc_ref, bfc_ref, o_ref):
    v = (p_ref[0] + p_ref[1] + h2p_ref[...]) * dinv_ref[...] + b2_ref[...]
    o_ref[...] = jnp.dot(v, wfc_ref[...],
                         preferred_element_type=jnp.float32) + bfc_ref[0, 0]


def _fin(p2, h2p, dinv, b2, wfc, bfc):
    return pl.pallas_call(
        _fin_body,
        grid=(_GRID,),
        in_specs=[
            pl.BlockSpec((NC, _RB, NFEAT), lambda i: (0, i, 0)),
            pl.BlockSpec((_RB, NFEAT), lambda i: (i, 0)),
            pl.BlockSpec((_RB, 1), lambda i: (i, 0)),
            pl.BlockSpec((1, NFEAT), lambda i: (0, 0)),
            pl.BlockSpec((NFEAT, 1), lambda i: (0, 0)),
            pl.BlockSpec((1, 1), lambda i: (0, 0)),
        ],
        out_specs=pl.BlockSpec((_RB, 1), lambda i: (i, 0)),
        out_shape=jax.ShapeDtypeStruct((N_PAD, 1), jnp.float32),
    )(p2, h2p, dinv, b2, wfc, bfc)



def _pad_edges(v):
    pad = jnp.broadcast_to(
        N_NODES + jnp.arange(NW, dtype=jnp.int32)[:, None],
        (NW, EPT_PAD - EPT))
    out = jnp.concatenate([v.reshape(NW, EPT), pad], axis=1)
    return out.reshape(-1)


def kernel(x, edge_index, W1, b1, W2, b2, Wfc, bfc):
    ei = edge_index.astype(jnp.int32)
    src = _pad_edges(ei[0])
    dst = _pad_edges(ei[1])
    zeros = jnp.zeros((N_PAD, NFEAT), jnp.float32)
    x_pad = jnp.concatenate(
        [x, jnp.zeros((N_PAD - N_NODES, NFEAT), jnp.float32)], axis=0)

    hist = _deg_kernel(ei[1])
    h1p, dinv = _gcn_in(hist, x_pad, W1)
    p1 = _scatter_kernel(h1p, src, dst, zeros)
    h2p = _mid(p1, h1p, dinv, b1.reshape(1, NFEAT), W2)
    p2 = _scatter_kernel(h2p, src, dst, zeros)
    out = _fin(p2, h2p, dinv, b2.reshape(1, NFEAT), Wfc, bfc.reshape(1, 1))
    return out.reshape(N_PAD)[:N_NODES]

# --- scband reference (transcript-rebuilt; emitter-appended) ---
"""Pipeline reference for scband-gcn-edit-5085241279102 (READ-ONLY COPY).

The authoritative reference and input builder live on the scoring server;
editing this copy changes nothing except your own understanding.
"""

import jax, jax.numpy as jnp
import numpy as np

N_NODES = 10000
N_EDGES = 320000
NFEAT = 128
NHID = 128


def gcn_conv(x, edge_index, W, b):
    # Faithful PyG GCNConv: add self loops, symmetric normalization, linear, scatter-add, bias
    n = x.shape[0]
    loop = jnp.arange(n, dtype=edge_index.dtype)
    src = jnp.concatenate([edge_index[0], loop])
    dst = jnp.concatenate([edge_index[1], loop])
    deg = jnp.zeros((n,), dtype=x.dtype).at[dst].add(1.0)
    deg_inv_sqrt = jnp.where(deg > 0, 1.0 / jnp.sqrt(deg), 0.0)
    norm = deg_inv_sqrt[src] * deg_inv_sqrt[dst]
    h = x @ W
    msg = h[src] * norm[:, None]
    out = jnp.zeros_like(h).at[dst].add(msg)
    return out + b


def setup_inputs(seed: int = 0) -> dict:
    key = jax.random.key(seed)
    ks = jax.random.split(key, 8)
    x = jax.random.normal(ks[0], (N_NODES, NFEAT), dtype=jnp.float32)
    edge_index = jax.random.randint(ks[1], (2, N_EDGES), 0, N_NODES, dtype=jnp.int64)
    # glorot-style init for weights
    s1 = (6.0 / (NFEAT + NHID)) ** 0.5
    W1 = jax.random.uniform(ks[2], (NFEAT, NHID), minval=-s1, maxval=s1, dtype=jnp.float32)
    b1 = jnp.zeros((NHID,), dtype=jnp.float32)
    s2 = (6.0 / (NHID + NHID)) ** 0.5
    W2 = jax.random.uniform(ks[3], (NHID, NHID), minval=-s2, maxval=s2, dtype=jnp.float32)
    b2 = jnp.zeros((NHID,), dtype=jnp.float32)
    s3 = (6.0 / (NHID + 1)) ** 0.5
    Wfc = jax.random.uniform(ks[4], (NHID, 1), minval=-s3, maxval=s3, dtype=jnp.float32)
    bfc = jnp.zeros((1,), dtype=jnp.float32)
    return {"x": x, "edge_index": edge_index, "W1": W1, "b1": b1, "W2": W2, "b2": b2, "Wfc": Wfc, "bfc": bfc}


def reference(x, edge_index, W1, b1, W2, b2, Wfc, bfc):
    # GCN_Body: gc1 -> relu -> dropout(eval: identity) -> gc2
    h = gcn_conv(x, edge_index, W1, b1)
    h = jax.nn.relu(h)
    h = gcn_conv(h, edge_index, W2, b2)
    # regressor / fc: Linear(nhid, 1) then squeeze
    out = h @ Wfc + bfc
    return jnp.squeeze(out, axis=-1)

if __name__ == "__main__":
    import jax
    _d = setup_inputs()
    print(jax.jit(kernel)(*tuple(_d.values())))

</pallas_src>

<mosaic_0001>
#map = affine_map<(d0, d1) -> (0, 0)>
#map1 = affine_map<(d0, d1) -> (0)>
#map2 = affine_map<(d0, d1) -> (0, 0, 0)>
module attributes {stable_mosaic.version = 14 : i64} {
  func.func @_scatter_kernel(%arg0: i32, %arg1: i32, %arg2: memref<10240x128xf32, #tpu.memory_space<hbm>>, %arg3: memref<329728xi32, #tpu.memory_space<hbm>>, %arg4: memref<329728xi32, #tpu.memory_space<hbm>>, %arg5: memref<10240x128xf32, #tpu.memory_space<hbm>>, %arg6: memref<2x10240x128xf32, #tpu.memory_space<hbm>>, %arg7: memref<10240x128xf32, #tpu.memory_space<vmem_shared>>, %arg8: memref<184xi32, #tpu.memory_space<vmem>>, %arg9: memref<184xi32, #tpu.memory_space<vmem>>, %arg10: memref<184xi32, #tpu.memory_space<vmem>>, %arg11: memref<184xi32, #tpu.memory_space<vmem>>, %arg12: memref<184xi32, #tpu.memory_space<vmem>>, %arg13: memref<184xi32, #tpu.memory_space<vmem>>, %arg14: memref<184xi32, #tpu.memory_space<vmem>>, %arg15: memref<184xi32, #tpu.memory_space<vmem>>, %arg16: memref<184x128xf32, #tpu.memory_space<vmem>>, %arg17: memref<184x128xf32, #tpu.memory_space<vmem>>, %arg18: memref<!tpu.dma_semaphore, #tpu.memory_space<semaphore_mem>>, %arg19: memref<!tpu.dma_semaphore, #tpu.memory_space<semaphore_mem>>, %arg20: memref<!tpu.dma_semaphore, #tpu.memory_space<semaphore_mem>>, %arg21: memref<!tpu.dma_semaphore, #tpu.memory_space<semaphore_mem>>, %arg22: memref<!tpu.dma_semaphore, #tpu.memory_space<semaphore_mem>>, %arg23: memref<!tpu.dma_semaphore, #tpu.memory_space<semaphore_mem>>, %arg24: memref<!tpu.dma_semaphore, #tpu.memory_space<semaphore_mem>>, %arg25: memref<!tpu.dma_semaphore, #tpu.memory_space<semaphore_mem>>, %arg26: memref<!tpu.dma_semaphore, #tpu.memory_space<semaphore_mem>>, %arg27: memref<!tpu.dma_semaphore, #tpu.memory_space<semaphore_mem>>, %arg28: memref<!tpu.dma_semaphore, #tpu.memory_space<semaphore_mem>>, %arg29: memref<!tpu.dma_semaphore, #tpu.memory_space<semaphore_mem>>) attributes {dimension_semantics = [#tpu.dimension_semantics<core_parallel>, #tpu.dimension_semantics<subcore_parallel>], iteration_bounds = array<i64: 2, 16>, scalar_prefetch = 0 : i64, scratch_operands = 23 : i64, tpu.core_type = #tpu.core_type<sc_vector_subcore>, window_params = [{transform_indices = #map}, {transform_indices = #map1}, {transform_indices = #map1}, {transform_indices = #map}, {transform_indices = #map2}]} {
    %mul3A = arith.constant 16 : i32
    %mul3A_0 = arith.muli %arg0, %mul3A : i32
    %add3A = arith.addi %mul3A_0, %arg1 : i32
    %mul3A_1 = arith.constant 10304 : i32
    %mul3A_2 = arith.muli %add3A, %mul3A_1 : i32
    %add3A_3 = arith.constant 0 : i32
    %add3A_4 = arith.addi %mul3A_2, %add3A_3 : i32
    %dma_start3A = tpu.memref_slice %arg3[%add3A_4] : memref<329728xi32, #tpu.memory_space<hbm>> -> memref<184xi32, #tpu.memory_space<hbm>>
    %dma_start3A_5 = tpu.memref_slice %arg3[%add3A_4] : memref<329728xi32, #tpu.memory_space<hbm>> -> memref<184xi32, #tpu.memory_space<hbm>>
    tpu.enqueue_dma source(%dma_start3A_5 : memref<184xi32, #tpu.memory_space<hbm>>) target(%arg8 : memref<184xi32, #tpu.memory_space<vmem>>) target_semaphore(%arg18 : memref<!tpu.dma_semaphore, #tpu.memory_space<semaphore_mem>>)
    %dma_start3A_6 = tpu.memref_slice %arg4[%add3A_4] : memref<329728xi32, #tpu.memory_space<hbm>> -> memref<184xi32, #tpu.memory_space<hbm>>
    %dma_start3A_7 = tpu.memref_slice %arg4[%add3A_4] : memref<329728xi32, #tpu.memory_space<hbm>> -> memref<184xi32, #tpu.memory_space<hbm>>
    tpu.enqueue_dma source(%dma_start3A_7 : memref<184xi32, #tpu.memory_space<hbm>>) target(%arg12 : memref<184xi32, #tpu.memory_space<vmem>>) target_semaphore(%arg22 : memref<!tpu.dma_semaphore, #tpu.memory_space<semaphore_mem>>)
    %add3A_8 = arith.constant 184 : i32
    %add3A_9 = arith.addi %mul3A_2, %add3A_8 : i32
    %dma_start3A_10 = tpu.memref_slice %arg3[%add3A_9] : memref<329728xi32, #tpu.memory_space<hbm>> -> memref<184xi32, #tpu.memory_space<hbm>>
    %dma_start3A_11 = tpu.memref_slice %arg3[%add3A_9] : memref<329728xi32, #tpu.memory_space<hbm>> -> memref<184xi32, #tpu.memory_space<hbm>>
    tpu.enqueue_dma source(%dma_start3A_11 : memref<184xi32, #tpu.memory_space<hbm>>) target(%arg9 : memref<184xi32, #tpu.memory_space<vmem>>) target_semaphore(%arg19 : memref<!tpu.dma_semaphore, #tpu.memory_space<semaphore_mem>>)
    %dma_start3A_12 = tpu.memref_slice %arg4[%add3A_9] : memref<329728xi32, #tpu.memory_space<hbm>> -> memref<184xi32, #tpu.memory_space<hbm>>
    %dma_start3A_13 = tpu.memref_slice %arg4[%add3A_9] : memref<329728xi32, #tpu.memory_space<hbm>> -> memref<184xi32, #tpu.memory_space<hbm>>
    tpu.enqueue_dma source(%dma_start3A_13 : memref<184xi32, #tpu.memory_space<hbm>>) target(%arg13 : memref<184xi32, #tpu.memory_space<vmem>>) target_semaphore(%arg23 : memref<!tpu.dma_semaphore, #tpu.memory_space<semaphore_mem>>)
    %mul3A_14 = arith.constant 640 : i32
    %mul3A_15 = arith.muli %arg1, %mul3A_14 : i32
    %mul3A_16 = arith.constant 640 : i32
    %mul3A_17 = arith.muli %arg1, %mul3A_16 : i32
    "tpu.region"() ({
      %run_scoped3A = tpu.sem_alloc : memref<!tpu.dma_semaphore, #tpu.memory_space<semaphore_mem>>
      %dma_start3A_123 = arith.constant 0 : i32
      %dma_start3A_124 = tpu.memref_slice %arg7[%mul3A_17, %dma_start3A_123] : memref<10240x128xf32, #tpu.memory_space<vmem_shared>> -> memref<640x128xf32, #tpu.memory_space<vmem_shared>>
      %dma_start3A_125 = arith.constant 0 : i32
      %dma_start3A_126 = tpu.memref_slice %arg5[%mul3A_15, %dma_start3A_125] : memref<10240x128xf32, #tpu.memory_space<hbm>> -> memref<640x128xf32, #tpu.memory_space<hbm>>
      tpu.enqueue_dma source(%dma_start3A_126 : memref<640x128xf32, #tpu.memory_space<hbm>>) target(%dma_start3A_124 : memref<640x128xf32, #tpu.memory_space<vmem_shared>>) target_semaphore(%run_scoped3A : memref<!tpu.dma_semaphore, #tpu.memory_space<semaphore_mem>>)
      %dma_wait3A_127 = arith.constant 0 : i32
      %dma_wait3A_128 = tpu.memref_slice %arg7[%mul3A_17, %dma_wait3A_127] : memref<10240x128xf32, #tpu.memory_space<vmem_shared>> -> memref<640x128xf32, #tpu.memory_space<vmem_shared>>
      %dma_wait3A_129 = arith.constant 0 : i32
      %dma_wait3A_130 = tpu.memref_slice %arg5[%mul3A_15, %dma_wait3A_129] : memref<10240x128xf32, #tpu.memory_space<hbm>> -> memref<640x128xf32, #tpu.memory_space<hbm>>
      tpu.wait_dma2 semaphore(%run_scoped3A : memref<!tpu.dma_semaphore, #tpu.memory_space<semaphore_mem>>) src(%dma_wait3A_130 : memref<640x128xf32, #tpu.memory_space<hbm>>) dst(%dma_wait3A_128 : memref<640x128xf32, #tpu.memory_space<vmem_shared>>)
      tpu.yield
    }) : () -> ()
    %barrier3A = arith.constant 0 : index
    tpu.barrier barrier_id(%barrier3A)
    %add3A_18 = arith.constant 0 : i32
    %add3A_19 = arith.addi %mul3A_2, %add3A_18 : i32
    %dma_wait3A = tpu.memref_slice %arg3[%add3A_19] : memref<329728xi32, #tpu.memory_space<hbm>> -> memref<184xi32, #tpu.memory_space<hbm>>
    %dma_wait3A_20 = tpu.memref_slice %arg3[%add3A_19] : memref<329728xi32, #tpu.memory_space<hbm>> -> memref<184xi32, #tpu.memory_space<hbm>>
    tpu.wait_dma2 semaphore(%arg18 : memref<!tpu.dma_semaphore, #tpu.memory_space<semaphore_mem>>) src(%dma_wait3A_20 : memref<184xi32, #tpu.memory_space<hbm>>) dst(%arg8 : memref<184xi32, #tpu.memory_space<vmem>>)
    %dma_wait3A_21 = tpu.memref_slice %arg4[%add3A_19] : memref<329728xi32, #tpu.memory_space<hbm>> -> memref<184xi32, #tpu.memory_space<hbm>>
    %dma_wait3A_22 = tpu.memref_slice %arg4[%add3A_19] : memref<329728xi32, #tpu.memory_space<hbm>> -> memref<184xi32, #tpu.memory_space<hbm>>
    tpu.wait_dma2 semaphore(%arg22 : memref<!tpu.dma_semaphore, #tpu.memory_space<semaphore_mem>>) src(%dma_wait3A_22 : memref<184xi32, #tpu.memory_space<hbm>>) dst(%arg12 : memref<184xi32, #tpu.memory_space<vmem>>)
    %add3A_23 = arith.constant 368 : i32
    %add3A_24 = arith.addi %mul3A_2, %add3A_23 : i32
    %dma_start3A_25 = tpu.memref_slice %arg3[%add3A_24] : memref<329728xi32, #tpu.memory_space<hbm>> -> memref<184xi32, #tpu.memory_space<hbm>>
    %dma_start3A_26 = tpu.memref_slice %arg3[%add3A_24] : memref<329728xi32, #tpu.memory_space<hbm>> -> memref<184xi32, #tpu.memory_space<hbm>>
    tpu.enqueue_dma source(%dma_start3A_26 : memref<184xi32, #tpu.memory_space<hbm>>) target(%arg10 : memref<184xi32, #tpu.memory_space<vmem>>) target_semaphore(%arg20 : memref<!tpu.dma_semaphore, #tpu.memory_space<semaphore_mem>>)
    %dma_start3A_27 = tpu.memref_slice %arg4[%add3A_24] : memref<329728xi32, #tpu.memory_space<hbm>> -> memref<184xi32, #tpu.memory_space<hbm>>
    %dma_start3A_28 = tpu.memref_slice %arg4[%add3A_24] : memref<329728xi32, #tpu.memory_space<hbm>> -> memref<184xi32, #tpu.memory_space<hbm>>
    tpu.enqueue_dma source(%dma_start3A_28 : memref<184xi32, #tpu.memory_space<hbm>>) target(%arg14 : memref<184xi32, #tpu.memory_space<vmem>>) target_semaphore(%arg24 : memref<!tpu.dma_semaphore, #tpu.memory_space<semaphore_mem>>)
    %dma_start3A_29 = arith.constant 0 : i32
    %dma_start3A_30 = arith.constant 0 : i32
    %dma_start3A_31 = tpu.memref_slice %arg2[%dma_start3A_29, %dma_start3A_30] : memref<10240x128xf32, #tpu.memory_space<hbm>> -> memref<10240x128xf32, #tpu.memory_space<hbm>>
    tpu.enqueue_indirect_dma source(%dma_start3A_31 : memref<10240x128xf32, #tpu.memory_space<hbm>>) target(%arg16 : memref<184x128xf32, #tpu.memory_space<vmem>>) offsets(%arg8 : memref<184xi32, #tpu.memory_space<vmem>>) semaphore(%arg26 : memref<!tpu.dma_semaphore, #tpu.memory_space<semaphore_mem>>)
    %dma_wait3A_32 = arith.constant 0 : i32
    %dma_wait3A_33 = arith.constant 0 : i32
    %dma_wait3A_34 = tpu.memref_slice %arg2[%dma_wait3A_32, %dma_wait3A_33] : memref<10240x128xf32, #tpu.memory_space<hbm>> -> memref<10240x128xf32, #tpu.memory_space<hbm>>
    tpu.wait_indirect_dma semaphore(%arg26 : memref<!tpu.dma_semaphore, #tpu.memory_space<semaphore_mem>>) src(%dma_wait3A_34 : memref<10240x128xf32, #tpu.memory_space<hbm>>) dst(%arg16 : memref<184x128xf32, #tpu.memory_space<vmem>>)
    %dma_start3A_35 = arith.constant 0 : i32
    %dma_start3A_36 = arith.constant 0 : i32
    %dma_start3A_37 = tpu.memref_slice %arg7[%dma_start3A_35, %dma_start3A_36] : memref<10240x128xf32, #tpu.memory_space<vmem_shared>> -> memref<10240x128xf32, #tpu.memory_space<vmem_shared>>
    tpu.enqueue_indirect_dma source(%arg16 : memref<184x128xf32, #tpu.memory_space<vmem>>) target(%dma_start3A_37 : memref<10240x128xf32, #tpu.memory_space<vmem_shared>>) offsets(%arg12 : memref<184xi32, #tpu.memory_space<vmem>>) semaphore(%arg28 : memref<!tpu.dma_semaphore, #tpu.memory_space<semaphore_mem>>) {add = true}
    %add3A_38 = arith.constant 184 : i32
    %add3A_39 = arith.addi %mul3A_2, %add3A_38 : i32
    %dma_wait3A_40 = tpu.memref_slice %arg3[%add3A_39] : memref<329728xi32, #tpu.memory_space<hbm>> -> memref<184xi32, #tpu.memory_space<hbm>>
    %dma_wait3A_41 = tpu.memref_slice %arg3[%add3A_39] : memref<329728xi32, #tpu.memory_space<hbm>> -> memref<184xi32, #tpu.memory_space<hbm>>
    tpu.wait_dma2 semaphore(%arg19 : memref<!tpu.dma_semaphore, #tpu.memory_space<semaphore_mem>>) src(%dma_wait3A_41 : memref<184xi32, #tpu.memory_space<hbm>>) dst(%arg9 : memref<184xi32, #tpu.memory_space<vmem>>)
    %dma_wait3A_42 = tpu.memref_slice %arg4[%add3A_39] : memref<329728xi32, #tpu.memory_space<hbm>> -> memref<184xi32, #tpu.memory_space<hbm>>
    %dma_wait3A_43 = tpu.memref_slice %arg4[%add3A_39] : memref<329728xi32, #tpu.memory_space<hbm>> -> memref<184xi32, #tpu.memory_space<hbm>>
    tpu.wait_dma2 semaphore(%arg23 : memref<!tpu.dma_semaphore, #tpu.memory_space<semaphore_mem>>) src(%dma_wait3A_43 : memref<184xi32, #tpu.memory_space<hbm>>) dst(%arg13 : memref<184xi32, #tpu.memory_space<vmem>>)
    %add3A_44 = arith.constant 552 : i32
    %add3A_45 = arith.addi %mul3A_2, %add3A_44 : i32
    %dma_start3A_46 = tpu.memref_slice %arg3[%add3A_45] : memref<329728xi32, #tpu.memory_space<hbm>> -> memref<184xi32, #tpu.memory_space<hbm>>
    %dma_start3A_47 = tpu.memref_slice %arg3[%add3A_45] : memref<329728xi32, #tpu.memory_space<hbm>> -> memref<184xi32, #tpu.memory_space<hbm>>
    tpu.enqueue_dma source(%dma_start3A_47 : memref<184xi32, #tpu.memory_space<hbm>>) target(%arg11 : memref<184xi32, #tpu.memory_space<vmem>>) target_semaphore(%arg21 : memref<!tpu.dma_semaphore, #tpu.memory_space<semaphore_mem>>)
    %dma_start3A_48 = tpu.memref_slice %arg4[%add3A_45] : memref<329728xi32, #tpu.memory_space<hbm>> -> memref<184xi32, #tpu.memory_space<hbm>>
    %dma_start3A_49 = tpu.memref_slice %arg4[%add3A_45] : memref<329728xi32, #tpu.memory_space<hbm>> -> memref<184xi32, #tpu.memory_space<hbm>>
    tpu.enqueue_dma source(%dma_start3A_49 : memref<184xi32, #tpu.memory_space<hbm>>) target(%arg15 : memref<184xi32, #tpu.memory_space<vmem>>) target_semaphore(%arg25 : memref<!tpu.dma_semaphore, #tpu.memory_space<semaphore_mem>>)
    %dma_start3A_50 = arith.constant 0 : i32
    %dma_start3A_51 = arith.constant 0 : i32
    %dma_start3A_52 = tpu.memref_slice %arg2[%dma_start3A_50, %dma_start3A_51] : memref<10240x128xf32, #tpu.memory_space<hbm>> -> memref<10240x128xf32, #tpu.memory_space<hbm>>
    tpu.enqueue_indirect_dma source(%dma_start3A_52 : memref<10240x128xf32, #tpu.memory_space<hbm>>) target(%arg17 : memref<184x128xf32, #tpu.memory_space<vmem>>) offsets(%arg9 : memref<184xi32, #tpu.memory_space<vmem>>) semaphore(%arg27 : memref<!tpu.dma_semaphore, #tpu.memory_space<semaphore_mem>>)
    %dma_wait3A_53 = arith.constant 0 : i32
    %dma_wait3A_54 = arith.constant 0 : i32
    %dma_wait3A_55 = tpu.memref_slice %arg2[%dma_wait3A_53, %dma_wait3A_54] : memref<10240x128xf32, #tpu.memory_space<hbm>> -> memref<10240x128xf32, #tpu.memory_space<hbm>>
    tpu.wait_indirect_dma semaphore(%arg27 : memref<!tpu.dma_semaphore, #tpu.memory_space<semaphore_mem>>) src(%dma_wait3A_55 : memref<10240x128xf32, #tpu.memory_space<hbm>>) dst(%arg17 : memref<184x128xf32, #tpu.memory_space<vmem>>)
    %dma_start3A_56 = arith.constant 0 : i32
    %dma_start3A_57 = arith.constant 0 : i32
    %dma_start3A_58 = tpu.memref_slice %arg7[%dma_start3A_56, %dma_start3A_57] : memref<10240x128xf32, #tpu.memory_space<vmem_shared>> -> memref<10240x128xf32, #tpu.memory_space<vmem_shared>>
    tpu.enqueue_indirect_dma source(%arg17 : memref<184x128xf32, #tpu.memory_space<vmem>>) target(%dma_start3A_58 : memref<10240x128xf32, #tpu.memory_space<vmem_shared>>) offsets(%arg13 : memref<184xi32, #tpu.memory_space<vmem>>) semaphore(%arg29 : memref<!tpu.dma_semaphore, #tpu.memory_space<semaphore_mem>>) {add = true}
    %add3A_59 = arith.constant 368 : i32
    %add3A_60 = arith.addi %mul3A_2, %add3A_59 : i32
    %dma_wait3A_61 = tpu.memref_slice %arg3[%add3A_60] : memref<329728xi32, #tpu.memory_space<hbm>> -> memref<184xi32, #tpu.memory_space<hbm>>
    %dma_wait3A_62 = tpu.memref_slice %arg3[%add3A_60] : memref<329728xi32, #tpu.memory_space<hbm>> -> memref<184xi32, #tpu.memory_space<hbm>>
    tpu.wait_dma2 semaphore(%arg20 : memref<!tpu.dma_semaphore, #tpu.memory_space<semaphore_mem>>) src(%dma_wait3A_62 : memref<184xi32, #tpu.memory_space<hbm>>) dst(%arg10 : memref<184xi32, #tpu.memory_space<vmem>>)
    %dma_wait3A_63 = tpu.memref_slice %arg4[%add3A_60] : memref<329728xi32, #tpu.memory_space<hbm>> -> memref<184xi32, #tpu.memory_space<hbm>>
    %dma_wait3A_64 = tpu.memref_slice %arg4[%add3A_60] : memref<329728xi32, #tpu.memory_space<hbm>> -> memref<184xi32, #tpu.memory_space<hbm>>
    tpu.wait_dma2 semaphore(%arg24 : memref<!tpu.dma_semaphore, #tpu.memory_space<semaphore_mem>>) src(%dma_wait3A_64 : memref<184xi32, #tpu.memory_space<hbm>>) dst(%arg14 : memref<184xi32, #tpu.memory_space<vmem>>)
    %dma_wait3A_65 = arith.constant 0 : i32
    %dma_wait3A_66 = arith.constant 0 : i32
    %dma_wait3A_67 = tpu.memref_slice %arg7[%dma_wait3A_65, %dma_wait3A_66] : memref<10240x128xf32, #tpu.memory_space<vmem_shared>> -> memref<10240x128xf32, #tpu.memory_space<vmem_shared>>
    tpu.wait_indirect_dma semaphore(%arg28 : memref<!tpu.dma_semaphore, #tpu.memory_space<semaphore_mem>>) src(%arg16 : memref<184x128xf32, #tpu.memory_space<vmem>>) dst(%dma_wait3A_67 : memref<10240x128xf32, #tpu.memory_space<vmem_shared>>)
    %add3A_68 = arith.constant 736 : i32
    %add3A_69 = arith.addi %mul3A_2, %add3A_68 : i32
    %dma_start3A_70 = tpu.memref_slice %arg3[%add3A_69] : memref<329728xi32, #tpu.memory_space<hbm>> -> memref<184xi32, #tpu.memory_space<hbm>>
    %dma_start3A_71 = tpu.memref_slice %arg3[%add3A_69] : memref<329728xi32, #tpu.memory_space<hbm>> -> memref<184xi32, #tpu.memory_space<hbm>>
    tpu.enqueue_dma source(%dma_start3A_71 : memref<184xi32, #tpu.memory_space<hbm>>) target(%arg8 : memref<184xi32, #tpu.memory_space<vmem>>) target_semaphore(%arg18 : memref<!tpu.dma_semaphore, #tpu.memory_space<semaphore_mem>>)
    %dma_start3A_72 = tpu.memref_slice %arg4[%add3A_69] : memref<329728xi32, #tpu.memory_space<hbm>> -> memref<184xi32, #tpu.memory_space<hbm>>
    %dma_start3A_73 = tpu.memref_slice %arg4[%add3A_69] : memref<329728xi32, #tpu.memory_space<hbm>> -> memref<184xi32, #tpu.memory_space<hbm>>
    tpu.enqueue_dma source(%dma_start3A_73 : memref<184xi32, #tpu.memory_space<hbm>>) target(%arg12 : memref<184xi32, #tpu.memory_space<vmem>>) target_semaphore(%arg22 : memref<!tpu.dma_semaphore, #tpu.memory_space<semaphore_mem>>)
    %dma_start3A_74 = arith.constant 0 : i32
    %dma_start3A_75 = arith.constant 0 : i32
    %dma_start3A_76 = tpu.memref_slice %arg2[%dma_start3A_74, %dma_start3A_75] : memref<10240x128xf32, #tpu.memory_space<hbm>> -> memref<10240x128xf32, #tpu.memory_space<hbm>>
    tpu.enqueue_indirect_dma source(%dma_start3A_76 : memref<10240x128xf32, #tpu.memory_space<hbm>>) target(%arg16 : memref<184x128xf32, #tpu.memory_space<vmem>>) offsets(%arg10 : memref<184xi32, #tpu.memory_space<vmem>>) semaphore(%arg26 : memref<!tpu.dma_semaphore, #tpu.memory_space<semaphore_mem>>)
    %dma_wait3A_77 = arith.constant 0 : i32
    %dma_wait3A_78 = arith.constant 0 : i32
    %dma_wait3A_79 = tpu.memref_slice %arg2[%dma_wait3A_77, %dma_wait3A_78] : memref<10240x128xf32, #tpu.memory_space<hbm>> -> memref<10240x128xf32, #tpu.memory_space<hbm>>
    tpu.wait_indirect_dma semaphore(%arg26 : memref<!tpu.dma_semaphore, #tpu.memory_space<semaphore_mem>>) src(%dma_wait3A_79 : memref<10240x128xf32, #tpu.memory_space<hbm>>) dst(%arg16 : memref<184x128xf32, #tpu.memory_space<vmem>>)
    %dma_start3A_80 = arith.constant 0 : i32
    %dma_start3A_81 = arith.constant 0 : i32
    %dma_start3A_82 = tpu.memref_slice %arg7[%dma_start3A_80, %dma_start3A_81] : memref<10240x128xf32, #tpu.memory_space<vmem_shared>> -> memref<10240x128xf32, #tpu.memory_space<vmem_shared>>
    tpu.enqueue_indirect_dma source(%arg16 : memref<184x128xf32, #tpu.memory_space<vmem>>) target(%dma_start3A_82 : memref<10240x128xf32, #tpu.memory_space<vmem_shared>>) offsets(%arg14 : memref<184xi32, #tpu.memory_space<vmem>>) semaphore(%arg28 : memref<!tpu.dma_semaphore, #tpu.memory_space<semaphore_mem>>) {add = true}
    %add3A_83 = arith.constant 552 : i32
    %add3A_84 = arith.addi %mul3A_2, %add3A_83 : i32
    %dma_wait3A_85 = tpu.memref_slice %arg3[%add3A_84] : memref<329728xi32, #tpu.memory_space<hbm>> -> memref<184xi32, #tpu.memory_space<hbm>>
    %dma_wait3A_86 = tpu.memref_slice %arg3[%add3A_84] : memref<329728xi32, #tpu.memory_space<hbm>> -> memref<184xi32, #tpu.memory_space<hbm>>
    tpu.wait_dma2 semaphore(%arg21 : memref<!tpu.dma_semaphore, #tpu.memory_space<semaphore_mem>>) src(%dma_wait3A_86 : memref<184xi32, #tpu.memory_space<hbm>>) dst(%arg11 : memref<184xi32, #tpu.memory_space<vmem>>)
    %dma_wait3A_87 = tpu.memref_slice %arg4[%add3A_84] : memref<329728xi32, #tpu.memory_space<hbm>> -> memref<184xi32, #tpu.memory_space<hbm>>
    %dma_wait3A_88 = tpu.memref_slice %arg4[%add3A_84] : memref<329728xi32, #tpu.memory_space<hbm>> -> memref<184xi32, #tpu.memory_space<hbm>>
    tpu.wait_dma2 semaphore(%arg25 : memref<!tpu.dma_semaphore, #tpu.memory_space<semaphore_mem>>) src(%dma_wait3A_88 : memref<184xi32, #tpu.memory_space<hbm>>) dst(%arg15 : memref<184xi32, #tpu.memory_space<vmem>>)
    %dma_wait3A_89 = arith.constant 0 : i32
    %dma_wait3A_90 = arith.constant 0 : i32
    %dma_wait3A_91 = tpu.memref_slice %arg7[%dma_wait3A_89, %dma_wait3A_90] : memref<10240x128xf32, #tpu.memory_space<vmem_shared>> -> memref<10240x128xf32, #tpu.memory_space<vmem_shared>>
    tpu.wait_indirect_dma semaphore(%arg29 : memref<!tpu.dma_semaphore, #tpu.memory_space<semaphore_mem>>) src(%arg17 : memref<184x128xf32, #tpu.memory_space<vmem>>) dst(%dma_wait3A_91 : memref<10240x128xf32, #tpu.memory_space<vmem_shared>>)
    %add3A_92 = arith.constant 920 : i32
    %add3A_93 = arith.addi %mul3A_2, %add3A_92 : i32
    %dma_start3A_94 = tpu.memref_slice %arg3[%add3A_93] : memref<329728xi32, #tpu.memory_space<hbm>> -> memref<184xi32, #tpu.memory_space<hbm>>
    %dma_start3A_95 = tpu.memref_slice %arg3[%add3A_93] : memref<329728xi32, #tpu.memory_space<hbm>> -> memref<184xi32, #tpu.memory_space<hbm>>
    tpu.enqueue_dma source(%dma_start3A_95 : memref<184xi32, #tpu.memory_space<hbm>>) target(%arg9 : memref<184xi32, #tpu.memory_space<vmem>>) target_semaphore(%arg19 : memref<!tpu.dma_semaphore, #tpu.memory_space<semaphore_mem>>)
    %dma_start3A_96 = tpu.memref_slice %arg4[%add3A_93] : memref<329728xi32, #tpu.memory_space<hbm>> -> memref<184xi32, #tpu.memory_space<hbm>>
    %dma_start3A_97 = tpu.memref_slice %arg4[%add3A_93] : memref<329728xi32, #tpu.memory_space<hbm>> -> memref<184xi32, #tpu.memory_space<hbm>>
    tpu.enqueue_dma source(%dma_start3A_97 : memref<184xi32, #tpu.memory_space<hbm>>) target(%arg13 : memref<184xi32, #tpu.memory_space<vmem>>) target_semaphore(%arg23 : memref<!tpu.dma_semaphore, #tpu.memory_space<semaphore_mem>>)
    %dma_start3A_98 = arith.constant 0 : i32
    %dma_start3A_99 = arith.constant 0 : i32
    %dma_start3A_100 = tpu.memref_slice %arg2[%dma_start3A_98, %dma_start3A_99] : memref<10240x128xf32, #tpu.memory_space<hbm>> -> memref<10240x128xf32, #tpu.memory_space<hbm>>
    tpu.enqueue_indirect_dma source(%dma_start3A_100 : memref<10240x128xf32, #tpu.memory_space<hbm>>) target(%arg17 : memref<184x128xf32, #tpu.memory_space<vmem>>) offsets(%arg11 : memref<184xi32, #tpu.memory_space<vmem>>) semaphore(%arg27 : memref<!tpu.dma_semaphore, #tpu.memory_space<semaphore_mem>>)
    %dma_wait3A_101 = arith.constant 0 : i32
    %dma_wait3A_102 = arith.constant 0 : i32
    %dma_wait3A_103 = tpu.memref_slice %arg2[%dma_wait3A_101, %dma_wait3A_102] : memref<10240x128xf32, #tpu.memory_space<hbm>> -> memref<10240x128xf32, #tpu.memory_space<hbm>>
    tpu.wait_indirect_dma semaphore(%arg27 : memref<!tpu.dma_semaphore, #tpu.memory_space<semaphore_mem>>) src(%dma_wait3A_103 : memref<10240x128xf32, #tpu.memory_space<hbm>>) dst(%arg17 : memref<184x128xf32, #tpu.memory_space<vmem>>)
    %dma_start3A_104 = arith.constant 0 : i32
    %dma_start3A_105 = arith.constant 0 : i32
    %dma_start3A_106 = tpu.memref_slice %arg7[%dma_start3A_104, %dma_start3A_105] : memref<10240x128xf32, #tpu.memory_space<vmem_shared>> -> memref<10240x128xf32, #tpu.memory_space<vmem_shared>>
    tpu.enqueue_indirect_dma source(%arg17 : memref<184x128xf32, #tpu.memory_space<vmem>>) target(%dma_start3A_106 : memref<10240x128xf32, #tpu.memory_space<vmem_shared>>) offsets(%arg15 : memref<184xi32, #tpu.memory_space<vmem>>) semaphore(%arg29 : memref<!tpu.dma_semaphore, #tpu.memory_space<semaphore_mem>>) {add = true}
    %scan3A = arith.constant 0 : i32
    %scan3A_107 = arith.constant 1 : i32
    %scan3A_108 = arith.constant 13 : i32
    %scan3A_109 = arith.addi %scan3A_107, %scan3A_108 : i32
    %scan3A_110 = arith.constant 1 : i32
    scf.for %scan3A_123 = %scan3A_107 to %scan3A_109 step %scan3A_110  : i32 {
      %mul3A_124 = arith.constant 4 : i32
      %mul3A_125 = arith.muli %mul3A_124, %scan3A_123 : i32
      %mul3A_126 = arith.constant 184 : i32
      %mul3A_127 = arith.muli %mul3A_125, %mul3A_126 : i32
      %add3A_128 = arith.addi %mul3A_2, %mul3A_127 : i32
      %dma_wait3A_129 = tpu.memref_slice %arg3[%add3A_128] : memref<329728xi32, #tpu.memory_space<hbm>> -> memref<184xi32, #tpu.memory_space<hbm>>
      %dma_wait3A_130 = tpu.memref_slice %arg3[%add3A_128] : memref<329728xi32, #tpu.memory_space<hbm>> -> memref<184xi32, #tpu.memory_space<hbm>>
      tpu.wait_dma2 semaphore(%arg18 : memref<!tpu.dma_semaphore, #tpu.memory_space<semaphore_mem>>) src(%dma_wait3A_130 : memref<184xi32, #tpu.memory_space<hbm>>) dst(%arg8 : memref<184xi32, #tpu.memory_space<vmem>>)
      %dma_wait3A_131 = tpu.memref_slice %arg4[%add3A_128] : memref<329728xi32, #tpu.memory_space<hbm>> -> memref<184xi32, #tpu.memory_space<hbm>>
      %dma_wait3A_132 = tpu.memref_slice %arg4[%add3A_128] : memref<329728xi32, #tpu.memory_space<hbm>> -> memref<184xi32, #tpu.memory_space<hbm>>
      tpu.wait_dma2 semaphore(%arg22 : memref<!tpu.dma_semaphore, #tpu.memory_space<semaphore_mem>>) src(%dma_wait3A_132 : memref<184xi32, #tpu.memory_space<hbm>>) dst(%arg12 : memref<184xi32, #tpu.memory_space<vmem>>)
      %dma_wait3A_133 = arith.constant 0 : i32
      %dma_wait3A_134 = arith.constant 0 : i32
      %dma_wait3A_135 = tpu.memref_slice %arg7[%dma_wait3A_133, %dma_wait3A_134] : memref<10240x128xf32, #tpu.memory_space<vmem_shared>> -> memref<10240x128xf32, #tpu.memory_space<vmem_shared>>
      tpu.wait_indirect_dma semaphore(%arg28 : memref<!tpu.dma_semaphore, #tpu.memory_space<semaphore_mem>>) src(%arg16 : memref<184x128xf32, #tpu.memory_space<vmem>>) dst(%dma_wait3A_135 : memref<10240x128xf32, #tpu.memory_space<vmem_shared>>)
      %add3A_136 = arith.constant 2 : i32
      %add3A_137 = arith.addi %mul3A_125, %add3A_136 : i32
      %lt3A = arith.constant 56 : i32
      %lt3A_138 = arith.cmpi slt, %add3A_137, %lt3A : i32
      %convert_element_type3A = arith.extui %lt3A_138 : i1 to i32
      %cond3A = arith.constant 0 : i32
      %cond3A_139 = arith.cmpi ne, %convert_element_type3A, %cond3A : i32
      scf.if %cond3A_139 {
        %add3A_233 = arith.constant 2 : i32
        %add3A_234 = arith.addi %mul3A_125, %add3A_233 : i32
        %mul3A_235 = arith.constant 184 : i32
        %mul3A_236 = arith.muli %add3A_234, %mul3A_235 : i32
        %add3A_237 = arith.addi %mul3A_2, %mul3A_236 : i32
        %dma_start3A_238 = tpu.memref_slice %arg3[%add3A_237] : memref<329728xi32, #tpu.memory_space<hbm>> -> memref<184xi32, #tpu.memory_space<hbm>>
        %dma_start3A_239 = tpu.memref_slice %arg3[%add3A_237] : memref<329728xi32, #tpu.memory_space<hbm>> -> memref<184xi32, #tpu.memory_space<hbm>>
        tpu.enqueue_dma source(%dma_start3A_239 : memref<184xi32, #tpu.memory_space<hbm>>) target(%arg10 : memref<184xi32, #tpu.memory_space<vmem>>) target_semaphore(%arg20 : memref<!tpu.dma_semaphore, #tpu.memory_space<semaphore_mem>>)
        %dma_start3A_240 = tpu.memref_slice %arg4[%add3A_237] : memref<329728xi32, #tpu.memory_space<hbm>> -> memref<184xi32, #tpu.memory_space<hbm>>
        %dma_start3A_241 = tpu.memref_slice %arg4[%add3A_237] : memref<329728xi32, #tpu.memory_space<hbm>> -> memref<184xi32, #tpu.memory_space<hbm>>
        tpu.enqueue_dma source(%dma_start3A_241 : memref<184xi32, #tpu.memory_space<hbm>>) target(%arg14 : memref<184xi32, #tpu.memory_space<vmem>>) target_semaphore(%arg24 : memref<!tpu.dma_semaphore, #tpu.memory_space<semaphore_mem>>)
      } else {
      }
      %dma_start3A_140 = arith.constant 0 : i32
      %dma_start3A_141 = arith.constant 0 : i32
      %dma_start3A_142 = tpu.memref_slice %arg2[%dma_start3A_140, %dma_start3A_141] : memref<10240x128xf32, #tpu.memory_space<hbm>> -> memref<10240x128xf32, #tpu.memory_space<hbm>>
      tpu.enqueue_indirect_dma source(%dma_start3A_142 : memref<10240x128xf32, #tpu.memory_space<hbm>>) target(%arg16 : memref<184x128xf32, #tpu.memory_space<vmem>>) offsets(%arg8 : memref<184xi32, #tpu.memory_space<vmem>>) semaphore(%arg26 : memref<!tpu.dma_semaphore, #tpu.memory_space<semaphore_mem>>)
      %dma_wait3A_143 = arith.constant 0 : i32
      %dma_wait3A_144 = arith.constant 0 : i32
      %dma_wait3A_145 = tpu.memref_slice %arg2[%dma_wait3A_143, %dma_wait3A_144] : memref<10240x128xf32, #tpu.memory_space<hbm>> -> memref<10240x128xf32, #tpu.memory_space<hbm>>
      tpu.wait_indirect_dma semaphore(%arg26 : memref<!tpu.dma_semaphore, #tpu.memory_space<semaphore_mem>>) src(%dma_wait3A_145 : memref<10240x128xf32, #tpu.memory_space<hbm>>) dst(%arg16 : memref<184x128xf32, #tpu.memory_space<vmem>>)
      %dma_start3A_146 = arith.constant 0 : i32
      %dma_start3A_147 = arith.constant 0 : i32
      %dma_start3A_148 = tpu.memref_slice %arg7[%dma_start3A_146, %dma_start3A_147] : memref<10240x128xf32, #tpu.memory_space<vmem_shared>> -> memref<10240x128xf32, #tpu.memory_space<vmem_shared>>
      tpu.enqueue_indirect_dma source(%arg16 : memref<184x128xf32, #tpu.memory_space<vmem>>) target(%dma_start3A_148 : memref<10240x128xf32, #tpu.memory_space<vmem_shared>>) offsets(%arg12 : memref<184xi32, #tpu.memory_space<vmem>>) semaphore(%arg28 : memref<!tpu.dma_semaphore, #tpu.memory_space<semaphore_mem>>) {add = true}
      %add3A_149 = arith.constant 1 : i32
      %add3A_150 = arith.addi %mul3A_125, %add3A_149 : i32
      %mul3A_151 = arith.constant 184 : i32
      %mul3A_152 = arith.muli %add3A_150, %mul3A_151 : i32
      %add3A_153 = arith.addi %mul3A_2, %mul3A_152 : i32
      %dma_wait3A_154 = tpu.memref_slice %arg3[%add3A_153] : memref<329728xi32, #tpu.memory_space<hbm>> -> memref<184xi32, #tpu.memory_space<hbm>>
      %dma_wait3A_155 = tpu.memref_slice %arg3[%add3A_153] : memref<329728xi32, #tpu.memory_space<hbm>> -> memref<184xi32, #tpu.memory_space<hbm>>
      tpu.wait_dma2 semaphore(%arg19 : memref<!tpu.dma_semaphore, #tpu.memory_space<semaphore_mem>>) src(%dma_wait3A_155 : memref<184xi32, #tpu.memory_space<hbm>>) dst(%arg9 : memref<184xi32, #tpu.memory_space<vmem>>)
      %dma_wait3A_156 = tpu.memref_slice %arg4[%add3A_153] : memref<329728xi32, #tpu.memory_space<hbm>> -> memref<184xi32, #tpu.memory_space<hbm>>
      %dma_wait3A_157 = tpu.memref_slice %arg4[%add3A_153] : memref<329728xi32, #tpu.memory_space<hbm>> -> memref<184xi32, #tpu.memory_space<hbm>>
      tpu.wait_dma2 semaphore(%arg23 : memref<!tpu.dma_semaphore, #tpu.memory_space<semaphore_mem>>) src(%dma_wait3A_157 : memref<184xi32, #tpu.memory_space<hbm>>) dst(%arg13 : memref<184xi32, #tpu.memory_space<vmem>>)
      %dma_wait3A_158 = arith.constant 0 : i32
      %dma_wait3A_159 = arith.constant 0 : i32
      %dma_wait3A_160 = tpu.memref_slice %arg7[%dma_wait3A_158, %dma_wait3A_159] : memref<10240x128xf32, #tpu.memory_space<vmem_shared>> -> memref<10240x128xf32, #tpu.memory_space<vmem_shared>>
      tpu.wait_indirect_dma semaphore(%arg29 : memref<!tpu.dma_semaphore, #tpu.memory_space<semaphore_mem>>) src(%arg17 : memref<184x128xf32, #tpu.memory_space<vmem>>) dst(%dma_wait3A_160 : memref<10240x128xf32, #tpu.memory_space<vmem_shared>>)
      %add3A_161 = arith.constant 2 : i32
      %add3A_162 = arith.addi %add3A_150, %add3A_161 : i32
      %lt3A_163 = arith.constant 56 : i32
      %lt3A_164 = arith.cmpi slt, %add3A_162, %lt3A_163 : i32
      %convert_element_type3A_165 = arith.extui %lt3A_164 : i1 to i32
      %cond3A_166 = arith.constant 0 : i32
      %cond3A_167 = arith.cmpi ne, %convert_element_type3A_165, %cond3A_166 : i32
      scf.if %cond3A_167 {
        %add3A_233 = arith.constant 2 : i32
        %add3A_234 = arith.addi %add3A_150, %add3A_233 : i32
        %mul3A_235 = arith.constant 184 : i32
        %mul3A_236 = arith.muli %add3A_234, %mul3A_235 : i32
        %add3A_237 = arith.addi %mul3A_2, %mul3A_236 : i32
        %dma_start3A_238 = tpu.memref_slice %arg3[%add3A_237] : memref<329728xi32, #tpu.memory_space<hbm>> -> memref<184xi32, #tpu.memory_space<hbm>>
        %dma_start3A_239 = tpu.memref_slice %arg3[%add3A_237] : memref<329728xi32, #tpu.memory_space<hbm>> -> memref<184xi32, #tpu.memory_space<hbm>>
        tpu.enqueue_dma source(%dma_start3A_239 : memref<184xi32, #tpu.memory_space<hbm>>) target(%arg11 : memref<184xi32, #tpu.memory_space<vmem>>) target_semaphore(%arg21 : memref<!tpu.dma_semaphore, #tpu.memory_space<semaphore_mem>>)
        %dma_start3A_240 = tpu.memref_slice %arg4[%add3A_237] : memref<329728xi32, #tpu.memory_space<hbm>> -> memref<184xi32, #tpu.memory_space<hbm>>
        %dma_start3A_241 = tpu.memref_slice %arg4[%add3A_237] : memref<329728xi32, #tpu.memory_space<hbm>> -> memref<184xi32, #tpu.memory_space<hbm>>
        tpu.enqueue_dma source(%dma_start3A_241 : memref<184xi32, #tpu.memory_space<hbm>>) target(%arg15 : memref<184xi32, #tpu.memory_space<vmem>>) target_semaphore(%arg25 : memref<!tpu.dma_semaphore, #tpu.memory_space<semaphore_mem>>)
      } else {
      }
      %dma_start3A_168 = arith.constant 0 : i32
      %dma_start3A_169 = arith.constant 0 : i32
      %dma_start3A_170 = tpu.memref_slice %arg2[%dma_start3A_168, %dma_start3A_169] : memref<10240x128xf32, #tpu.memory_space<hbm>> -> memref<10240x128xf32, #tpu.memory_space<hbm>>
      tpu.enqueue_indirect_dma source(%dma_start3A_170 : memref<10240x128xf32, #tpu.memory_space<hbm>>) target(%arg17 : memref<184x128xf32, #tpu.memory_space<vmem>>) offsets(%arg9 : memref<184xi32, #tpu.memory_space<vmem>>) semaphore(%arg27 : memref<!tpu.dma_semaphore, #tpu.memory_space<semaphore_mem>>)
      %dma_wait3A_171 = arith.constant 0 : i32
      %dma_wait3A_172 = arith.constant 0 : i32
      %dma_wait3A_173 = tpu.memref_slice %arg2[%dma_wait3A_171, %dma_wait3A_172] : memref<10240x128xf32, #tpu.memory_space<hbm>> -> memref<10240x128xf32, #tpu.memory_space<hbm>>
      tpu.wait_indirect_dma semaphore(%arg27 : memref<!tpu.dma_semaphore, #tpu.memory_space<semaphore_mem>>) src(%dma_wait3A_173 : memref<10240x128xf32, #tpu.memory_space<hbm>>) dst(%arg17 : memref<184x128xf32, #tpu.memory_space<vmem>>)
      %dma_start3A_174 = arith.constant 0 : i32
      %dma_start3A_175 = arith.constant 0 : i32
      %dma_start3A_176 = tpu.memref_slice %arg7[%dma_start3A_174, %dma_start3A_175] : memref<10240x128xf32, #tpu.memory_space<vmem_shared>> -> memref<10240x128xf32, #tpu.memory_space<vmem_shared>>
      tpu.enqueue_indirect_dma source(%arg17 : memref<184x128xf32, #tpu.memory_space<vmem>>) target(%dma_start3A_176 : memref<10240x128xf32, #tpu.memory_space<vmem_shared>>) offsets(%arg13 : memref<184xi32, #tpu.memory_space<vmem>>) semaphore(%arg29 : memref<!tpu.dma_semaphore, #tpu.memory_space<semaphore_mem>>) {add = true}
      %add3A_177 = arith.constant 2 : i32
      %add3A_178 = arith.addi %mul3A_125, %add3A_177 : i32
      %mul3A_179 = arith.constant 184 : i32
      %mul3A_180 = arith.muli %add3A_178, %mul3A_179 : i32
      %add3A_181 = arith.addi %mul3A_2, %mul3A_180 : i32
      %dma_wait3A_182 = tpu.memref_slice %arg3[%add3A_181] : memref<329728xi32, #tpu.memory_space<hbm>> -> memref<184xi32, #tpu.memory_space<hbm>>
      %dma_wait3A_183 = tpu.memref_slice %arg3[%add3A_181] : memref<329728xi32, #tpu.memory_space<hbm>> -> memref<184xi32, #tpu.memory_space<hbm>>
      tpu.wait_dma2 semaphore(%arg20 : memref<!tpu.dma_semaphore, #tpu.memory_space<semaphore_mem>>) src(%dma_wait3A_183 : memref<184xi32, #tpu.memory_space<hbm>>) dst(%arg10 : memref<184xi32, #tpu.memory_space<vmem>>)
      %dma_wait3A_184 = tpu.memref_slice %arg4[%add3A_181] : memref<329728xi32, #tpu.memory_space<hbm>> -> memref<184xi32, #tpu.memory_space<hbm>>
      %dma_wait3A_185 = tpu.memref_slice %arg4[%add3A_181] : memref<329728xi32, #tpu.memory_space<hbm>> -> memref<184xi32, #tpu.memory_space<hbm>>
      tpu.wait_dma2 semaphore(%arg24 : memref<!tpu.dma_semaphore, #tpu.memory_space<semaphore_mem>>) src(%dma_wait3A_185 : memref<184xi32, #tpu.memory_space<hbm>>) dst(%arg14 : memref<184xi32, #tpu.memory_space<vmem>>)
      %dma_wait3A_186 = arith.constant 0 : i32
      %dma_wait3A_187 = arith.constant 0 : i32
      %dma_wait3A_188 = tpu.memref_slice %arg7[%dma_wait3A_186, %dma_wait3A_187] : memref<10240x128xf32, #tpu.memory_space<vmem_shared>> -> memref<10240x128xf32, #tpu.memory_space<vmem_shared>>
      tpu.wait_indirect_dma semaphore(%arg28 : memref<!tpu.dma_semaphore, #tpu.memory_space<semaphore_mem>>) src(%arg16 : memref<184x128xf32, #tpu.memory_space<vmem>>) dst(%dma_wait3A_188 : memref<10240x128xf32, #tpu.memory_space<vmem_shared>>)
      %add3A_189 = arith.constant 2 : i32
      %add3A_190 = arith.addi %add3A_178, %add3A_189 : i32
      %lt3A_191 = arith.constant 56 : i32
      %lt3A_192 = arith.cmpi slt, %add3A_190, %lt3A_191 : i32
      %convert_element_type3A_193 = arith.extui %lt3A_192 : i1 to i32
      %cond3A_194 = arith.constant 0 : i32
      %cond3A_195 = arith.cmpi ne, %convert_element_type3A_193, %cond3A_194 : i32
      scf.if %cond3A_195 {
        %add3A_233 = arith.constant 2 : i32
        %add3A_234 = arith.addi %add3A_178, %add3A_233 : i32
        %mul3A_235 = arith.constant 184 : i32
        %mul3A_236 = arith.muli %add3A_234, %mul3A_235 : i32
        %add3A_237 = arith.addi %mul3A_2, %mul3A_236 : i32
        %dma_start3A_238 = tpu.memref_slice %arg3[%add3A_237] : memref<329728xi32, #tpu.memory_space<hbm>> -> memref<184xi32, #tpu.memory_space<hbm>>
        %dma_start3A_239 = tpu.memref_slice %arg3[%add3A_237] : memref<329728xi32, #tpu.memory_space<hbm>> -> memref<184xi32, #tpu.memory_space<hbm>>
        tpu.enqueue_dma source(%dma_start3A_239 : memref<184xi32, #tpu.memory_space<hbm>>) target(%arg8 : memref<184xi32, #tpu.memory_space<vmem>>) target_semaphore(%arg18 : memref<!tpu.dma_semaphore, #tpu.memory_space<semaphore_mem>>)
        %dma_start3A_240 = tpu.memref_slice %arg4[%add3A_237] : memref<329728xi32, #tpu.memory_space<hbm>> -> memref<184xi32, #tpu.memory_space<hbm>>
        %dma_start3A_241 = tpu.memref_slice %arg4[%add3A_237] : memref<329728xi32, #tpu.memory_space<hbm>> -> memref<184xi32, #tpu.memory_space<hbm>>
        tpu.enqueue_dma source(%dma_start3A_241 : memref<184xi32, #tpu.memory_space<hbm>>) target(%arg12 : memref<184xi32, #tpu.memory_space<vmem>>) target_semaphore(%arg22 : memref<!tpu.dma_semaphore, #tpu.memory_space<semaphore_mem>>)
      } else {
      }
      %dma_start3A_196 = arith.constant 0 : i32
      %dma_start3A_197 = arith.constant 0 : i32
      %dma_start3A_198 = tpu.memref_slice %arg2[%dma_start3A_196, %dma_start3A_197] : memref<10240x128xf32, #tpu.memory_space<hbm>> -> memref<10240x128xf32, #tpu.memory_space<hbm>>
      tpu.enqueue_indirect_dma source(%dma_start3A_198 : memref<10240x128xf32, #tpu.memory_space<hbm>>) target(%arg16 : memref<184x128xf32, #tpu.memory_space<vmem>>) offsets(%arg10 : memref<184xi32, #tpu.memory_space<vmem>>) semaphore(%arg26 : memref<!tpu.dma_semaphore, #tpu.memory_space<semaphore_mem>>)
      %dma_wait3A_199 = arith.constant 0 : i32
      %dma_wait3A_200 = arith.constant 0 : i32
      %dma_wait3A_201 = tpu.memref_slice %arg2[%dma_wait3A_199, %dma_wait3A_200] : memref<10240x128xf32, #tpu.memory_space<hbm>> -> memref<10240x128xf32, #tpu.memory_space<hbm>>
      tpu.wait_indirect_dma semaphore(%arg26 : memref<!tpu.dma_semaphore, #tpu.memory_space<semaphore_mem>>) src(%dma_wait3A_201 : memref<10240x128xf32, #tpu.memory_space<hbm>>) dst(%arg16 : memref<184x128xf32, #tpu.memory_space<vmem>>)
      %dma_start3A_202 = arith.constant 0 : i32
      %dma_start3A_203 = arith.constant 0 : i32
      %dma_start3A_204 = tpu.memref_slice %arg7[%dma_start3A_202, %dma_start3A_203] : memref<10240x128xf32, #tpu.memory_space<vmem_shared>> -> memref<10240x128xf32, #tpu.memory_space<vmem_shared>>
      tpu.enqueue_indirect_dma source(%arg16 : memref<184x128xf32, #tpu.memory_space<vmem>>) target(%dma_start3A_204 : memref<10240x128xf32, #tpu.memory_space<vmem_shared>>) offsets(%arg14 : memref<184xi32, #tpu.memory_space<vmem>>) semaphore(%arg28 : memref<!tpu.dma_semaphore, #tpu.memory_space<semaphore_mem>>) {add = true}
      %add3A_205 = arith.constant 3 : i32
      %add3A_206 = arith.addi %mul3A_125, %add3A_205 : i32
      %mul3A_207 = arith.constant 184 : i32
      %mul3A_208 = arith.muli %add3A_206, %mul3A_207 : i32
      %add3A_209 = arith.addi %mul3A_2, %mul3A_208 : i32
      %dma_wait3A_210 = tpu.memref_slice %arg3[%add3A_209] : memref<329728xi32, #tpu.memory_space<hbm>> -> memref<184xi32, #tpu.memory_space<hbm>>
      %dma_wait3A_211 = tpu.memref_slice %arg3[%add3A_209] : memref<329728xi32, #tpu.memory_space<hbm>> -> memref<184xi32, #tpu.memory_space<hbm>>
      tpu.wait_dma2 semaphore(%arg21 : memref<!tpu.dma_semaphore, #tpu.memory_space<semaphore_mem>>) src(%dma_wait3A_211 : memref<184xi32, #tpu.memory_space<hbm>>) dst(%arg11 : memref<184xi32, #tpu.memory_space<vmem>>)
      %dma_wait3A_212 = tpu.memref_slice %arg4[%add3A_209] : memref<329728xi32, #tpu.memory_space<hbm>> -> memref<184xi32, #tpu.memory_space<hbm>>
      %dma_wait3A_213 = tpu.memref_slice %arg4[%add3A_209] : memref<329728xi32, #tpu.memory_space<hbm>> -> memref<184xi32, #tpu.memory_space<hbm>>
      tpu.wait_dma2 semaphore(%arg25 : memref<!tpu.dma_semaphore, #tpu.memory_space<semaphore_mem>>) src(%dma_wait3A_213 : memref<184xi32, #tpu.memory_space<hbm>>) dst(%arg15 : memref<184xi32, #tpu.memory_space<vmem>>)
      %dma_wait3A_214 = arith.constant 0 : i32
      %dma_wait3A_215 = arith.constant 0 : i32
      %dma_wait3A_216 = tpu.memref_slice %arg7[%dma_wait3A_214, %dma_wait3A_215] : memref<10240x128xf32, #tpu.memory_space<vmem_shared>> -> memref<10240x128xf32, #tpu.memory_space<vmem_shared>>
      tpu.wait_indirect_dma semaphore(%arg29 : memref<!tpu.dma_semaphore, #tpu.memory_space<semaphore_mem>>) src(%arg17 : memref<184x128xf32, #tpu.memory_space<vmem>>) dst(%dma_wait3A_216 : memref<10240x128xf32, #tpu.memory_space<vmem_shared>>)
      %add3A_217 = arith.constant 2 : i32
      %add3A_218 = arith.addi %add3A_206, %add3A_217 : i32
      %lt3A_219 = arith.constant 56 : i32
      %lt3A_220 = arith.cmpi slt, %add3A_218, %lt3A_219 : i32
      %convert_element_type3A_221 = arith.extui %lt3A_220 : i1 to i32
      %cond3A_222 = arith.constant 0 : i32
      %cond3A_223 = arith.cmpi ne, %convert_element_type3A_221, %cond3A_222 : i32
      scf.if %cond3A_223 {
        %add3A_233 = arith.constant 2 : i32
        %add3A_234 = arith.addi %add3A_206, %add3A_233 : i32
        %mul3A_235 = arith.constant 184 : i32
        %mul3A_236 = arith.muli %add3A_234, %mul3A_235 : i32
        %add3A_237 = arith.addi %mul3A_2, %mul3A_236 : i32
        %dma_start3A_238 = tpu.memref_slice %arg3[%add3A_237] : memref<329728xi32, #tpu.memory_space<hbm>> -> memref<184xi32, #tpu.memory_space<hbm>>
        %dma_start3A_239 = tpu.memref_slice %arg3[%add3A_237] : memref<329728xi32, #tpu.memory_space<hbm>> -> memref<184xi32, #tpu.memory_space<hbm>>
        tpu.enqueue_dma source(%dma_start3A_239 : memref<184xi32, #tpu.memory_space<hbm>>) target(%arg9 : memref<184xi32, #tpu.memory_space<vmem>>) target_semaphore(%arg19 : memref<!tpu.dma_semaphore, #tpu.memory_space<semaphore_mem>>)
        %dma_start3A_240 = tpu.memref_slice %arg4[%add3A_237] : memref<329728xi32, #tpu.memory_space<hbm>> -> memref<184xi32, #tpu.memory_space<hbm>>
        %dma_start3A_241 = tpu.memref_slice %arg4[%add3A_237] : memref<329728xi32, #tpu.memory_space<hbm>> -> memref<184xi32, #tpu.memory_space<hbm>>
        tpu.enqueue_dma source(%dma_start3A_241 : memref<184xi32, #tpu.memory_space<hbm>>) target(%arg13 : memref<184xi32, #tpu.memory_space<vmem>>) target_semaphore(%arg23 : memref<!tpu.dma_semaphore, #tpu.memory_space<semaphore_mem>>)
      } else {
      }
      %dma_start3A_224 = arith.constant 0 : i32
      %dma_start3A_225 = arith.constant 0 : i32
      %dma_start3A_226 = tpu.memref_slice %arg2[%dma_start3A_224, %dma_start3A_225] : memref<10240x128xf32, #tpu.memory_space<hbm>> -> memref<10240x128xf32, #tpu.memory_space<hbm>>
      tpu.enqueue_indirect_dma source(%dma_start3A_226 : memref<10240x128xf32, #tpu.memory_space<hbm>>) target(%arg17 : memref<184x128xf32, #tpu.memory_space<vmem>>) offsets(%arg11 : memref<184xi32, #tpu.memory_space<vmem>>) semaphore(%arg27 : memref<!tpu.dma_semaphore, #tpu.memory_space<semaphore_mem>>)
      %dma_wait3A_227 = arith.constant 0 : i32
      %dma_wait3A_228 = arith.constant 0 : i32
      %dma_wait3A_229 = tpu.memref_slice %arg2[%dma_wait3A_227, %dma_wait3A_228] : memref<10240x128xf32, #tpu.memory_space<hbm>> -> memref<10240x128xf32, #tpu.memory_space<hbm>>
      tpu.wait_indirect_dma semaphore(%arg27 : memref<!tpu.dma_semaphore, #tpu.memory_space<semaphore_mem>>) src(%dma_wait3A_229 : memref<10240x128xf32, #tpu.memory_space<hbm>>) dst(%arg17 : memref<184x128xf32, #tpu.memory_space<vmem>>)
      %dma_start3A_230 = arith.constant 0 : i32
      %dma_start3A_231 = arith.constant 0 : i32
      %dma_start3A_232 = tpu.memref_slice %arg7[%dma_start3A_230, %dma_start3A_231] : memref<10240x128xf32, #tpu.memory_space<vmem_shared>> -> memref<10240x128xf32, #tpu.memory_space<vmem_shared>>
      tpu.enqueue_indirect_dma source(%arg17 : memref<184x128xf32, #tpu.memory_space<vmem>>) target(%dma_start3A_232 : memref<10240x128xf32, #tpu.memory_space<vmem_shared>>) offsets(%arg15 : memref<184xi32, #tpu.memory_space<vmem>>) semaphore(%arg29 : memref<!tpu.dma_semaphore, #tpu.memory_space<semaphore_mem>>) {add = true}
    }
    %scan3A_111 = arith.constant 13 : i32
    %dma_wait3A_112 = arith.constant 0 : i32
    %dma_wait3A_113 = arith.constant 0 : i32
    %dma_wait3A_114 = tpu.memref_slice %arg7[%dma_wait3A_112, %dma_wait3A_113] : memref<10240x128xf32, #tpu.memory_space<vmem_shared>> -> memref<10240x128xf32, #tpu.memory_space<vmem_shared>>
    tpu.wait_indirect_dma semaphore(%arg28 : memref<!tpu.dma_semaphore, #tpu.memory_space<semaphore_mem>>) src(%arg16 : memref<184x128xf32, #tpu.memory_space<vmem>>) dst(%dma_wait3A_114 : memref<10240x128xf32, #tpu.memory_space<vmem_shared>>)
    %dma_wait3A_115 = arith.constant 0 : i32
    %dma_wait3A_116 = arith.constant 0 : i32
    %dma_wait3A_117 = tpu.memref_slice %arg7[%dma_wait3A_115, %dma_wait3A_116] : memref<10240x128xf32, #tpu.memory_space<vmem_shared>> -> memref<10240x128xf32, #tpu.memory_space<vmem_shared>>
    tpu.wait_indirect_dma semaphore(%arg29 : memref<!tpu.dma_semaphore, #tpu.memory_space<semaphore_mem>>) src(%arg17 : memref<184x128xf32, #tpu.memory_space<vmem>>) dst(%dma_wait3A_117 : memref<10240x128xf32, #tpu.memory_space<vmem_shared>>)
    %barrier3A_118 = arith.constant 0 : index
    tpu.barrier barrier_id(%barrier3A_118)
    %mul3A_119 = arith.constant 640 : i32
    %mul3A_120 = arith.muli %arg1, %mul3A_119 : i32
    %mul3A_121 = arith.constant 640 : i32
    %mul3A_122 = arith.muli %arg1, %mul3A_121 : i32
    "tpu.region"() ({
      %run_scoped3A = tpu.sem_alloc : memref<!tpu.dma_semaphore, #tpu.memory_space<semaphore_mem>>
      %dma_start3A_123 = arith.constant 0 : i32
      %dma_start3A_124 = tpu.memref_slice %arg6[%arg0, %mul3A_122, %dma_start3A_123] : memref<2x10240x128xf32, #tpu.memory_space<hbm>> -> memref<1x640x128xf32, #tpu.memory_space<hbm>>
      %dma_start3A_125 = tpu.memref_squeeze %dma_start3A_124 : memref<1x640x128xf32, #tpu.memory_space<hbm>> -> memref<640x128xf32, #tpu.memory_space<hbm>>
      %dma_start3A_126 = arith.constant 0 : i32
      %dma_start3A_127 = tpu.memref_slice %arg7[%mul3A_120, %dma_start3A_126] : memref<10240x128xf32, #tpu.memory_space<vmem_shared>> -> memref<640x128xf32, #tpu.memory_space<vmem_shared>>
      tpu.enqueue_dma source(%dma_start3A_127 : memref<640x128xf32, #tpu.memory_space<vmem_shared>>) target(%dma_start3A_125 : memref<640x128xf32, #tpu.memory_space<hbm>>) target_semaphore(%run_scoped3A : memref<!tpu.dma_semaphore, #tpu.memory_space<semaphore_mem>>)
      %dma_wait3A_128 = arith.constant 0 : i32
      %dma_wait3A_129 = tpu.memref_slice %arg6[%arg0, %mul3A_122, %dma_wait3A_128] : memref<2x10240x128xf32, #tpu.memory_space<hbm>> -> memref<1x640x128xf32, #tpu.memory_space<hbm>>
      %dma_wait3A_130 = tpu.memref_squeeze %dma_wait3A_129 : memref<1x640x128xf32, #tpu.memory_space<hbm>> -> memref<640x128xf32, #tpu.memory_space<hbm>>
      %dma_wait3A_131 = arith.constant 0 : i32
      %dma_wait3A_132 = tpu.memref_slice %arg7[%mul3A_120, %dma_wait3A_131] : memref<10240x128xf32, #tpu.memory_space<vmem_shared>> -> memref<640x128xf32, #tpu.memory_space<vmem_shared>>
      tpu.wait_dma2 semaphore(%run_scoped3A : memref<!tpu.dma_semaphore, #tpu.memory_space<semaphore_mem>>) src(%dma_wait3A_132 : memref<640x128xf32, #tpu.memory_space<vmem_shared>>) dst(%dma_wait3A_130 : memref<640x128xf32, #tpu.memory_space<hbm>>)
      tpu.yield
    }) : () -> ()
    return
  }
}

#map = affine_map<(d0, d1) -> (0)>
#map1 = affine_map<(d0, d1) -> (0, 0)>
module attributes {stable_mosaic.version = 14 : i64} {
  func.func @_deg_kernel(%arg0: i32, %arg1: i32, %arg2: memref<320000xi32, #tpu.memory_space<hbm>>, %arg3: memref<32x10240xf32, #tpu.memory_space<hbm>>, %arg4: memref<10240xf32, #tpu.memory_space<vmem>>, %arg5: memref<10000xi32, #tpu.memory_space<vmem>>) attributes {dimension_semantics = [#tpu.dimension_semantics<core_parallel>, #tpu.dimension_semantics<subcore_parallel>], iteration_bounds = array<i64: 2, 16>, scalar_prefetch = 0 : i64, scratch_operands = 2 : i64, tpu.core_type = #tpu.core_type<sc_vector_subcore>, window_params = [{transform_indices = #map}, {transform_indices = #map1}]} {
    %mul3A = arith.constant 16 : i32
    %mul3A_0 = arith.muli %arg0, %mul3A : i32
    %add3A = arith.addi %mul3A_0, %arg1 : i32
    %scan3A = arith.constant 0 : i32
    %scan3A_1 = arith.constant 0 : i32
    %scan3A_2 = arith.constant 640 : i32
    %scan3A_3 = arith.addi %scan3A_1, %scan3A_2 : i32
    %scan3A_4 = arith.constant 1 : i32
    scf.for %scan3A_15 = %scan3A_1 to %scan3A_3 step %scan3A_4  : i32 {
      %broadcast_in_dim3A_16 = arith.constant 0.000000e+00 : f32
      %broadcast_in_dim3A_17 = vector.broadcast %broadcast_in_dim3A_16 : f32 to vector<16xf32>
      %mul3A_18 = arith.constant 16 : i32
      %mul3A_19 = arith.muli %scan3A_15, %mul3A_18 : i32
      %swap3A = arith.index_cast %mul3A_19 : i32 to index
      %swap3A_20 = tpu.vector_load %arg4[%swap3A] {strides = array<i32>} : memref<10240xf32, #tpu.memory_space<vmem>>, vector<16xf32>,
      tpu.vector_store %arg4[%swap3A], %broadcast_in_dim3A_17 {strides = array<i32>} : memref<10240xf32, #tpu.memory_space<vmem>>, vector<16xf32>,
    }
    %scan3A_5 = arith.constant 640 : i32
    %mul3A_6 = arith.constant 10000 : i32
    %mul3A_7 = arith.muli %add3A, %mul3A_6 : i32
    "tpu.region"() ({
      %run_scoped3A = tpu.sem_alloc : memref<!tpu.dma_semaphore, #tpu.memory_space<semaphore_mem>>
      %dma_start3A = tpu.memref_slice %arg2[%mul3A_7] : memref<320000xi32, #tpu.memory_space<hbm>> -> memref<10000xi32, #tpu.memory_space<hbm>>
      %dma_start3A_15 = tpu.memref_slice %arg2[%mul3A_7] : memref<320000xi32, #tpu.memory_space<hbm>> -> memref<10000xi32, #tpu.memory_space<hbm>>
      tpu.enqueue_dma source(%dma_start3A_15 : memref<10000xi32, #tpu.memory_space<hbm>>) target(%arg5 : memref<10000xi32, #tpu.memory_space<vmem>>) target_semaphore(%run_scoped3A : memref<!tpu.dma_semaphore, #tpu.memory_space<semaphore_mem>>)
      %dma_wait3A = tpu.memref_slice %arg2[%mul3A_7] : memref<320000xi32, #tpu.memory_space<hbm>> -> memref<10000xi32, #tpu.memory_space<hbm>>
      %dma_wait3A_16 = tpu.memref_slice %arg2[%mul3A_7] : memref<320000xi32, #tpu.memory_space<hbm>> -> memref<10000xi32, #tpu.memory_space<hbm>>
      tpu.wait_dma2 semaphore(%run_scoped3A : memref<!tpu.dma_semaphore, #tpu.memory_space<semaphore_mem>>) src(%dma_wait3A_16 : memref<10000xi32, #tpu.memory_space<hbm>>) dst(%arg5 : memref<10000xi32, #tpu.memory_space<vmem>>)
      tpu.yield
    }) : () -> ()
    %broadcast_in_dim3A = arith.constant 1.000000e+00 : f32
    %broadcast_in_dim3A_8 = vector.broadcast %broadcast_in_dim3A : f32 to vector<16xf32>
    %scan3A_9 = arith.constant 0 : i32
    %scan3A_10 = arith.constant 0 : i32
    %scan3A_11 = arith.constant 625 : i32
    %scan3A_12 = arith.addi %scan3A_10, %scan3A_11 : i32
    %scan3A_13 = arith.constant 1 : i32
    scf.for %scan3A_15 = %scan3A_10 to %scan3A_12 step %scan3A_13  : i32 {
      %mul3A_16 = arith.constant 16 : i32
      %mul3A_17 = arith.muli %scan3A_15, %mul3A_16 : i32
      %get3A = arith.index_cast %mul3A_17 : i32 to index
      %get3A_18 = tpu.vector_load %arg5[%get3A] {strides = array<i32>} : memref<10000xi32, #tpu.memory_space<vmem>>, vector<16xi32>,
      tpu.vector_store_idx %arg4[%get3A_18], %broadcast_in_dim3A_8 {add = true} : memref<10240xf32, #tpu.memory_space<vmem>>[vector<16xi32>], vector<16xf32>,
    }
    %scan3A_14 = arith.constant 625 : i32
    "tpu.region"() ({
      %run_scoped3A = tpu.sem_alloc : memref<!tpu.dma_semaphore, #tpu.memory_space<semaphore_mem>>
      %dma_start3A = arith.constant 0 : i32
      %dma_start3A_15 = tpu.memref_slice %arg3[%add3A, %dma_start3A] : memref<32x10240xf32, #tpu.memory_space<hbm>> -> memref<1x10240xf32, #tpu.memory_space<hbm>>
      %dma_start3A_16 = tpu.memref_squeeze %dma_start3A_15 : memref<1x10240xf32, #tpu.memory_space<hbm>> -> memref<10240xf32, #tpu.memory_space<hbm>>
      %dma_start3A_17 = arith.constant 0 : i32
      %dma_start3A_18 = tpu.memref_slice %arg3[%add3A, %dma_start3A_17] : memref<32x10240xf32, #tpu.memory_space<hbm>> -> memref<1x10240xf32, #tpu.memory_space<hbm>>
      %dma_start3A_19 = tpu.memref_squeeze %dma_start3A_18 : memref<1x10240xf32, #tpu.memory_space<hbm>> -> memref<10240xf32, #tpu.memory_space<hbm>>
      tpu.enqueue_dma source(%arg4 : memref<10240xf32, #tpu.memory_space<vmem>>) target(%dma_start3A_19 : memref<10240xf32, #tpu.memory_space<hbm>>) target_semaphore(%run_scoped3A : memref<!tpu.dma_semaphore, #tpu.memory_space<semaphore_mem>>)
      %dma_wait3A = arith.constant 0 : i32
      %dma_wait3A_20 = tpu.memref_slice %arg3[%add3A, %dma_wait3A] : memref<32x10240xf32, #tpu.memory_space<hbm>> -> memref<1x10240xf32, #tpu.memory_space<hbm>>
      %dma_wait3A_21 = tpu.memref_squeeze %dma_wait3A_20 : memref<1x10240xf32, #tpu.memory_space<hbm>> -> memref<10240xf32, #tpu.memory_space<hbm>>
      %dma_wait3A_22 = arith.constant 0 : i32
      %dma_wait3A_23 = tpu.memref_slice %arg3[%add3A, %dma_wait3A_22] : memref<32x10240xf32, #tpu.memory_space<hbm>> -> memref<1x10240xf32, #tpu.memory_space<hbm>>
      %dma_wait3A_24 = tpu.memref_squeeze %dma_wait3A_23 : memref<1x10240xf32, #tpu.memory_space<hbm>> -> memref<10240xf32, #tpu.memory_space<hbm>>
      tpu.wait_dma2 semaphore(%run_scoped3A : memref<!tpu.dma_semaphore, #tpu.memory_space<semaphore_mem>>) src(%arg4 : memref<10240xf32, #tpu.memory_space<vmem>>) dst(%dma_wait3A_24 : memref<10240xf32, #tpu.memory_space<hbm>>)
      tpu.yield
    }) : () -> ()
    return
  }
}

#map = affine_map<(d0, d1) -> (0, 0)>
#map1 = affine_map<(d0, d1) -> (0)>
#map2 = affine_map<(d0, d1) -> (0, 0, 0)>
module attributes {stable_mosaic.version = 14 : i64} {
  func.func @_scatter_kernel(%arg0: i32, %arg1: i32, %arg2: memref<10240x128xf32, #tpu.memory_space<hbm>>, %arg3: memref<329728xi32, #tpu.memory_space<hbm>>, %arg4: memref<329728xi32, #tpu.memory_space<hbm>>, %arg5: memref<10240x128xf32, #tpu.memory_space<hbm>>, %arg6: memref<2x10240x128xf32, #tpu.memory_space<hbm>>, %arg7: memref<10240x128xf32, #tpu.memory_space<vmem_shared>>, %arg8: memref<184xi32, #tpu.memory_space<vmem>>, %arg9: memref<184xi32, #tpu.memory_space<vmem>>, %arg10: memref<184xi32, #tpu.memory_space<vmem>>, %arg11: memref<184xi32, #tpu.memory_space<vmem>>, %arg12: memref<184xi32, #tpu.memory_space<vmem>>, %arg13: memref<184xi32, #tpu.memory_space<vmem>>, %arg14: memref<184xi32, #tpu.memory_space<vmem>>, %arg15: memref<184xi32, #tpu.memory_space<vmem>>, %arg16: memref<184x128xf32, #tpu.memory_space<vmem>>, %arg17: memref<184x128xf32, #tpu.memory_space<vmem>>, %arg18: memref<!tpu.dma_semaphore, #tpu.memory_space<semaphore_mem>>, %arg19: memref<!tpu.dma_semaphore, #tpu.memory_space<semaphore_mem>>, %arg20: memref<!tpu.dma_semaphore, #tpu.memory_space<semaphore_mem>>, %arg21: memref<!tpu.dma_semaphore, #tpu.memory_space<semaphore_mem>>, %arg22: memref<!tpu.dma_semaphore, #tpu.memory_space<semaphore_mem>>, %arg23: memref<!tpu.dma_semaphore, #tpu.memory_space<semaphore_mem>>, %arg24: memref<!tpu.dma_semaphore, #tpu.memory_space<semaphore_mem>>, %arg25: memref<!tpu.dma_semaphore, #tpu.memory_space<semaphore_mem>>, %arg26: memref<!tpu.dma_semaphore, #tpu.memory_space<semaphore_mem>>, %arg27: memref<!tpu.dma_semaphore, #tpu.memory_space<semaphore_mem>>, %arg28: memref<!tpu.dma_semaphore, #tpu.memory_space<semaphore_mem>>, %arg29: memref<!tpu.dma_semaphore, #tpu.memory_space<semaphore_mem>>) attributes {dimension_semantics = [#tpu.dimension_semantics<core_parallel>, #tpu.dimension_semantics<subcore_parallel>], iteration_bounds = array<i64: 2, 16>, scalar_prefetch = 0 : i64, scratch_operands = 23 : i64, tpu.core_type = #tpu.core_type<sc_vector_subcore>, window_params = [{transform_indices = #map}, {transform_indices = #map1}, {transform_indices = #map1}, {transform_indices = #map}, {transform_indices = #map2}]} {
    %mul3A = arith.constant 16 : i32
    %mul3A_0 = arith.muli %arg0, %mul3A : i32
    %add3A = arith.addi %mul3A_0, %arg1 : i32
    %mul3A_1 = arith.constant 10304 : i32
    %mul3A_2 = arith.muli %add3A, %mul3A_1 : i32
    %add3A_3 = arith.constant 0 : i32
    %add3A_4 = arith.addi %mul3A_2, %add3A_3 : i32
    %dma_start3A = tpu.memref_slice %arg3[%add3A_4] : memref<329728xi32, #tpu.memory_space<hbm>> -> memref<184xi32, #tpu.memory_space<hbm>>
    %dma_start3A_5 = tpu.memref_slice %arg3[%add3A_4] : memref<329728xi32, #tpu.memory_space<hbm>> -> memref<184xi32, #tpu.memory_space<hbm>>
    tpu.enqueue_dma source(%dma_start3A_5 : memref<184xi32, #tpu.memory_space<hbm>>) target(%arg8 : memref<184xi32, #tpu.memory_space<vmem>>) target_semaphore(%arg18 : memref<!tpu.dma_semaphore, #tpu.memory_space<semaphore_mem>>)
    %dma_start3A_6 = tpu.memref_slice %arg4[%add3A_4] : memref<329728xi32, #tpu.memory_space<hbm>> -> memref<184xi32, #tpu.memory_space<hbm>>
    %dma_start3A_7 = tpu.memref_slice %arg4[%add3A_4] : memref<329728xi32, #tpu.memory_space<hbm>> -> memref<184xi32, #tpu.memory_space<hbm>>
    tpu.enqueue_dma source(%dma_start3A_7 : memref<184xi32, #tpu.memory_space<hbm>>) target(%arg12 : memref<184xi32, #tpu.memory_space<vmem>>) target_semaphore(%arg22 : memref<!tpu.dma_semaphore, #tpu.memory_space<semaphore_mem>>)
    %add3A_8 = arith.constant 184 : i32
    %add3A_9 = arith.addi %mul3A_2, %add3A_8 : i32
    %dma_start3A_10 = tpu.memref_slice %arg3[%add3A_9] : memref<329728xi32, #tpu.memory_space<hbm>> -> memref<184xi32, #tpu.memory_space<hbm>>
    %dma_start3A_11 = tpu.memref_slice %arg3[%add3A_9] : memref<329728xi32, #tpu.memory_space<hbm>> -> memref<184xi32, #tpu.memory_space<hbm>>
    tpu.enqueue_dma source(%dma_start3A_11 : memref<184xi32, #tpu.memory_space<hbm>>) target(%arg9 : memref<184xi32, #tpu.memory_space<vmem>>) target_semaphore(%arg19 : memref<!tpu.dma_semaphore, #tpu.memory_space<semaphore_mem>>)
    %dma_start3A_12 = tpu.memref_slice %arg4[%add3A_9] : memref<329728xi32, #tpu.memory_space<hbm>> -> memref<184xi32, #tpu.memory_space<hbm>>
    %dma_start3A_13 = tpu.memref_slice %arg4[%add3A_9] : memref<329728xi32, #tpu.memory_space<hbm>> -> memref<184xi32, #tpu.memory_space<hbm>>
    tpu.enqueue_dma source(%dma_start3A_13 : memref<184xi32, #tpu.memory_space<hbm>>) target(%arg13 : memref<184xi32, #tpu.memory_space<vmem>>) target_semaphore(%arg23 : memref<!tpu.dma_semaphore, #tpu.memory_space<semaphore_mem>>)
    %mul3A_14 = arith.constant 640 : i32
    %mul3A_15 = arith.muli %arg1, %mul3A_14 : i32
    %mul3A_16 = arith.constant 640 : i32
    %mul3A_17 = arith.muli %arg1, %mul3A_16 : i32
    "tpu.region"() ({
      %run_scoped3A = tpu.sem_alloc : memref<!tpu.dma_semaphore, #tpu.memory_space<semaphore_mem>>
      %dma_start3A_123 = arith.constant 0 : i32
      %dma_start3A_124 = tpu.memref_slice %arg7[%mul3A_17, %dma_start3A_123] : memref<10240x128xf32, #tpu.memory_space<vmem_shared>> -> memref<640x128xf32, #tpu.memory_space<vmem_shared>>
      %dma_start3A_125 = arith.constant 0 : i32
      %dma_start3A_126 = tpu.memref_slice %arg5[%mul3A_15, %dma_start3A_125] : memref<10240x128xf32, #tpu.memory_space<hbm>> -> memref<640x128xf32, #tpu.memory_space<hbm>>
      tpu.enqueue_dma source(%dma_start3A_126 : memref<640x128xf32, #tpu.memory_space<hbm>>) target(%dma_start3A_124 : memref<640x128xf32, #tpu.memory_space<vmem_shared>>) target_semaphore(%run_scoped3A : memref<!tpu.dma_semaphore, #tpu.memory_space<semaphore_mem>>)
      %dma_wait3A_127 = arith.constant 0 : i32
      %dma_wait3A_128 = tpu.memref_slice %arg7[%mul3A_17, %dma_wait3A_127] : memref<10240x128xf32, #tpu.memory_space<vmem_shared>> -> memref<640x128xf32, #tpu.memory_space<vmem_shared>>
      %dma_wait3A_129 = arith.constant 0 : i32
      %dma_wait3A_130 = tpu.memref_slice %arg5[%mul3A_15, %dma_wait3A_129] : memref<10240x128xf32, #tpu.memory_space<hbm>> -> memref<640x128xf32, #tpu.memory_space<hbm>>
      tpu.wait_dma2 semaphore(%run_scoped3A : memref<!tpu.dma_semaphore, #tpu.memory_space<semaphore_mem>>) src(%dma_wait3A_130 : memref<640x128xf32, #tpu.memory_space<hbm>>) dst(%dma_wait3A_128 : memref<640x128xf32, #tpu.memory_space<vmem_shared>>)
      tpu.yield
    }) : () -> ()
    %barrier3A = arith.constant 0 : index
    tpu.barrier barrier_id(%barrier3A)
    %add3A_18 = arith.constant 0 : i32
    %add3A_19 = arith.addi %mul3A_2, %add3A_18 : i32
    %dma_wait3A = tpu.memref_slice %arg3[%add3A_19] : memref<329728xi32, #tpu.memory_space<hbm>> -> memref<184xi32, #tpu.memory_space<hbm>>
    %dma_wait3A_20 = tpu.memref_slice %arg3[%add3A_19] : memref<329728xi32, #tpu.memory_space<hbm>> -> memref<184xi32, #tpu.memory_space<hbm>>
    tpu.wait_dma2 semaphore(%arg18 : memref<!tpu.dma_semaphore, #tpu.memory_space<semaphore_mem>>) src(%dma_wait3A_20 : memref<184xi32, #tpu.memory_space<hbm>>) dst(%arg8 : memref<184xi32, #tpu.memory_space<vmem>>)
    %dma_wait3A_21 = tpu.memref_slice %arg4[%add3A_19] : memref<329728xi32, #tpu.memory_space<hbm>> -> memref<184xi32, #tpu.memory_space<hbm>>
    %dma_wait3A_22 = tpu.memref_slice %arg4[%add3A_19] : memref<329728xi32, #tpu.memory_space<hbm>> -> memref<184xi32, #tpu.memory_space<hbm>>
    tpu.wait_dma2 semaphore(%arg22 : memref<!tpu.dma_semaphore, #tpu.memory_space<semaphore_mem>>) src(%dma_wait3A_22 : memref<184xi32, #tpu.memory_space<hbm>>) dst(%arg12 : memref<184xi32, #tpu.memory_space<vmem>>)
    %add3A_23 = arith.constant 368 : i32
    %add3A_24 = arith.addi %mul3A_2, %add3A_23 : i32
    %dma_start3A_25 = tpu.memref_slice %arg3[%add3A_24] : memref<329728xi32, #tpu.memory_space<hbm>> -> memref<184xi32, #tpu.memory_space<hbm>>
    %dma_start3A_26 = tpu.memref_slice %arg3[%add3A_24] : memref<329728xi32, #tpu.memory_space<hbm>> -> memref<184xi32, #tpu.memory_space<hbm>>
    tpu.enqueue_dma source(%dma_start3A_26 : memref<184xi32, #tpu.memory_space<hbm>>) target(%arg10 : memref<184xi32, #tpu.memory_space<vmem>>) target_semaphore(%arg20 : memref<!tpu.dma_semaphore, #tpu.memory_space<semaphore_mem>>)
    %dma_start3A_27 = tpu.memref_slice %arg4[%add3A_24] : memref<329728xi32, #tpu.memory_space<hbm>> -> memref<184xi32, #tpu.memory_space<hbm>>
    %dma_start3A_28 = tpu.memref_slice %arg4[%add3A_24] : memref<329728xi32, #tpu.memory_space<hbm>> -> memref<184xi32, #tpu.memory_space<hbm>>
    tpu.enqueue_dma source(%dma_start3A_28 : memref<184xi32, #tpu.memory_space<hbm>>) target(%arg14 : memref<184xi32, #tpu.memory_space<vmem>>) target_semaphore(%arg24 : memref<!tpu.dma_semaphore, #tpu.memory_space<semaphore_mem>>)
    %dma_start3A_29 = arith.constant 0 : i32
    %dma_start3A_30 = arith.constant 0 : i32
    %dma_start3A_31 = tpu.memref_slice %arg2[%dma_start3A_29, %dma_start3A_30] : memref<10240x128xf32, #tpu.memory_space<hbm>> -> memref<10240x128xf32, #tpu.memory_space<hbm>>
    tpu.enqueue_indirect_dma source(%dma_start3A_31 : memref<10240x128xf32, #tpu.memory_space<hbm>>) target(%arg16 : memref<184x128xf32, #tpu.memory_space<vmem>>) offsets(%arg8 : memref<184xi32, #tpu.memory_space<vmem>>) semaphore(%arg26 : memref<!tpu.dma_semaphore, #tpu.memory_space<semaphore_mem>>)
    %dma_wait3A_32 = arith.constant 0 : i32
    %dma_wait3A_33 = arith.constant 0 : i32
    %dma_wait3A_34 = tpu.memref_slice %arg2[%dma_wait3A_32, %dma_wait3A_33] : memref<10240x128xf32, #tpu.memory_space<hbm>> -> memref<10240x128xf32, #tpu.memory_space<hbm>>
    tpu.wait_indirect_dma semaphore(%arg26 : memref<!tpu.dma_semaphore, #tpu.memory_space<semaphore_mem>>) src(%dma_wait3A_34 : memref<10240x128xf32, #tpu.memory_space<hbm>>) dst(%arg16 : memref<184x128xf32, #tpu.memory_space<vmem>>)
    %dma_start3A_35 = arith.constant 0 : i32
    %dma_start3A_36 = arith.constant 0 : i32
    %dma_start3A_37 = tpu.memref_slice %arg7[%dma_start3A_35, %dma_start3A_36] : memref<10240x128xf32, #tpu.memory_space<vmem_shared>> -> memref<10240x128xf32, #tpu.memory_space<vmem_shared>>
    tpu.enqueue_indirect_dma source(%arg16 : memref<184x128xf32, #tpu.memory_space<vmem>>) target(%dma_start3A_37 : memref<10240x128xf32, #tpu.memory_space<vmem_shared>>) offsets(%arg12 : memref<184xi32, #tpu.memory_space<vmem>>) semaphore(%arg28 : memref<!tpu.dma_semaphore, #tpu.memory_space<semaphore_mem>>) {add = true}
    %add3A_38 = arith.constant 184 : i32
    %add3A_39 = arith.addi %mul3A_2, %add3A_38 : i32
    %dma_wait3A_40 = tpu.memref_slice %arg3[%add3A_39] : memref<329728xi32, #tpu.memory_space<hbm>> -> memref<184xi32, #tpu.memory_space<hbm>>
    %dma_wait3A_41 = tpu.memref_slice %arg3[%add3A_39] : memref<329728xi32, #tpu.memory_space<hbm>> -> memref<184xi32, #tpu.memory_space<hbm>>
    tpu.wait_dma2 semaphore(%arg19 : memref<!tpu.dma_semaphore, #tpu.memory_space<semaphore_mem>>) src(%dma_wait3A_41 : memref<184xi32, #tpu.memory_space<hbm>>) dst(%arg9 : memref<184xi32, #tpu.memory_space<vmem>>)
    %dma_wait3A_42 = tpu.memref_slice %arg4[%add3A_39] : memref<329728xi32, #tpu.memory_space<hbm>> -> memref<184xi32, #tpu.memory_space<hbm>>
    %dma_wait3A_43 = tpu.memref_slice %arg4[%add3A_39] : memref<329728xi32, #tpu.memory_space<hbm>> -> memref<184xi32, #tpu.memory_space<hbm>>
    tpu.wait_dma2 semaphore(%arg23 : memref<!tpu.dma_semaphore, #tpu.memory_space<semaphore_mem>>) src(%dma_wait3A_43 : memref<184xi32, #tpu.memory_space<hbm>>) dst(%arg13 : memref<184xi32, #tpu.memory_space<vmem>>)
    %add3A_44 = arith.constant 552 : i32
    %add3A_45 = arith.addi %mul3A_2, %add3A_44 : i32
    %dma_start3A_46 = tpu.memref_slice %arg3[%add3A_45] : memref<329728xi32, #tpu.memory_space<hbm>> -> memref<184xi32, #tpu.memory_space<hbm>>
    %dma_start3A_47 = tpu.memref_slice %arg3[%add3A_45] : memref<329728xi32, #tpu.memory_space<hbm>> -> memref<184xi32, #tpu.memory_space<hbm>>
    tpu.enqueue_dma source(%dma_start3A_47 : memref<184xi32, #tpu.memory_space<hbm>>) target(%arg11 : memref<184xi32, #tpu.memory_space<vmem>>) target_semaphore(%arg21 : memref<!tpu.dma_semaphore, #tpu.memory_space<semaphore_mem>>)
    %dma_start3A_48 = tpu.memref_slice %arg4[%add3A_45] : memref<329728xi32, #tpu.memory_space<hbm>> -> memref<184xi32, #tpu.memory_space<hbm>>
    %dma_start3A_49 = tpu.memref_slice %arg4[%add3A_45] : memref<329728xi32, #tpu.memory_space<hbm>> -> memref<184xi32, #tpu.memory_space<hbm>>
    tpu.enqueue_dma source(%dma_start3A_49 : memref<184xi32, #tpu.memory_space<hbm>>) target(%arg15 : memref<184xi32, #tpu.memory_space<vmem>>) target_semaphore(%arg25 : memref<!tpu.dma_semaphore, #tpu.memory_space<semaphore_mem>>)
    %dma_start3A_50 = arith.constant 0 : i32
    %dma_start3A_51 = arith.constant 0 : i32
    %dma_start3A_52 = tpu.memref_slice %arg2[%dma_start3A_50, %dma_start3A_51] : memref<10240x128xf32, #tpu.memory_space<hbm>> -> memref<10240x128xf32, #tpu.memory_space<hbm>>
    tpu.enqueue_indirect_dma source(%dma_start3A_52 : memref<10240x128xf32, #tpu.memory_space<hbm>>) target(%arg17 : memref<184x128xf32, #tpu.memory_space<vmem>>) offsets(%arg9 : memref<184xi32, #tpu.memory_space<vmem>>) semaphore(%arg27 : memref<!tpu.dma_semaphore, #tpu.memory_space<semaphore_mem>>)
    %dma_wait3A_53 = arith.constant 0 : i32
    %dma_wait3A_54 = arith.constant 0 : i32
    %dma_wait3A_55 = tpu.memref_slice %arg2[%dma_wait3A_53, %dma_wait3A_54] : memref<10240x128xf32, #tpu.memory_space<hbm>> -> memref<10240x128xf32, #tpu.memory_space<hbm>>
    tpu.wait_indirect_dma semaphore(%arg27 : memref<!tpu.dma_semaphore, #tpu.memory_space<semaphore_mem>>) src(%dma_wait3A_55 : memref<10240x128xf32, #tpu.memory_space<hbm>>) dst(%arg17 : memref<184x128xf32, #tpu.memory_space<vmem>>)
    %dma_start3A_56 = arith.constant 0 : i32
    %dma_start3A_57 = arith.constant 0 : i32
    %dma_start3A_58 = tpu.memref_slice %arg7[%dma_start3A_56, %dma_start3A_57] : memref<10240x128xf32, #tpu.memory_space<vmem_shared>> -> memref<10240x128xf32, #tpu.memory_space<vmem_shared>>
    tpu.enqueue_indirect_dma source(%arg17 : memref<184x128xf32, #tpu.memory_space<vmem>>) target(%dma_start3A_58 : memref<10240x128xf32, #tpu.memory_space<vmem_shared>>) offsets(%arg13 : memref<184xi32, #tpu.memory_space<vmem>>) semaphore(%arg29 : memref<!tpu.dma_semaphore, #tpu.memory_space<semaphore_mem>>) {add = true}
    %add3A_59 = arith.constant 368 : i32
    %add3A_60 = arith.addi %mul3A_2, %add3A_59 : i32
    %dma_wait3A_61 = tpu.memref_slice %arg3[%add3A_60] : memref<329728xi32, #tpu.memory_space<hbm>> -> memref<184xi32, #tpu.memory_space<hbm>>
    %dma_wait3A_62 = tpu.memref_slice %arg3[%add3A_60] : memref<329728xi32, #tpu.memory_space<hbm>> -> memref<184xi32, #tpu.memory_space<hbm>>
    tpu.wait_dma2 semaphore(%arg20 : memref<!tpu.dma_semaphore, #tpu.memory_space<semaphore_mem>>) src(%dma_wait3A_62 : memref<184xi32, #tpu.memory_space<hbm>>) dst(%arg10 : memref<184xi32, #tpu.memory_space<vmem>>)
    %dma_wait3A_63 = tpu.memref_slice %arg4[%add3A_60] : memref<329728xi32, #tpu.memory_space<hbm>> -> memref<184xi32, #tpu.memory_space<hbm>>
    %dma_wait3A_64 = tpu.memref_slice %arg4[%add3A_60] : memref<329728xi32, #tpu.memory_space<hbm>> -> memref<184xi32, #tpu.memory_space<hbm>>
    tpu.wait_dma2 semaphore(%arg24 : memref<!tpu.dma_semaphore, #tpu.memory_space<semaphore_mem>>) src(%dma_wait3A_64 : memref<184xi32, #tpu.memory_space<hbm>>) dst(%arg14 : memref<184xi32, #tpu.memory_space<vmem>>)
    %dma_wait3A_65 = arith.constant 0 : i32
    %dma_wait3A_66 = arith.constant 0 : i32
    %dma_wait3A_67 = tpu.memref_slice %arg7[%dma_wait3A_65, %dma_wait3A_66] : memref<10240x128xf32, #tpu.memory_space<vmem_shared>> -> memref<10240x128xf32, #tpu.memory_space<vmem_shared>>
    tpu.wait_indirect_dma semaphore(%arg28 : memref<!tpu.dma_semaphore, #tpu.memory_space<semaphore_mem>>) src(%arg16 : memref<184x128xf32, #tpu.memory_space<vmem>>) dst(%dma_wait3A_67 : memref<10240x128xf32, #tpu.memory_space<vmem_shared>>)
    %add3A_68 = arith.constant 736 : i32
    %add3A_69 = arith.addi %mul3A_2, %add3A_68 : i32
    %dma_start3A_70 = tpu.memref_slice %arg3[%add3A_69] : memref<329728xi32, #tpu.memory_space<hbm>> -> memref<184xi32, #tpu.memory_space<hbm>>
    %dma_start3A_71 = tpu.memref_slice %arg3[%add3A_69] : memref<329728xi32, #tpu.memory_space<hbm>> -> memref<184xi32, #tpu.memory_space<hbm>>
    tpu.enqueue_dma source(%dma_start3A_71 : memref<184xi32, #tpu.memory_space<hbm>>) target(%arg8 : memref<184xi32, #tpu.memory_space<vmem>>) target_semaphore(%arg18 : memref<!tpu.dma_semaphore, #tpu.memory_space<semaphore_mem>>)
    %dma_start3A_72 = tpu.memref_slice %arg4[%add3A_69] : memref<329728xi32, #tpu.memory_space<hbm>> -> memref<184xi32, #tpu.memory_space<hbm>>
    %dma_start3A_73 = tpu.memref_slice %arg4[%add3A_69] : memref<329728xi32, #tpu.memory_space<hbm>> -> memref<184xi32, #tpu.memory_space<hbm>>
    tpu.enqueue_dma source(%dma_start3A_73 : memref<184xi32, #tpu.memory_space<hbm>>) target(%arg12 : memref<184xi32, #tpu.memory_space<vmem>>) target_semaphore(%arg22 : memref<!tpu.dma_semaphore, #tpu.memory_space<semaphore_mem>>)
    %dma_start3A_74 = arith.constant 0 : i32
    %dma_start3A_75 = arith.constant 0 : i32
    %dma_start3A_76 = tpu.memref_slice %arg2[%dma_start3A_74, %dma_start3A_75] : memref<10240x128xf32, #tpu.memory_space<hbm>> -> memref<10240x128xf32, #tpu.memory_space<hbm>>
    tpu.enqueue_indirect_dma source(%dma_start3A_76 : memref<10240x128xf32, #tpu.memory_space<hbm>>) target(%arg16 : memref<184x128xf32, #tpu.memory_space<vmem>>) offsets(%arg10 : memref<184xi32, #tpu.memory_space<vmem>>) semaphore(%arg26 : memref<!tpu.dma_semaphore, #tpu.memory_space<semaphore_mem>>)
    %dma_wait3A_77 = arith.constant 0 : i32
    %dma_wait3A_78 = arith.constant 0 : i32
    %dma_wait3A_79 = tpu.memref_slice %arg2[%dma_wait3A_77, %dma_wait3A_78] : memref<10240x128xf32, #tpu.memory_space<hbm>> -> memref<10240x128xf32, #tpu.memory_space<hbm>>
    tpu.wait_indirect_dma semaphore(%arg26 : memref<!tpu.dma_semaphore, #tpu.memory_space<semaphore_mem>>) src(%dma_wait3A_79 : memref<10240x128xf32, #tpu.memory_space<hbm>>) dst(%arg16 : memref<184x128xf32, #tpu.memory_space<vmem>>)
    %dma_start3A_80 = arith.constant 0 : i32
    %dma_start3A_81 = arith.constant 0 : i32
    %dma_start3A_82 = tpu.memref_slice %arg7[%dma_start3A_80, %dma_start3A_81] : memref<10240x128xf32, #tpu.memory_space<vmem_shared>> -> memref<10240x128xf32, #tpu.memory_space<vmem_shared>>
    tpu.enqueue_indirect_dma source(%arg16 : memref<184x128xf32, #tpu.memory_space<vmem>>) target(%dma_start3A_82 : memref<10240x128xf32, #tpu.memory_space<vmem_shared>>) offsets(%arg14 : memref<184xi32, #tpu.memory_space<vmem>>) semaphore(%arg28 : memref<!tpu.dma_semaphore, #tpu.memory_space<semaphore_mem>>) {add = true}
    %add3A_83 = arith.constant 552 : i32
    %add3A_84 = arith.addi %mul3A_2, %add3A_83 : i32
    %dma_wait3A_85 = tpu.memref_slice %arg3[%add3A_84] : memref<329728xi32, #tpu.memory_space<hbm>> -> memref<184xi32, #tpu.memory_space<hbm>>
    %dma_wait3A_86 = tpu.memref_slice %arg3[%add3A_84] : memref<329728xi32, #tpu.memory_space<hbm>> -> memref<184xi32, #tpu.memory_space<hbm>>
    tpu.wait_dma2 semaphore(%arg21 : memref<!tpu.dma_semaphore, #tpu.memory_space<semaphore_mem>>) src(%dma_wait3A_86 : memref<184xi32, #tpu.memory_space<hbm>>) dst(%arg11 : memref<184xi32, #tpu.memory_space<vmem>>)
    %dma_wait3A_87 = tpu.memref_slice %arg4[%add3A_84] : memref<329728xi32, #tpu.memory_space<hbm>> -> memref<184xi32, #tpu.memory_space<hbm>>
    %dma_wait3A_88 = tpu.memref_slice %arg4[%add3A_84] : memref<329728xi32, #tpu.memory_space<hbm>> -> memref<184xi32, #tpu.memory_space<hbm>>
    tpu.wait_dma2 semaphore(%arg25 : memref<!tpu.dma_semaphore, #tpu.memory_space<semaphore_mem>>) src(%dma_wait3A_88 : memref<184xi32, #tpu.memory_space<hbm>>) dst(%arg15 : memref<184xi32, #tpu.memory_space<vmem>>)
    %dma_wait3A_89 = arith.constant 0 : i32
    %dma_wait3A_90 = arith.constant 0 : i32
    %dma_wait3A_91 = tpu.memref_slice %arg7[%dma_wait3A_89, %dma_wait3A_90] : memref<10240x128xf32, #tpu.memory_space<vmem_shared>> -> memref<10240x128xf32, #tpu.memory_space<vmem_shared>>
    tpu.wait_indirect_dma semaphore(%arg29 : memref<!tpu.dma_semaphore, #tpu.memory_space<semaphore_mem>>) src(%arg17 : memref<184x128xf32, #tpu.memory_space<vmem>>) dst(%dma_wait3A_91 : memref<10240x128xf32, #tpu.memory_space<vmem_shared>>)
    %add3A_92 = arith.constant 920 : i32
    %add3A_93 = arith.addi %mul3A_2, %add3A_92 : i32
    %dma_start3A_94 = tpu.memref_slice %arg3[%add3A_93] : memref<329728xi32, #tpu.memory_space<hbm>> -> memref<184xi32, #tpu.memory_space<hbm>>
    %dma_start3A_95 = tpu.memref_slice %arg3[%add3A_93] : memref<329728xi32, #tpu.memory_space<hbm>> -> memref<184xi32, #tpu.memory_space<hbm>>
    tpu.enqueue_dma source(%dma_start3A_95 : memref<184xi32, #tpu.memory_space<hbm>>) target(%arg9 : memref<184xi32, #tpu.memory_space<vmem>>) target_semaphore(%arg19 : memref<!tpu.dma_semaphore, #tpu.memory_space<semaphore_mem>>)
    %dma_start3A_96 = tpu.memref_slice %arg4[%add3A_93] : memref<329728xi32, #tpu.memory_space<hbm>> -> memref<184xi32, #tpu.memory_space<hbm>>
    %dma_start3A_97 = tpu.memref_slice %arg4[%add3A_93] : memref<329728xi32, #tpu.memory_space<hbm>> -> memref<184xi32, #tpu.memory_space<hbm>>
    tpu.enqueue_dma source(%dma_start3A_97 : memref<184xi32, #tpu.memory_space<hbm>>) target(%arg13 : memref<184xi32, #tpu.memory_space<vmem>>) target_semaphore(%arg23 : memref<!tpu.dma_semaphore, #tpu.memory_space<semaphore_mem>>)
    %dma_start3A_98 = arith.constant 0 : i32
    %dma_start3A_99 = arith.constant 0 : i32
    %dma_start3A_100 = tpu.memref_slice %arg2[%dma_start3A_98, %dma_start3A_99] : memref<10240x128xf32, #tpu.memory_space<hbm>> -> memref<10240x128xf32, #tpu.memory_space<hbm>>
    tpu.enqueue_indirect_dma source(%dma_start3A_100 : memref<10240x128xf32, #tpu.memory_space<hbm>>) target(%arg17 : memref<184x128xf32, #tpu.memory_space<vmem>>) offsets(%arg11 : memref<184xi32, #tpu.memory_space<vmem>>) semaphore(%arg27 : memref<!tpu.dma_semaphore, #tpu.memory_space<semaphore_mem>>)
    %dma_wait3A_101 = arith.constant 0 : i32
    %dma_wait3A_102 = arith.constant 0 : i32
    %dma_wait3A_103 = tpu.memref_slice %arg2[%dma_wait3A_101, %dma_wait3A_102] : memref<10240x128xf32, #tpu.memory_space<hbm>> -> memref<10240x128xf32, #tpu.memory_space<hbm>>
    tpu.wait_indirect_dma semaphore(%arg27 : memref<!tpu.dma_semaphore, #tpu.memory_space<semaphore_mem>>) src(%dma_wait3A_103 : memref<10240x128xf32, #tpu.memory_space<hbm>>) dst(%arg17 : memref<184x128xf32, #tpu.memory_space<vmem>>)
    %dma_start3A_104 = arith.constant 0 : i32
    %dma_start3A_105 = arith.constant 0 : i32
    %dma_start3A_106 = tpu.memref_slice %arg7[%dma_start3A_104, %dma_start3A_105] : memref<10240x128xf32, #tpu.memory_space<vmem_shared>> -> memref<10240x128xf32, #tpu.memory_space<vmem_shared>>
    tpu.enqueue_indirect_dma source(%arg17 : memref<184x128xf32, #tpu.memory_space<vmem>>) target(%dma_start3A_106 : memref<10240x128xf32, #tpu.memory_space<vmem_shared>>) offsets(%arg15 : memref<184xi32, #tpu.memory_space<vmem>>) semaphore(%arg29 : memref<!tpu.dma_semaphore, #tpu.memory_space<semaphore_mem>>) {add = true}
    %scan3A = arith.constant 0 : i32
    %scan3A_107 = arith.constant 1 : i32
    %scan3A_108 = arith.constant 13 : i32
    %scan3A_109 = arith.addi %scan3A_107, %scan3A_108 : i32
    %scan3A_110 = arith.constant 1 : i32
    scf.for %scan3A_123 = %scan3A_107 to %scan3A_109 step %scan3A_110  : i32 {
      %mul3A_124 = arith.constant 4 : i32
      %mul3A_125 = arith.muli %mul3A_124, %scan3A_123 : i32
      %mul3A_126 = arith.constant 184 : i32
      %mul3A_127 = arith.muli %mul3A_125, %mul3A_126 : i32
      %add3A_128 = arith.addi %mul3A_2, %mul3A_127 : i32
      %dma_wait3A_129 = tpu.memref_slice %arg3[%add3A_128] : memref<329728xi32, #tpu.memory_space<hbm>> -> memref<184xi32, #tpu.memory_space<hbm>>
      %dma_wait3A_130 = tpu.memref_slice %arg3[%add3A_128] : memref<329728xi32, #tpu.memory_space<hbm>> -> memref<184xi32, #tpu.memory_space<hbm>>
      tpu.wait_dma2 semaphore(%arg18 : memref<!tpu.dma_semaphore, #tpu.memory_space<semaphore_mem>>) src(%dma_wait3A_130 : memref<184xi32, #tpu.memory_space<hbm>>) dst(%arg8 : memref<184xi32, #tpu.memory_space<vmem>>)
      %dma_wait3A_131 = tpu.memref_slice %arg4[%add3A_128] : memref<329728xi32, #tpu.memory_space<hbm>> -> memref<184xi32, #tpu.memory_space<hbm>>
      %dma_wait3A_132 = tpu.memref_slice %arg4[%add3A_128] : memref<329728xi32, #tpu.memory_space<hbm>> -> memref<184xi32, #tpu.memory_space<hbm>>
      tpu.wait_dma2 semaphore(%arg22 : memref<!tpu.dma_semaphore, #tpu.memory_space<semaphore_mem>>) src(%dma_wait3A_132 : memref<184xi32, #tpu.memory_space<hbm>>) dst(%arg12 : memref<184xi32, #tpu.memory_space<vmem>>)
      %dma_wait3A_133 = arith.constant 0 : i32
      %dma_wait3A_134 = arith.constant 0 : i32
      %dma_wait3A_135 = tpu.memref_slice %arg7[%dma_wait3A_133, %dma_wait3A_134] : memref<10240x128xf32, #tpu.memory_space<vmem_shared>> -> memref<10240x128xf32, #tpu.memory_space<vmem_shared>>
      tpu.wait_indirect_dma semaphore(%arg28 : memref<!tpu.dma_semaphore, #tpu.memory_space<semaphore_mem>>) src(%arg16 : memref<184x128xf32, #tpu.memory_space<vmem>>) dst(%dma_wait3A_135 : memref<10240x128xf32, #tpu.memory_space<vmem_shared>>)
      %add3A_136 = arith.constant 2 : i32
      %add3A_137 = arith.addi %mul3A_125, %add3A_136 : i32
      %lt3A = arith.constant 56 : i32
      %lt3A_138 = arith.cmpi slt, %add3A_137, %lt3A : i32
      %convert_element_type3A = arith.extui %lt3A_138 : i1 to i32
      %cond3A = arith.constant 0 : i32
      %cond3A_139 = arith.cmpi ne, %convert_element_type3A, %cond3A : i32
      scf.if %cond3A_139 {
        %add3A_233 = arith.constant 2 : i32
        %add3A_234 = arith.addi %mul3A_125, %add3A_233 : i32
        %mul3A_235 = arith.constant 184 : i32
        %mul3A_236 = arith.muli %add3A_234, %mul3A_235 : i32
        %add3A_237 = arith.addi %mul3A_2, %mul3A_236 : i32
        %dma_start3A_238 = tpu.memref_slice %arg3[%add3A_237] : memref<329728xi32, #tpu.memory_space<hbm>> -> memref<184xi32, #tpu.memory_space<hbm>>
        %dma_start3A_239 = tpu.memref_slice %arg3[%add3A_237] : memref<329728xi32, #tpu.memory_space<hbm>> -> memref<184xi32, #tpu.memory_space<hbm>>
        tpu.enqueue_dma source(%dma_start3A_239 : memref<184xi32, #tpu.memory_space<hbm>>) target(%arg10 : memref<184xi32, #tpu.memory_space<vmem>>) target_semaphore(%arg20 : memref<!tpu.dma_semaphore, #tpu.memory_space<semaphore_mem>>)
        %dma_start3A_240 = tpu.memref_slice %arg4[%add3A_237] : memref<329728xi32, #tpu.memory_space<hbm>> -> memref<184xi32, #tpu.memory_space<hbm>>
        %dma_start3A_241 = tpu.memref_slice %arg4[%add3A_237] : memref<329728xi32, #tpu.memory_space<hbm>> -> memref<184xi32, #tpu.memory_space<hbm>>
        tpu.enqueue_dma source(%dma_start3A_241 : memref<184xi32, #tpu.memory_space<hbm>>) target(%arg14 : memref<184xi32, #tpu.memory_space<vmem>>) target_semaphore(%arg24 : memref<!tpu.dma_semaphore, #tpu.memory_space<semaphore_mem>>)
      } else {
      }
      %dma_start3A_140 = arith.constant 0 : i32
      %dma_start3A_141 = arith.constant 0 : i32
      %dma_start3A_142 = tpu.memref_slice %arg2[%dma_start3A_140, %dma_start3A_141] : memref<10240x128xf32, #tpu.memory_space<hbm>> -> memref<10240x128xf32, #tpu.memory_space<hbm>>
      tpu.enqueue_indirect_dma source(%dma_start3A_142 : memref<10240x128xf32, #tpu.memory_space<hbm>>) target(%arg16 : memref<184x128xf32, #tpu.memory_space<vmem>>) offsets(%arg8 : memref<184xi32, #tpu.memory_space<vmem>>) semaphore(%arg26 : memref<!tpu.dma_semaphore, #tpu.memory_space<semaphore_mem>>)
      %dma_wait3A_143 = arith.constant 0 : i32
      %dma_wait3A_144 = arith.constant 0 : i32
      %dma_wait3A_145 = tpu.memref_slice %arg2[%dma_wait3A_143, %dma_wait3A_144] : memref<10240x128xf32, #tpu.memory_space<hbm>> -> memref<10240x128xf32, #tpu.memory_space<hbm>>
      tpu.wait_indirect_dma semaphore(%arg26 : memref<!tpu.dma_semaphore, #tpu.memory_space<semaphore_mem>>) src(%dma_wait3A_145 : memref<10240x128xf32, #tpu.memory_space<hbm>>) dst(%arg16 : memref<184x128xf32, #tpu.memory_space<vmem>>)
      %dma_start3A_146 = arith.constant 0 : i32
      %dma_start3A_147 = arith.constant 0 : i32
      %dma_start3A_148 = tpu.memref_slice %arg7[%dma_start3A_146, %dma_start3A_147] : memref<10240x128xf32, #tpu.memory_space<vmem_shared>> -> memref<10240x128xf32, #tpu.memory_space<vmem_shared>>
      tpu.enqueue_indirect_dma source(%arg16 : memref<184x128xf32, #tpu.memory_space<vmem>>) target(%dma_start3A_148 : memref<10240x128xf32, #tpu.memory_space<vmem_shared>>) offsets(%arg12 : memref<184xi32, #tpu.memory_space<vmem>>) semaphore(%arg28 : memref<!tpu.dma_semaphore, #tpu.memory_space<semaphore_mem>>) {add = true}
      %add3A_149 = arith.constant 1 : i32
      %add3A_150 = arith.addi %mul3A_125, %add3A_149 : i32
      %mul3A_151 = arith.constant 184 : i32
      %mul3A_152 = arith.muli %add3A_150, %mul3A_151 : i32
      %add3A_153 = arith.addi %mul3A_2, %mul3A_152 : i32
      %dma_wait3A_154 = tpu.memref_slice %arg3[%add3A_153] : memref<329728xi32, #tpu.memory_space<hbm>> -> memref<184xi32, #tpu.memory_space<hbm>>
      %dma_wait3A_155 = tpu.memref_slice %arg3[%add3A_153] : memref<329728xi32, #tpu.memory_space<hbm>> -> memref<184xi32, #tpu.memory_space<hbm>>
      tpu.wait_dma2 semaphore(%arg19 : memref<!tpu.dma_semaphore, #tpu.memory_space<semaphore_mem>>) src(%dma_wait3A_155 : memref<184xi32, #tpu.memory_space<hbm>>) dst(%arg9 : memref<184xi32, #tpu.memory_space<vmem>>)
      %dma_wait3A_156 = tpu.memref_slice %arg4[%add3A_153] : memref<329728xi32, #tpu.memory_space<hbm>> -> memref<184xi32, #tpu.memory_space<hbm>>
      %dma_wait3A_157 = tpu.memref_slice %arg4[%add3A_153] : memref<329728xi32, #tpu.memory_space<hbm>> -> memref<184xi32, #tpu.memory_space<hbm>>
      tpu.wait_dma2 semaphore(%arg23 : memref<!tpu.dma_semaphore, #tpu.memory_space<semaphore_mem>>) src(%dma_wait3A_157 : memref<184xi32, #tpu.memory_space<hbm>>) dst(%arg13 : memref<184xi32, #tpu.memory_space<vmem>>)
      %dma_wait3A_158 = arith.constant 0 : i32
      %dma_wait3A_159 = arith.constant 0 : i32
      %dma_wait3A_160 = tpu.memref_slice %arg7[%dma_wait3A_158, %dma_wait3A_159] : memref<10240x128xf32, #tpu.memory_space<vmem_shared>> -> memref<10240x128xf32, #tpu.memory_space<vmem_shared>>
      tpu.wait_indirect_dma semaphore(%arg29 : memref<!tpu.dma_semaphore, #tpu.memory_space<semaphore_mem>>) src(%arg17 : memref<184x128xf32, #tpu.memory_space<vmem>>) dst(%dma_wait3A_160 : memref<10240x128xf32, #tpu.memory_space<vmem_shared>>)
      %add3A_161 = arith.constant 2 : i32
      %add3A_162 = arith.addi %add3A_150, %add3A_161 : i32
      %lt3A_163 = arith.constant 56 : i32
      %lt3A_164 = arith.cmpi slt, %add3A_162, %lt3A_163 : i32
      %convert_element_type3A_165 = arith.extui %lt3A_164 : i1 to i32
      %cond3A_166 = arith.constant 0 : i32
      %cond3A_167 = arith.cmpi ne, %convert_element_type3A_165, %cond3A_166 : i32
      scf.if %cond3A_167 {
        %add3A_233 = arith.constant 2 : i32
        %add3A_234 = arith.addi %add3A_150, %add3A_233 : i32
        %mul3A_235 = arith.constant 184 : i32
        %mul3A_236 = arith.muli %add3A_234, %mul3A_235 : i32
        %add3A_237 = arith.addi %mul3A_2, %mul3A_236 : i32
        %dma_start3A_238 = tpu.memref_slice %arg3[%add3A_237] : memref<329728xi32, #tpu.memory_space<hbm>> -> memref<184xi32, #tpu.memory_space<hbm>>
        %dma_start3A_239 = tpu.memref_slice %arg3[%add3A_237] : memref<329728xi32, #tpu.memory_space<hbm>> -> memref<184xi32, #tpu.memory_space<hbm>>
        tpu.enqueue_dma source(%dma_start3A_239 : memref<184xi32, #tpu.memory_space<hbm>>) target(%arg11 : memref<184xi32, #tpu.memory_space<vmem>>) target_semaphore(%arg21 : memref<!tpu.dma_semaphore, #tpu.memory_space<semaphore_mem>>)
        %dma_start3A_240 = tpu.memref_slice %arg4[%add3A_237] : memref<329728xi32, #tpu.memory_space<hbm>> -> memref<184xi32, #tpu.memory_space<hbm>>
        %dma_start3A_241 = tpu.memref_slice %arg4[%add3A_237] : memref<329728xi32, #tpu.memory_space<hbm>> -> memref<184xi32, #tpu.memory_space<hbm>>
        tpu.enqueue_dma source(%dma_start3A_241 : memref<184xi32, #tpu.memory_space<hbm>>) target(%arg15 : memref<184xi32, #tpu.memory_space<vmem>>) target_semaphore(%arg25 : memref<!tpu.dma_semaphore, #tpu.memory_space<semaphore_mem>>)
      } else {
      }
      %dma_start3A_168 = arith.constant 0 : i32
      %dma_start3A_169 = arith.constant 0 : i32
      %dma_start3A_170 = tpu.memref_slice %arg2[%dma_start3A_168, %dma_start3A_169] : memref<10240x128xf32, #tpu.memory_space<hbm>> -> memref<10240x128xf32, #tpu.memory_space<hbm>>
      tpu.enqueue_indirect_dma source(%dma_start3A_170 : memref<10240x128xf32, #tpu.memory_space<hbm>>) target(%arg17 : memref<184x128xf32, #tpu.memory_space<vmem>>) offsets(%arg9 : memref<184xi32, #tpu.memory_space<vmem>>) semaphore(%arg27 : memref<!tpu.dma_semaphore, #tpu.memory_space<semaphore_mem>>)
      %dma_wait3A_171 = arith.constant 0 : i32
      %dma_wait3A_172 = arith.constant 0 : i32
      %dma_wait3A_173 = tpu.memref_slice %arg2[%dma_wait3A_171, %dma_wait3A_172] : memref<10240x128xf32, #tpu.memory_space<hbm>> -> memref<10240x128xf32, #tpu.memory_space<hbm>>
      tpu.wait_indirect_dma semaphore(%arg27 : memref<!tpu.dma_semaphore, #tpu.memory_space<semaphore_mem>>) src(%dma_wait3A_173 : memref<10240x128xf32, #tpu.memory_space<hbm>>) dst(%arg17 : memref<184x128xf32, #tpu.memory_space<vmem>>)
      %dma_start3A_174 = arith.constant 0 : i32
      %dma_start3A_175 = arith.constant 0 : i32
      %dma_start3A_176 = tpu.memref_slice %arg7[%dma_start3A_174, %dma_start3A_175] : memref<10240x128xf32, #tpu.memory_space<vmem_shared>> -> memref<10240x128xf32, #tpu.memory_space<vmem_shared>>
      tpu.enqueue_indirect_dma source(%arg17 : memref<184x128xf32, #tpu.memory_space<vmem>>) target(%dma_start3A_176 : memref<10240x128xf32, #tpu.memory_space<vmem_shared>>) offsets(%arg13 : memref<184xi32, #tpu.memory_space<vmem>>) semaphore(%arg29 : memref<!tpu.dma_semaphore, #tpu.memory_space<semaphore_mem>>) {add = true}
      %add3A_177 = arith.constant 2 : i32
      %add3A_178 = arith.addi %mul3A_125, %add3A_177 : i32
      %mul3A_179 = arith.constant 184 : i32
      %mul3A_180 = arith.muli %add3A_178, %mul3A_179 : i32
      %add3A_181 = arith.addi %mul3A_2, %mul3A_180 : i32
      %dma_wait3A_182 = tpu.memref_slice %arg3[%add3A_181] : memref<329728xi32, #tpu.memory_space<hbm>> -> memref<184xi32, #tpu.memory_space<hbm>>
      %dma_wait3A_183 = tpu.memref_slice %arg3[%add3A_181] : memref<329728xi32, #tpu.memory_space<hbm>> -> memref<184xi32, #tpu.memory_space<hbm>>
      tpu.wait_dma2 semaphore(%arg20 : memref<!tpu.dma_semaphore, #tpu.memory_space<semaphore_mem>>) src(%dma_wait3A_183 : memref<184xi32, #tpu.memory_space<hbm>>) dst(%arg10 : memref<184xi32, #tpu.memory_space<vmem>>)
      %dma_wait3A_184 = tpu.memref_slice %arg4[%add3A_181] : memref<329728xi32, #tpu.memory_space<hbm>> -> memref<184xi32, #tpu.memory_space<hbm>>
      %dma_wait3A_185 = tpu.memref_slice %arg4[%add3A_181] : memref<329728xi32, #tpu.memory_space<hbm>> -> memref<184xi32, #tpu.memory_space<hbm>>
      tpu.wait_dma2 semaphore(%arg24 : memref<!tpu.dma_semaphore, #tpu.memory_space<semaphore_mem>>) src(%dma_wait3A_185 : memref<184xi32, #tpu.memory_space<hbm>>) dst(%arg14 : memref<184xi32, #tpu.memory_space<vmem>>)
      %dma_wait3A_186 = arith.constant 0 : i32
      %dma_wait3A_187 = arith.constant 0 : i32
      %dma_wait3A_188 = tpu.memref_slice %arg7[%dma_wait3A_186, %dma_wait3A_187] : memref<10240x128xf32, #tpu.memory_space<vmem_shared>> -> memref<10240x128xf32, #tpu.memory_space<vmem_shared>>
      tpu.wait_indirect_dma semaphore(%arg28 : memref<!tpu.dma_semaphore, #tpu.memory_space<semaphore_mem>>) src(%arg16 : memref<184x128xf32, #tpu.memory_space<vmem>>) dst(%dma_wait3A_188 : memref<10240x128xf32, #tpu.memory_space<vmem_shared>>)
      %add3A_189 = arith.constant 2 : i32
      %add3A_190 = arith.addi %add3A_178, %add3A_189 : i32
      %lt3A_191 = arith.constant 56 : i32
      %lt3A_192 = arith.cmpi slt, %add3A_190, %lt3A_191 : i32
      %convert_element_type3A_193 = arith.extui %lt3A_192 : i1 to i32
      %cond3A_194 = arith.constant 0 : i32
      %cond3A_195 = arith.cmpi ne, %convert_element_type3A_193, %cond3A_194 : i32
      scf.if %cond3A_195 {
        %add3A_233 = arith.constant 2 : i32
        %add3A_234 = arith.addi %add3A_178, %add3A_233 : i32
        %mul3A_235 = arith.constant 184 : i32
        %mul3A_236 = arith.muli %add3A_234, %mul3A_235 : i32
        %add3A_237 = arith.addi %mul3A_2, %mul3A_236 : i32
        %dma_start3A_238 = tpu.memref_slice %arg3[%add3A_237] : memref<329728xi32, #tpu.memory_space<hbm>> -> memref<184xi32, #tpu.memory_space<hbm>>
        %dma_start3A_239 = tpu.memref_slice %arg3[%add3A_237] : memref<329728xi32, #tpu.memory_space<hbm>> -> memref<184xi32, #tpu.memory_space<hbm>>
        tpu.enqueue_dma source(%dma_start3A_239 : memref<184xi32, #tpu.memory_space<hbm>>) target(%arg8 : memref<184xi32, #tpu.memory_space<vmem>>) target_semaphore(%arg18 : memref<!tpu.dma_semaphore, #tpu.memory_space<semaphore_mem>>)
        %dma_start3A_240 = tpu.memref_slice %arg4[%add3A_237] : memref<329728xi32, #tpu.memory_space<hbm>> -> memref<184xi32, #tpu.memory_space<hbm>>
        %dma_start3A_241 = tpu.memref_slice %arg4[%add3A_237] : memref<329728xi32, #tpu.memory_space<hbm>> -> memref<184xi32, #tpu.memory_space<hbm>>
        tpu.enqueue_dma source(%dma_start3A_241 : memref<184xi32, #tpu.memory_space<hbm>>) target(%arg12 : memref<184xi32, #tpu.memory_space<vmem>>) target_semaphore(%arg22 : memref<!tpu.dma_semaphore, #tpu.memory_space<semaphore_mem>>)
      } else {
      }
      %dma_start3A_196 = arith.constant 0 : i32
      %dma_start3A_197 = arith.constant 0 : i32
      %dma_start3A_198 = tpu.memref_slice %arg2[%dma_start3A_196, %dma_start3A_197] : memref<10240x128xf32, #tpu.memory_space<hbm>> -> memref<10240x128xf32, #tpu.memory_space<hbm>>
      tpu.enqueue_indirect_dma source(%dma_start3A_198 : memref<10240x128xf32, #tpu.memory_space<hbm>>) target(%arg16 : memref<184x128xf32, #tpu.memory_space<vmem>>) offsets(%arg10 : memref<184xi32, #tpu.memory_space<vmem>>) semaphore(%arg26 : memref<!tpu.dma_semaphore, #tpu.memory_space<semaphore_mem>>)
      %dma_wait3A_199 = arith.constant 0 : i32
      %dma_wait3A_200 = arith.constant 0 : i32
      %dma_wait3A_201 = tpu.memref_slice %arg2[%dma_wait3A_199, %dma_wait3A_200] : memref<10240x128xf32, #tpu.memory_space<hbm>> -> memref<10240x128xf32, #tpu.memory_space<hbm>>
      tpu.wait_indirect_dma semaphore(%arg26 : memref<!tpu.dma_semaphore, #tpu.memory_space<semaphore_mem>>) src(%dma_wait3A_201 : memref<10240x128xf32, #tpu.memory_space<hbm>>) dst(%arg16 : memref<184x128xf32, #tpu.memory_space<vmem>>)
      %dma_start3A_202 = arith.constant 0 : i32
      %dma_start3A_203 = arith.constant 0 : i32
      %dma_start3A_204 = tpu.memref_slice %arg7[%dma_start3A_202, %dma_start3A_203] : memref<10240x128xf32, #tpu.memory_space<vmem_shared>> -> memref<10240x128xf32, #tpu.memory_space<vmem_shared>>
      tpu.enqueue_indirect_dma source(%arg16 : memref<184x128xf32, #tpu.memory_space<vmem>>) target(%dma_start3A_204 : memref<10240x128xf32, #tpu.memory_space<vmem_shared>>) offsets(%arg14 : memref<184xi32, #tpu.memory_space<vmem>>) semaphore(%arg28 : memref<!tpu.dma_semaphore, #tpu.memory_space<semaphore_mem>>) {add = true}
      %add3A_205 = arith.constant 3 : i32
      %add3A_206 = arith.addi %mul3A_125, %add3A_205 : i32
      %mul3A_207 = arith.constant 184 : i32
      %mul3A_208 = arith.muli %add3A_206, %mul3A_207 : i32
      %add3A_209 = arith.addi %mul3A_2, %mul3A_208 : i32
      %dma_wait3A_210 = tpu.memref_slice %arg3[%add3A_209] : memref<329728xi32, #tpu.memory_space<hbm>> -> memref<184xi32, #tpu.memory_space<hbm>>
      %dma_wait3A_211 = tpu.memref_slice %arg3[%add3A_209] : memref<329728xi32, #tpu.memory_space<hbm>> -> memref<184xi32, #tpu.memory_space<hbm>>
      tpu.wait_dma2 semaphore(%arg21 : memref<!tpu.dma_semaphore, #tpu.memory_space<semaphore_mem>>) src(%dma_wait3A_211 : memref<184xi32, #tpu.memory_space<hbm>>) dst(%arg11 : memref<184xi32, #tpu.memory_space<vmem>>)
      %dma_wait3A_212 = tpu.memref_slice %arg4[%add3A_209] : memref<329728xi32, #tpu.memory_space<hbm>> -> memref<184xi32, #tpu.memory_space<hbm>>
      %dma_wait3A_213 = tpu.memref_slice %arg4[%add3A_209] : memref<329728xi32, #tpu.memory_space<hbm>> -> memref<184xi32, #tpu.memory_space<hbm>>
      tpu.wait_dma2 semaphore(%arg25 : memref<!tpu.dma_semaphore, #tpu.memory_space<semaphore_mem>>) src(%dma_wait3A_213 : memref<184xi32, #tpu.memory_space<hbm>>) dst(%arg15 : memref<184xi32, #tpu.memory_space<vmem>>)
      %dma_wait3A_214 = arith.constant 0 : i32
      %dma_wait3A_215 = arith.constant 0 : i32
      %dma_wait3A_216 = tpu.memref_slice %arg7[%dma_wait3A_214, %dma_wait3A_215] : memref<10240x128xf32, #tpu.memory_space<vmem_shared>> -> memref<10240x128xf32, #tpu.memory_space<vmem_shared>>
      tpu.wait_indirect_dma semaphore(%arg29 : memref<!tpu.dma_semaphore, #tpu.memory_space<semaphore_mem>>) src(%arg17 : memref<184x128xf32, #tpu.memory_space<vmem>>) dst(%dma_wait3A_216 : memref<10240x128xf32, #tpu.memory_space<vmem_shared>>)
      %add3A_217 = arith.constant 2 : i32
      %add3A_218 = arith.addi %add3A_206, %add3A_217 : i32
      %lt3A_219 = arith.constant 56 : i32
      %lt3A_220 = arith.cmpi slt, %add3A_218, %lt3A_219 : i32
      %convert_element_type3A_221 = arith.extui %lt3A_220 : i1 to i32
      %cond3A_222 = arith.constant 0 : i32
      %cond3A_223 = arith.cmpi ne, %convert_element_type3A_221, %cond3A_222 : i32
      scf.if %cond3A_223 {
        %add3A_233 = arith.constant 2 : i32
        %add3A_234 = arith.addi %add3A_206, %add3A_233 : i32
        %mul3A_235 = arith.constant 184 : i32
        %mul3A_236 = arith.muli %add3A_234, %mul3A_235 : i32
        %add3A_237 = arith.addi %mul3A_2, %mul3A_236 : i32
        %dma_start3A_238 = tpu.memref_slice %arg3[%add3A_237] : memref<329728xi32, #tpu.memory_space<hbm>> -> memref<184xi32, #tpu.memory_space<hbm>>
        %dma_start3A_239 = tpu.memref_slice %arg3[%add3A_237] : memref<329728xi32, #tpu.memory_space<hbm>> -> memref<184xi32, #tpu.memory_space<hbm>>
        tpu.enqueue_dma source(%dma_start3A_239 : memref<184xi32, #tpu.memory_space<hbm>>) target(%arg9 : memref<184xi32, #tpu.memory_space<vmem>>) target_semaphore(%arg19 : memref<!tpu.dma_semaphore, #tpu.memory_space<semaphore_mem>>)
        %dma_start3A_240 = tpu.memref_slice %arg4[%add3A_237] : memref<329728xi32, #tpu.memory_space<hbm>> -> memref<184xi32, #tpu.memory_space<hbm>>
        %dma_start3A_241 = tpu.memref_slice %arg4[%add3A_237] : memref<329728xi32, #tpu.memory_space<hbm>> -> memref<184xi32, #tpu.memory_space<hbm>>
        tpu.enqueue_dma source(%dma_start3A_241 : memref<184xi32, #tpu.memory_space<hbm>>) target(%arg13 : memref<184xi32, #tpu.memory_space<vmem>>) target_semaphore(%arg23 : memref<!tpu.dma_semaphore, #tpu.memory_space<semaphore_mem>>)
      } else {
      }
      %dma_start3A_224 = arith.constant 0 : i32
      %dma_start3A_225 = arith.constant 0 : i32
      %dma_start3A_226 = tpu.memref_slice %arg2[%dma_start3A_224, %dma_start3A_225] : memref<10240x128xf32, #tpu.memory_space<hbm>> -> memref<10240x128xf32, #tpu.memory_space<hbm>>
      tpu.enqueue_indirect_dma source(%dma_start3A_226 : memref<10240x128xf32, #tpu.memory_space<hbm>>) target(%arg17 : memref<184x128xf32, #tpu.memory_space<vmem>>) offsets(%arg11 : memref<184xi32, #tpu.memory_space<vmem>>) semaphore(%arg27 : memref<!tpu.dma_semaphore, #tpu.memory_space<semaphore_mem>>)
      %dma_wait3A_227 = arith.constant 0 : i32
      %dma_wait3A_228 = arith.constant 0 : i32
      %dma_wait3A_229 = tpu.memref_slice %arg2[%dma_wait3A_227, %dma_wait3A_228] : memref<10240x128xf32, #tpu.memory_space<hbm>> -> memref<10240x128xf32, #tpu.memory_space<hbm>>
      tpu.wait_indirect_dma semaphore(%arg27 : memref<!tpu.dma_semaphore, #tpu.memory_space<semaphore_mem>>) src(%dma_wait3A_229 : memref<10240x128xf32, #tpu.memory_space<hbm>>) dst(%arg17 : memref<184x128xf32, #tpu.memory_space<vmem>>)
      %dma_start3A_230 = arith.constant 0 : i32
      %dma_start3A_231 = arith.constant 0 : i32
      %dma_start3A_232 = tpu.memref_slice %arg7[%dma_start3A_230, %dma_start3A_231] : memref<10240x128xf32, #tpu.memory_space<vmem_shared>> -> memref<10240x128xf32, #tpu.memory_space<vmem_shared>>
      tpu.enqueue_indirect_dma source(%arg17 : memref<184x128xf32, #tpu.memory_space<vmem>>) target(%dma_start3A_232 : memref<10240x128xf32, #tpu.memory_space<vmem_shared>>) offsets(%arg15 : memref<184xi32, #tpu.memory_space<vmem>>) semaphore(%arg29 : memref<!tpu.dma_semaphore, #tpu.memory_space<semaphore_mem>>) {add = true}
    }
    %scan3A_111 = arith.constant 13 : i32
    %dma_wait3A_112 = arith.constant 0 : i32
    %dma_wait3A_113 = arith.constant 0 : i32
    %dma_wait3A_114 = tpu.memref_slice %arg7[%dma_wait3A_112, %dma_wait3A_113] : memref<10240x128xf32, #tpu.memory_space<vmem_shared>> -> memref<10240x128xf32, #tpu.memory_space<vmem_shared>>
    tpu.wait_indirect_dma semaphore(%arg28 : memref<!tpu.dma_semaphore, #tpu.memory_space<semaphore_mem>>) src(%arg16 : memref<184x128xf32, #tpu.memory_space<vmem>>) dst(%dma_wait3A_114 : memref<10240x128xf32, #tpu.memory_space<vmem_shared>>)
    %dma_wait3A_115 = arith.constant 0 : i32
    %dma_wait3A_116 = arith.constant 0 : i32
    %dma_wait3A_117 = tpu.memref_slice %arg7[%dma_wait3A_115, %dma_wait3A_116] : memref<10240x128xf32, #tpu.memory_space<vmem_shared>> -> memref<10240x128xf32, #tpu.memory_space<vmem_shared>>
    tpu.wait_indirect_dma semaphore(%arg29 : memref<!tpu.dma_semaphore, #tpu.memory_space<semaphore_mem>>) src(%arg17 : memref<184x128xf32, #tpu.memory_space<vmem>>) dst(%dma_wait3A_117 : memref<10240x128xf32, #tpu.memory_space<vmem_shared>>)
    %barrier3A_118 = arith.constant 0 : index
    tpu.barrier barrier_id(%barrier3A_118)
    %mul3A_119 = arith.constant 640 : i32
    %mul3A_120 = arith.muli %arg1, %mul3A_119 : i32
    %mul3A_121 = arith.constant 640 : i32
    %mul3A_122 = arith.muli %arg1, %mul3A_121 : i32
    "tpu.region"() ({
      %run_scoped3A = tpu.sem_alloc : memref<!tpu.dma_semaphore, #tpu.memory_space<semaphore_mem>>
      %dma_start3A_123 = arith.constant 0 : i32
      %dma_start3A_124 = tpu.memref_slice %arg6[%arg0, %mul3A_122, %dma_start3A_123] : memref<2x10240x128xf32, #tpu.memory_space<hbm>> -> memref<1x640x128xf32, #tpu.memory_space<hbm>>
      %dma_start3A_125 = tpu.memref_squeeze %dma_start3A_124 : memref<1x640x128xf32, #tpu.memory_space<hbm>> -> memref<640x128xf32, #tpu.memory_space<hbm>>
      %dma_start3A_126 = arith.constant 0 : i32
      %dma_start3A_127 = tpu.memref_slice %arg7[%mul3A_120, %dma_start3A_126] : memref<10240x128xf32, #tpu.memory_space<vmem_shared>> -> memref<640x128xf32, #tpu.memory_space<vmem_shared>>
      tpu.enqueue_dma source(%dma_start3A_127 : memref<640x128xf32, #tpu.memory_space<vmem_shared>>) target(%dma_start3A_125 : memref<640x128xf32, #tpu.memory_space<hbm>>) target_semaphore(%run_scoped3A : memref<!tpu.dma_semaphore, #tpu.memory_space<semaphore_mem>>)
      %dma_wait3A_128 = arith.constant 0 : i32
      %dma_wait3A_129 = tpu.memref_slice %arg6[%arg0, %mul3A_122, %dma_wait3A_128] : memref<2x10240x128xf32, #tpu.memory_space<hbm>> -> memref<1x640x128xf32, #tpu.memory_space<hbm>>
      %dma_wait3A_130 = tpu.memref_squeeze %dma_wait3A_129 : memref<1x640x128xf32, #tpu.memory_space<hbm>> -> memref<640x128xf32, #tpu.memory_space<hbm>>
      %dma_wait3A_131 = arith.constant 0 : i32
      %dma_wait3A_132 = tpu.memref_slice %arg7[%mul3A_120, %dma_wait3A_131] : memref<10240x128xf32, #tpu.memory_space<vmem_shared>> -> memref<640x128xf32, #tpu.memory_space<vmem_shared>>
      tpu.wait_dma2 semaphore(%run_scoped3A : memref<!tpu.dma_semaphore, #tpu.memory_space<semaphore_mem>>) src(%dma_wait3A_132 : memref<640x128xf32, #tpu.memory_space<vmem_shared>>) dst(%dma_wait3A_130 : memref<640x128xf32, #tpu.memory_space<hbm>>)
      tpu.yield
    }) : () -> ()
    return
  }
}

module attributes {stable_mosaic.version = 14 : i64} {
  func.func @_in_body(%arg0: i32, %arg1: memref<32x1024xf32, #tpu.memory_space<vmem>>, %arg2: memref<1024x128xf32, #tpu.memory_space<vmem>>, %arg3: memref<128x128xf32, #tpu.memory_space<vmem>>, %arg4: memref<1024x128xf32, #tpu.memory_space<vmem>>, %arg5: memref<1024x1xf32, #tpu.memory_space<vmem>>) attributes {dimension_semantics = [#tpu.dimension_semantics<arbitrary>], iteration_bounds = array<i64: 10>, scalar_prefetch = 0 : i64, scratch_operands = 0 : i64, tpu.core_type = #tpu.core_type<tc>, window_params = [{transform_indices = @transform_0, window_bounds = array<i64: 32, 1024>}, {transform_indices = @transform_1, window_bounds = array<i64: 1024, 128>}, {pipeline_mode = #tpu.pipeline_mode<synchronous>, transform_indices = @transform_2, window_bounds = array<i64: 128, 128>}, {transform_indices = @transform_3, window_bounds = array<i64: 1024, 128>}, {transform_indices = @transform_4, window_bounds = array<i64: 1024, 1>}]} {
    %get3A = arith.constant 0 : index
    %get3A_0 = arith.constant 0 : index
    %get3A_1 = vector.load %arg1[%get3A, %get3A_0] : memref<32x1024xf32, #tpu.memory_space<vmem>>, vector<32x1024xf32>
    %reduce_sum3A = arith.constant dense<0.000000e+00> : vector<1024xf32>
    %reduce_sum3A_2 = vector.multi_reduction <add>, %get3A_1, %reduce_sum3A [0] : vector<32x1024xf32> to vector<1024xf32>
    %add3A = arith.constant 1.000000e+00 : f32
    %add3A_3 = vector.broadcast %add3A : f32 to vector<1024xf32>
    %add3A_4 = arith.addf %add3A_3, %reduce_sum3A_2 : vector<1024xf32>
    %rsqrt3A = math.rsqrt %add3A_4 : vector<1024xf32>
    %broadcast_in_dim3A = vector.shape_cast %rsqrt3A : vector<1024xf32> to vector<1024x1xf32>
    %get3A_5 = arith.constant 0 : index
    %get3A_6 = arith.constant 0 : index
    %get3A_7 = vector.load %arg2[%get3A_5, %get3A_6] : memref<1024x128xf32, #tpu.memory_space<vmem>>, vector<1024x128xf32>
    %get3A_8 = arith.constant 0 : index
    %get3A_9 = arith.constant 0 : index
    %get3A_10 = vector.load %arg3[%get3A_8, %get3A_9] : memref<128x128xf32, #tpu.memory_space<vmem>>, vector<128x128xf32>
    %dot_general3A = arith.constant dense<0.000000e+00> : vector<1024x128xf32>
    %dot_general3A_11 = tpu.matmul %get3A_7, %get3A_10, %dot_general3A {dimension_numbers = #tpu.dot_dimension_numbers<[1], [0], [0], [1], [0, 0, 1, 1], [], []>, transpose_lhs_hint = false} : vector<1024x128xf32>, vector<128x128xf32>, vector<1024x128xf32> -> vector<1024x128xf32>
    %mul3A = vector.broadcast %broadcast_in_dim3A : vector<1024x1xf32> to vector<1024x128xf32>
    %mul3A_12 = arith.mulf %dot_general3A_11, %mul3A : vector<1024x128xf32>
    %swap3A = arith.constant 0 : index
    %swap3A_13 = arith.constant 0 : index
    %swap3A_14 = vector.load %arg4[%swap3A, %swap3A_13] : memref<1024x128xf32, #tpu.memory_space<vmem>>, vector<1024x128xf32>
    tpu.vector_store %arg4[%swap3A, %swap3A_13], %mul3A_12 {strides = array<i32>} : memref<1024x128xf32, #tpu.memory_space<vmem>>, vector<1024x128xf32>,
    %swap3A_15 = arith.constant 0 : index
    %swap3A_16 = arith.constant 0 : index
    %swap3A_17 = vector.load %arg5[%swap3A_15, %swap3A_16] : memref<1024x1xf32, #tpu.memory_space<vmem>>, vector<1024x1xf32>
    tpu.vector_store %arg5[%swap3A_15, %swap3A_16], %broadcast_in_dim3A {strides = array<i32>} : memref<1024x1xf32, #tpu.memory_space<vmem>>, vector<1024x1xf32>,
    return
  }
  func.func @transform_0(%arg0: i32) -> (i32, i32) {
    %c0_i32 = arith.constant 0 : i32
    %c0_i32_0 = arith.constant 0 : i32
    return %c0_i32, %arg0 : i32, i32
  }
  func.func @transform_1(%arg0: i32) -> (i32, i32) {
    %c0_i32 = arith.constant 0 : i32
    %c0_i32_0 = arith.constant 0 : i32
    return %arg0, %c0_i32 : i32, i32
  }
  func.func @transform_2(%arg0: i32) -> (i32, i32) {
    %c0_i32 = arith.constant 0 : i32
    %c0_i32_0 = arith.constant 0 : i32
    %c0_i32_1 = arith.constant 0 : i32
    return %c0_i32, %c0_i32_0 : i32, i32
  }
  func.func @transform_3(%arg0: i32) -> (i32, i32) {
    %c0_i32 = arith.constant 0 : i32
    %c0_i32_0 = arith.constant 0 : i32
    return %arg0, %c0_i32 : i32, i32
  }
  func.func @transform_4(%arg0: i32) -> (i32, i32) {
    %c0_i32 = arith.constant 0 : i32
    %c0_i32_0 = arith.constant 0 : i32
    return %arg0, %c0_i32 : i32, i32
  }
}

module attributes {stable_mosaic.version = 14 : i64} {
  func.func @_mid_body(%arg0: i32, %arg1: memref<2x1024x128xf32, #tpu.memory_space<vmem>>, %arg2: memref<1024x128xf32, #tpu.memory_space<vmem>>, %arg3: memref<1024x1xf32, #tpu.memory_space<vmem>>, %arg4: memref<1x128xf32, #tpu.memory_space<vmem>>, %arg5: memref<128x128xf32, #tpu.memory_space<vmem>>, %arg6: memref<1024x128xf32, #tpu.memory_space<vmem>>) attributes {dimension_semantics = [#tpu.dimension_semantics<arbitrary>], iteration_bounds = array<i64: 10>, scalar_prefetch = 0 : i64, scratch_operands = 0 : i64, tpu.core_type = #tpu.core_type<tc>, window_params = [{transform_indices = @transform_0, window_bounds = array<i64: 2, 1024, 128>}, {transform_indices = @transform_1, window_bounds = array<i64: 1024, 128>}, {transform_indices = @transform_2, window_bounds = array<i64: 1024, 1>}, {pipeline_mode = #tpu.pipeline_mode<synchronous>, transform_indices = @transform_3, window_bounds = array<i64: 1, 128>}, {pipeline_mode = #tpu.pipeline_mode<synchronous>, transform_indices = @transform_4, window_bounds = array<i64: 128, 128>}, {transform_indices = @transform_5, window_bounds = array<i64: 1024, 128>}]} {
    %get3A = arith.constant 0 : index
    %get3A_0 = arith.constant 0 : index
    %get3A_1 = arith.constant 0 : index
    %get3A_2 = vector.load %arg1[%get3A, %get3A_0, %get3A_1] : memref<2x1024x128xf32, #tpu.memory_space<vmem>>, vector<1x1024x128xf32>
    %get3A_3 = vector.shape_cast %get3A_2 : vector<1x1024x128xf32> to vector<1024x128xf32>
    %get3A_4 = arith.constant 1 : index
    %get3A_5 = arith.constant 0 : index
    %get3A_6 = arith.constant 0 : index
    %get3A_7 = vector.load %arg1[%get3A_4, %get3A_5, %get3A_6] : memref<2x1024x128xf32, #tpu.memory_space<vmem>>, vector<1x1024x128xf32>
    %get3A_8 = vector.shape_cast %get3A_7 : vector<1x1024x128xf32> to vector<1024x128xf32>
    %add3A = arith.addf %get3A_3, %get3A_8 : vector<1024x128xf32>
    %get3A_9 = arith.constant 0 : index
    %get3A_10 = arith.constant 0 : index
    %get3A_11 = vector.load %arg2[%get3A_9, %get3A_10] : memref<1024x128xf32, #tpu.memory_space<vmem>>, vector<1024x128xf32>
    %add3A_12 = arith.addf %add3A, %get3A_11 : vector<1024x128xf32>
    %get3A_13 = arith.constant 0 : index
    %get3A_14 = arith.constant 0 : index
    %get3A_15 = vector.load %arg3[%get3A_13, %get3A_14] : memref<1024x1xf32, #tpu.memory_space<vmem>>, vector<1024x1xf32>
    %mul3A = vector.broadcast %get3A_15 : vector<1024x1xf32> to vector<1024x128xf32>
    %mul3A_16 = arith.mulf %add3A_12, %mul3A : vector<1024x128xf32>
    %get3A_17 = arith.constant 0 : index
    %get3A_18 = arith.constant 0 : index
    %get3A_19 = vector.load %arg4[%get3A_17, %get3A_18] : memref<1x128xf32, #tpu.memory_space<vmem>>, vector<1x128xf32>
    %add3A_20 = vector.broadcast %get3A_19 : vector<1x128xf32> to vector<1024x128xf32>
    %add3A_21 = arith.addf %mul3A_16, %add3A_20 : vector<1024x128xf32>
    %max3A = arith.constant 0.000000e+00 : f32
    %max3A_22 = vector.broadcast %max3A : f32 to vector<1024x128xf32>
    %max3A_23 = arith.maximumf %add3A_21, %max3A_22 : vector<1024x128xf32>
    %get3A_24 = arith.constant 0 : index
    %get3A_25 = arith.constant 0 : index
    %get3A_26 = vector.load %arg5[%get3A_24, %get3A_25] : memref<128x128xf32, #tpu.memory_space<vmem>>, vector<128x128xf32>
    %dot_general3A = arith.constant dense<0.000000e+00> : vector<1024x128xf32>
    %dot_general3A_27 = tpu.matmul %max3A_23, %get3A_26, %dot_general3A {dimension_numbers = #tpu.dot_dimension_numbers<[1], [0], [0], [1], [0, 0, 1, 1], [], []>, transpose_lhs_hint = false} : vector<1024x128xf32>, vector<128x128xf32>, vector<1024x128xf32> -> vector<1024x128xf32>
    %get3A_28 = arith.constant 0 : index
    %get3A_29 = arith.constant 0 : index
    %get3A_30 = vector.load %arg3[%get3A_28, %get3A_29] : memref<1024x1xf32, #tpu.memory_space<vmem>>, vector<1024x1xf32>
    %mul3A_31 = vector.broadcast %get3A_30 : vector<1024x1xf32> to vector<1024x128xf32>
    %mul3A_32 = arith.mulf %dot_general3A_27, %mul3A_31 : vector<1024x128xf32>
    %swap3A = arith.constant 0 : index
    %swap3A_33 = arith.constant 0 : index
    %swap3A_34 = vector.load %arg6[%swap3A, %swap3A_33] : memref<1024x128xf32, #tpu.memory_space<vmem>>, vector<1024x128xf32>
    tpu.vector_store %arg6[%swap3A, %swap3A_33], %mul3A_32 {strides = array<i32>} : memref<1024x128xf32, #tpu.memory_space<vmem>>, vector<1024x128xf32>,
    return
  }
  func.func @transform_0(%arg0: i32) -> (i32, i32, i32) {
    %c0_i32 = arith.constant 0 : i32
    %c0_i32_0 = arith.constant 0 : i32
    %c0_i32_1 = arith.constant 0 : i32
    return %c0_i32, %arg0, %c0_i32_0 : i32, i32, i32
  }
  func.func @transform_1(%arg0: i32) -> (i32, i32) {
    %c0_i32 = arith.constant 0 : i32
    %c0_i32_0 = arith.constant 0 : i32
    return %arg0, %c0_i32 : i32, i32
  }
  func.func @transform_2(%arg0: i32) -> (i32, i32) {
    %c0_i32 = arith.constant 0 : i32
    %c0_i32_0 = arith.constant 0 : i32
    return %arg0, %c0_i32 : i32, i32
  }
  func.func @transform_3(%arg0: i32) -> (i32, i32) {
    %c0_i32 = arith.constant 0 : i32
    %c0_i32_0 = arith.constant 0 : i32
    %c0_i32_1 = arith.constant 0 : i32
    return %c0_i32, %c0_i32_0 : i32, i32
  }
  func.func @transform_4(%arg0: i32) -> (i32, i32) {
    %c0_i32 = arith.constant 0 : i32
    %c0_i32_0 = arith.constant 0 : i32
    %c0_i32_1 = arith.constant 0 : i32
    return %c0_i32, %c0_i32_0 : i32, i32
  }
  func.func @transform_5(%arg0: i32) -> (i32, i32) {
    %c0_i32 = arith.constant 0 : i32
    %c0_i32_0 = arith.constant 0 : i32
    return %arg0, %c0_i32 : i32, i32
  }
}

module attributes {stable_mosaic.version = 14 : i64} {
  func.func @_fin_body(%arg0: i32, %arg1: memref<2x1024x128xf32, #tpu.memory_space<vmem>>, %arg2: memref<1024x128xf32, #tpu.memory_space<vmem>>, %arg3: memref<1024x1xf32, #tpu.memory_space<vmem>>, %arg4: memref<1x128xf32, #tpu.memory_space<vmem>>, %arg5: memref<128x1xf32, #tpu.memory_space<vmem>>, %arg6: memref<1x1xf32, #tpu.memory_space<vmem>>, %arg7: memref<1024x1xf32, #tpu.memory_space<vmem>>) attributes {dimension_semantics = [#tpu.dimension_semantics<arbitrary>], iteration_bounds = array<i64: 10>, scalar_prefetch = 0 : i64, scratch_operands = 0 : i64, tpu.core_type = #tpu.core_type<tc>, window_params = [{transform_indices = @transform_0, window_bounds = array<i64: 2, 1024, 128>}, {transform_indices = @transform_1, window_bounds = array<i64: 1024, 128>}, {transform_indices = @transform_2, window_bounds = array<i64: 1024, 1>}, {pipeline_mode = #tpu.pipeline_mode<synchronous>, transform_indices = @transform_3, window_bounds = array<i64: 1, 128>}, {pipeline_mode = #tpu.pipeline_mode<synchronous>, transform_indices = @transform_4, window_bounds = array<i64: 128, 1>}, {pipeline_mode = #tpu.pipeline_mode<synchronous>, transform_indices = @transform_5, window_bounds = array<i64: 1, 1>}, {transform_indices = @transform_6, window_bounds = array<i64: 1024, 1>}]} {
    %get3A = arith.constant 0 : index
    %get3A_0 = arith.constant 0 : index
    %get3A_1 = arith.constant 0 : index
    %get3A_2 = vector.load %arg1[%get3A, %get3A_0, %get3A_1] : memref<2x1024x128xf32, #tpu.memory_space<vmem>>, vector<1x1024x128xf32>
    %get3A_3 = vector.shape_cast %get3A_2 : vector<1x1024x128xf32> to vector<1024x128xf32>
    %get3A_4 = arith.constant 1 : index
    %get3A_5 = arith.constant 0 : index
    %get3A_6 = arith.constant 0 : index
    %get3A_7 = vector.load %arg1[%get3A_4, %get3A_5, %get3A_6] : memref<2x1024x128xf32, #tpu.memory_space<vmem>>, vector<1x1024x128xf32>
    %get3A_8 = vector.shape_cast %get3A_7 : vector<1x1024x128xf32> to vector<1024x128xf32>
    %add3A = arith.addf %get3A_3, %get3A_8 : vector<1024x128xf32>
    %get3A_9 = arith.constant 0 : index
    %get3A_10 = arith.constant 0 : index
    %get3A_11 = vector.load %arg2[%get3A_9, %get3A_10] : memref<1024x128xf32, #tpu.memory_space<vmem>>, vector<1024x128xf32>
    %add3A_12 = arith.addf %add3A, %get3A_11 : vector<1024x128xf32>
    %get3A_13 = arith.constant 0 : index
    %get3A_14 = arith.constant 0 : index
    %get3A_15 = vector.load %arg3[%get3A_13, %get3A_14] : memref<1024x1xf32, #tpu.memory_space<vmem>>, vector<1024x1xf32>
    %mul3A = vector.broadcast %get3A_15 : vector<1024x1xf32> to vector<1024x128xf32>
    %mul3A_16 = arith.mulf %add3A_12, %mul3A : vector<1024x128xf32>
    %get3A_17 = arith.constant 0 : index
    %get3A_18 = arith.constant 0 : index
    %get3A_19 = vector.load %arg4[%get3A_17, %get3A_18] : memref<1x128xf32, #tpu.memory_space<vmem>>, vector<1x128xf32>
    %add3A_20 = vector.broadcast %get3A_19 : vector<1x128xf32> to vector<1024x128xf32>
    %add3A_21 = arith.addf %mul3A_16, %add3A_20 : vector<1024x128xf32>
    %get3A_22 = arith.constant 0 : index
    %get3A_23 = arith.constant 0 : index
    %get3A_24 = vector.load %arg5[%get3A_22, %get3A_23] : memref<128x1xf32, #tpu.memory_space<vmem>>, vector<128x1xf32>
    %dot_general3A = arith.constant dense<0.000000e+00> : vector<1024x1xf32>
    %dot_general3A_25 = tpu.matmul %add3A_21, %get3A_24, %dot_general3A {dimension_numbers = #tpu.dot_dimension_numbers<[1], [0], [0], [1], [0, 0, 1, 1], [], []>, transpose_lhs_hint = false} : vector<1024x128xf32>, vector<128x1xf32>, vector<1024x1xf32> -> vector<1024x1xf32>
    %get3A_26 = arith.constant 0 : index
    %get3A_27 = arith.constant 0 : index
    %get3A_28 = vector.load %arg6[%get3A_26, %get3A_27] : memref<1x1xf32, #tpu.memory_space<vmem>>, vector<1x1xf32>
    %get3A_29 = vector.extract %get3A_28[0, 0] : f32 from vector<1x1xf32>
    %add3A_30 = vector.broadcast %get3A_29 : f32 to vector<1024x1xf32>
    %add3A_31 = arith.addf %dot_general3A_25, %add3A_30 : vector<1024x1xf32>
    %swap3A = arith.constant 0 : index
    %swap3A_32 = arith.constant 0 : index
    %swap3A_33 = vector.load %arg7[%swap3A, %swap3A_32] : memref<1024x1xf32, #tpu.memory_space<vmem>>, vector<1024x1xf32>
    tpu.vector_store %arg7[%swap3A, %swap3A_32], %add3A_31 {strides = array<i32>} : memref<1024x1xf32, #tpu.memory_space<vmem>>, vector<1024x1xf32>,
    return
  }
  func.func @transform_0(%arg0: i32) -> (i32, i32, i32) {
    %c0_i32 = arith.constant 0 : i32
    %c0_i32_0 = arith.constant 0 : i32
    %c0_i32_1 = arith.constant 0 : i32
    return %c0_i32, %arg0, %c0_i32_0 : i32, i32, i32
  }
  func.func @transform_1(%arg0: i32) -> (i32, i32) {
    %c0_i32 = arith.constant 0 : i32
    %c0_i32_0 = arith.constant 0 : i32
    return %arg0, %c0_i32 : i32, i32
  }
  func.func @transform_2(%arg0: i32) -> (i32, i32) {
    %c0_i32 = arith.constant 0 : i32
    %c0_i32_0 = arith.constant 0 : i32
    return %arg0, %c0_i32 : i32, i32
  }
  func.func @transform_3(%arg0: i32) -> (i32, i32) {
    %c0_i32 = arith.constant 0 : i32
    %c0_i32_0 = arith.constant 0 : i32
    %c0_i32_1 = arith.constant 0 : i32
    return %c0_i32, %c0_i32_0 : i32, i32
  }
  func.func @transform_4(%arg0: i32) -> (i32, i32) {
    %c0_i32 = arith.constant 0 : i32
    %c0_i32_0 = arith.constant 0 : i32
    %c0_i32_1 = arith.constant 0 : i32
    return %c0_i32, %c0_i32_0 : i32, i32
  }
  func.func @transform_5(%arg0: i32) -> (i32, i32) {
    %c0_i32 = arith.constant 0 : i32
    %c0_i32_0 = arith.constant 0 : i32
    %c0_i32_1 = arith.constant 0 : i32
    return %c0_i32, %c0_i32_0 : i32, i32
  }
  func.func @transform_6(%arg0: i32) -> (i32, i32) {
    %c0_i32 = arith.constant 0 : i32
    %c0_i32_0 = arith.constant 0 : i32
    return %arg0, %c0_i32 : i32, i32
  }
}

</mosaic_0001>

<sc_bundles>
// kernel: kernel.11.cloned.1.call-start
scs
__scs_entry_jumppad:
0x0: {  	(pc) =	sbr.rel $0x88, $3  }
0x1: {  	(tag) =	ssettag $0x0;
	lr =	simm.s32 $0x1  }
0x2: {  	[smem:$0x3F99] =	sst lr;
	_ =	strace $0xD0000000  }
0x3: {  	_ = 	snop  }
0x4: {  	_ = 	snop  }
0x5: {  	_ = 	snop  }
0x6: {  	_ = 	snop  }
0x7: {  	_ = 	snop  }
__scs_overlays_trampoline_lowered:
0x8: {  	[smem:$0x3FA8] =	sst s0  }
0x9: {  	[smem:$0x3FA9] =	sst s1  }
0xa: {  	[smem:$0x3FAA] =	sst s2  }
0xb: {  	[smem:$0x3FAB] =	sst s3  }
0xc: {  	[smem:$0x3FAC] =	sst s4  }
0xd: {  	[smem:$0x3FAD] =	sst s5  }
0xe: {  	[smem:$0x3FAE] =	sst s6  }
0xf: {  	[smem:$0x3FAF] =	sst s7  }
0x10: {  	[smem:$0x3FB0] =	sst s8  }
0x11: {  	[smem:$0x3FB1] =	sst s9;
	s0 =	simm.s32 @!p0 $0x0  }
0x12: {  	s1 =	sld [smem:$0x3F97];
	s0 =	simm.s32 @p0 $0x1  }
0x13: {  	[smem:$0x3FB2] =	sst s0;
	s0 =	simm.s32 @!p1 $0x0  }
0x14: {  	s2 =	sld [smem:$0x3F96];
	s0 =	simm.s32 @p1 $0x1  }
0x15: {  	[smem:$0x3FB3] =	sst s0;
	s0 =	simm.s32 @!p2 $0x0  }
0x16: {  	s3 =	sld [smem:$0x3FDB];
	s0 =	simm.s32 @p2 $0x1  }
0x17: {  	s4 =	simm.s32 $0x1BF5;
	[smem:$0x3FB5] =	sst s0  }
0x18: {  	s0 =	sld [smem:$0x3F98];
	_ =	swait.ge [sflag:s4], $0x0  }
0x19: {  	s7 =	sld [smem:$0x3F99]  }
0x1a: {  	s8 =	sadd.s32 $0xFFFFE003, lr  }
0x1b: {  	s9 =	sadd.s32 $0xFFFFFEF7, lr;
	s5 =	simm.s32 $0xFFFFFFFF;
	p2 =	slt.u32 s8, $0xFFFFF086  }
0x1c: {  	p1 =	slt.u32 s9, $0xF7A;
	s5 =	simm.s32 @!p2 $0x0  }
0x1d: {  	s5 =	simm.s32 @p1 $0x1;
	p0 =	seq.s32 s7, s2  }
0x1e: {  	s7 =	smul.u32 @!p0 $0xF7A, s2;
	p2 =	seq.s32 @!p0 s5, $0x0  }
0x1f: {  	s9 =	smul.u32 $0xF7A, s1;
	s8 =	simm.s32 @!p0 $0x1BF5;
	p2 =	por !p2, p0  }
0x20: {  	[sflag:s8] =	ssyncset.s32 @!p0 $0xFFFFF086;
	s6 =	sadd.s32 @!p0 s3, s7;
	s7 =	simm.s32 @!p0 $0x108  }
0x21: {  	s3 =	sadd.s32 s3, s9;
	s6 =	sadd.s32 @!p0 $0x88, s6;
	s7 =	simm.s32 @p2 $0x1082  }
0x22: {  	[simem:s7], [sflag:s8] =	dma.local @!p0 [hbm:s6], $0xF7A  }
0x23: {  	s9 =	sor.u32 $0xD0000000, s2;
	s6 =	simm.s32 $0x108;
	_ =	swait.ge @!p0 [sflag:s8], $0x0  }
0x24: {  	s3 =	sadd.s32 $0x88, s3;
	s6 =	simm.s32 @!p1 $0x1082;
	[sflag:s4] =	ssyncset.s32 $0xFFFFF086  }
0x25: {  	[simem:s6], [sflag:s4] =	dma.local [hbm:s3], $0xF7A  }
0x26: {  	[smem:$0x3F99] =	sst s1;
	(tag) =	ssettag s2;
	_ =	strace s9  }
0x27: {  	s1 =	sld [smem:$0x3FA9]  }
0x28: {  	s2 =	sld [smem:$0x3FAA]  }
0x29: {  	s4 =	sld [smem:$0x3FAC]  }
0x2a: {  	p0 =	seq.s32 s5, $0x0;
	s5 =	sld [smem:$0x3FAD]  }
0x2b: {  	s6 =	sld [smem:$0x3FAE]  }
0x2c: {  	s7 =	sld [smem:$0x3FAF]  }
0x2d: {  	s3 =	simm.s32 $0x108;
	s8 =	sld [smem:$0x3FB0]  }
0x2e: {  	s3 =	simm.s32 @!p0 $0x1082;
	s9 =	sld [smem:$0x3FB1]  }
0x2f: {  	lr =	sadd.s32 s0, s3;
	s0 =	sld [smem:$0x3FA8]  }
0x30: {  	s3 =	sld [smem:$0x3FAB]  }
0x31: {  	[smem:$0x3FB4] =	sst s10  }
0x32: {  	s10 =	sld [smem:$0x3FB2];
	_ =	sdelay $0x3  }
0x33: {  	p0 =	seq.s32 s10, $0x1;
	s10 =	sld [smem:$0x3FB4];
	_ =	sdelay $0x3  }
0x34: {  	[smem:$0x3FB4] =	sst s10  }
0x35: {  	s10 =	sld [smem:$0x3FB3];
	_ =	sdelay $0x3  }
0x36: {  	p1 =	seq.s32 s10, $0x1;
	s10 =	sld [smem:$0x3FB4];
	_ =	sdelay $0x3  }
0x37: {  	[smem:$0x3FB4] =	sst s10  }
0x38: {  	s10 =	sld [smem:$0x3FB5]  }
0x39: {  	_ = 	snop;
	(pc) =	sbr.ind lr, $3  }
0x3a: {  	_ = 	snop  }
0x3b: {  	_ = 	snop  }
0x3c: {  	p2 =	seq.s32 s10, $0x1;
	s10 =	sld [smem:$0x3FB4]  }
0x3d: {  	_ =	shalt  }
0x3e: {  	_ =	shalt  }
0x3f: {  	_ =	shalt  }
0x40: {  	_ =	shalt  }
0x41: {  	_ =	shalt  }
0x42: {  	_ =	shalt  }
0x43: {  	_ =	shalt  }
0x44: {  	_ =	shalt  }
0x45: {  	_ =	shalt  }
0x46: {  	_ =	shalt  }
0x47: {  	_ =	shalt  }
0x48: {  	_ =	shalt  }
0x49: {  	_ =	shalt  }
0x4a: {  	_ =	shalt  }
0x4b: {  	_ =	shalt  }
0x4c: {  	_ =	shalt  }
0x4d: {  	_ =	shalt  }
0x4e: {  	_ =	shalt  }
0x4f: {  	_ =	shalt  }
0x50: {  	_ =	shalt  }
0x51: {  	_ =	shalt  }
0x52: {  	_ =	shalt  }
0x53: {  	_ =	shalt  }
0x54: {  	_ =	shalt  }
0x55: {  	_ =	shalt  }
0x56: {  	_ =	shalt  }
0x57: {  	_ =	shalt  }
0x58: {  	_ =	shalt  }
0x59: {  	_ =	shalt  }
0x5a: {  	_ =	shalt  }
0x5b: {  	_ =	shalt  }
0x5c: {  	_ =	shalt  }
0x5d: {  	_ =	shalt  }
0x5e: {  	_ =	shalt  }
0x5f: {  	_ =	shalt  }
0x60: {  	_ =	shalt  }
0x61: {  	_ =	shalt  }
0x62: {  	_ =	shalt  }
0x63: {  	_ =	shalt  }
0x64: {  	_ =	shalt  }
0x65: {  	_ =	shalt  }
0x66: {  	_ =	shalt  }
0x67: {  	_ =	shalt  }
0x68: {  	_ =	shalt  }
0x69: {  	_ =	shalt  }
0x6a: {  	_ =	shalt  }
0x6b: {  	_ =	shalt  }
0x6c: {  	_ =	shalt  }
0x6d: {  	_ =	shalt  }
0x6e: {  	_ =	shalt  }
0x6f: {  	_ =	shalt  }
0x70: {  	_ =	shalt  }
0x71: {  	_ =	shalt  }
0x72: {  	_ =	shalt  }
0x73: {  	_ =	shalt  }
0x74: {  	_ =	shalt  }
0x75: {  	_ =	shalt  }
0x76: {  	_ =	shalt  }
0x77: {  	_ =	shalt  }
0x78: {  	_ =	shalt  }
0x79: {  	_ =	shalt  }
0x7a: {  	_ =	shalt  }
0x7b: {  	_ =	shalt  }
0x7c: {  	_ =	shalt  }
0x7d: {  	_ =	shalt  }
0x7e: {  	_ =	shalt  }
0x7f: {  	_ =	shalt  }
0x80: {  	_ =	shalt  }
0x81: {  	_ =	shalt  }
0x82: {  	_ =	shalt  }
0x83: {  	_ =	shalt  }
0x84: {  	_ =	shalt  }
0x85: {  	_ =	shalt  }
0x86: {  	_ =	shalt  }
0x87: {  	_ =	shalt  }
.Lfunc_end0:
.L_simem_size_0:
called_computation.1_lowered:
.L_overlay_start_0:
0x88: {  	s2 =	sld [smem:$0x3FD9]  }
0x89: {  	s3 =	sld [smem:$0x3FFE];
	_ =	sdelay $0x1  }
0x8a: {  	s1 =	srdreg.scid  }
0x8b: {  	s0 =	sand.u32 $0x1, s1  }
0x8c: {  	s16 =	sshll.u32 s0, $0xA;
	s2 =	sadd.s32 s3, s2  }
0x8d: {  	s2 =	sadd.s32 s2, s16  }
0x8e: {  	[smem:$0x3FC0] =	sst s2  }
0x8f: {  	_ = 	snop  }
0x90: {  	(tm) =	ssettm $0x1  }
0x91: {  	s17 =	sld [smem:$0x3FFB];
	_ =	sdelay $0x3  }
0x92: {  	_ =	strace s17  }
0x93: {  	s2 =	sld [smem:$0x3FFC];
	_ =	sdelay $0x3  }
0x94: {  	_ =	strace s2  }
0x95: {  	s2 =	sld [smem:$0x3FFD];
	_ =	sdelay $0x3  }
0x96: {  	_ =	strace s2  }
0x97: {  	_ =	strace $0x8FFFFFFF  }
0x98: {  	s18 =	sld [smem:$0x3FDB];
	_ =	sdelay $0x1  }
0x99: {  	s19 =	simm.s32 $_scs_section_size  }
0x9a: {  	s4 =	simm.s32 $_size__tile_overlayer_lowered;
	s5 =	simm.s32 $_tile_overlayer_lowered  }
0x9b: {  	s22 =	simm.s32 $0x1BFF;
	s21 =	sshll.u32 s5, $0x1;
	s2 =	sadd.s32 s19, s18  }
0x9c: {  	s6 =	simm.s32 $0x0;
	s20 =	sshll.u32 s4, $0x1;
	s4 =	sadd.s32 s21, s2  }
0x9d: {  	[timem:s6], [sflag:s22] =	dma.local [hbm:s4], s20  }
0x9e: {  	_ =	swait.ge [sflag:s22], s20  }
0x9f: {  	s3 =	ssub.s32 $0x0, s20;
	[sflag:s22] =	ssyncset.done $0x0  }
0xa0: {  	[sflag:s22] =	ssyncadd.s32 s3;
	_ =	sdelay $0x1  }
0xa1: {  	s23 =	simm.s32 $0x1B8B  }
0xa2: {  	_ =	swait.ge [sflag:s23], $0x1  }
0xa3: {  	[sflag:s23] =	ssyncset.done $0x0  }
0xa4: {  	s25 =	simm.s32 $0x1B8E;
	s24 =	sld [smem:$0x3FFE];
	[sflag:s23] =	ssyncadd.s32 $0xFFFFFFFF  }
0xa5: {  	s26 =	simm.s32 $execute0_lowered;
	[smem:$0x3FD2] =	sst s25  }
0xa6: {  	s4 =	sshll.u32 s26, $0x1;
	_ =	strace $0x80000049;
	[dreg:$0x1] =	wrdreg $0xFFFFFFFF  }
0xa7: {  	s28 =	simm.s32 $_size_execute0_lowered;
	s2 =	sadd.s32 s2, s4;
	[dreg:$0x0] =	wrdreg $0x0  }
0xa8: {  	s4 =	sshll.u32 s28, $0x1;
	[dreg:$0x2] =	wrdreg s2  }
0xa9: {  	[dreg:$0x3] =	wrdreg s4  }
0xaa: {  	[dreg:$0x4] =	wrdreg $0xC0  }
0xab: {  	_ =	task [dreg:s6], $0x5FFFF  }
0xac: {  	[dreg:$0x1] =	wrdreg $0xFFFFFFFF  }
0xad: {  	[dreg:$0x0] =	wrdreg $0x60  }
0xae: {  	[dreg:$0x2] =	wrdreg s24  }
0xaf: {  	[dreg:$0x3] =	wrdreg $0x0  }
0xb0: {  	[dreg:$0x4] =	wrdreg $0x9  }
0xb1: {  	_ =	task.clear_ibuf [dreg:s6], $0x5FFFF;
	_ =	strace $0x90000049  }
0xb2: {  	s29 =	simm.s32 $0x9;
	_ =	strace $0x8000004B  }
0xb3: {  	_ =	swait.ge [sflag:s29], $0x1  }
0xb4: {  	[sflag:s29] =	ssyncadd.s32 $0xFFFFFFFF  }
0xb5: {  	_ =	strace $0x9000004B  }
0xb6: {  	_ =	sfence  }
0xb7: {  	s30 =	sld [smem:$0x0];
	_ =	sdelay $0x2  }
0xb8: {  	s31 =	sshll.u32 s1, $0xD;
	s1 =	sshrl.u32 s1, $0x2  }
0xb9: {  	s3 =	sand.u32 $0x4000, s31;
	s1 =	sadd.s32 s1, s30  }
0xba: {  	s0 =	sor.u32 s3, s0;
	s1 =	sshll.u32 s1, $0x11  }
0xbb: {  	s0 =	sor.u32 s1, s0  }
0xbc: {  	s0 =	sadd.s32 $0x8F2B, s0  }
0xbd: {  	[sflag:s0] =	ssyncadd.remote.s32 $0x1  }
0xbe: {  	_ =	sfence.sel $0xFFFF  }
0xbf: {  	[dreg:$0x0] =	wrdreg $0xFFFFFFFF;
	(pc) =	sbr.abs _section_cstart, $3  }
0xc0: {  	[dreg:$0x1] =	wrdreg $0xFFFFFFFF  }
0xc1: {  	_ =	task.clear_ibuf [dreg:s6], $0x2FFFF;
	_ =	strace $0x9FFFFFFF  }
0xc2: {  	(tm) =	ssettm $0x7FFFFFFF  }
0xc3: {  	_ =	shalt  }
tec
execute0_lowered:
.L_overlay_start_1:
0x0: {  	(tag) =	ssettag $0x1  }
0x1: {  	s1 =	rddreg [dreg:$0x0]  }
0x2: {  	s2 =	rddreg [dreg:$0x1]  }
0x3: {  	s3 =	simm.s32 $0x0;
	s13 =	stileid.u32;
	s0 =	srdreg.scid  }
0x4: {  	s28 =	simm.s32 $0x1;
	s29 =	simm.s32 $0x5;
	s30 =	simm.s32 $0x14200  }
0x5: {  	s31 =	simm.s32 $0x14600;
	[smem:$0x7FF] =	sst s3;
	s5 =	smul.u32 $0x14000, s13  }
0x6: {  	s6 =	sand.u32 $0x1, s0;
	s4 =	sadd.s32 $0x2A200, s1;
	s0 =	sadd.s32 $0x15E00, s1  }
0x7: {  	s9 =	sadd.s32 $0x20000, s1;
	s21 =	smul.u32 $0x50000, s13;
	s23 =	sshll.u32 s13, $0x6  }
0x8: {  	_ =	strace $0x8000004A;
	s7 =	smul.u32 $0x140000, s6;
	s8 =	sshll.u32 s6, $0x4  }
0x9: {  	s17 =	ssub.s32 $0x2, s6;
	s6 =	smul.u32 $0x28400, s6;
	s8 =	sor.u32 s13, s8  }
0xa: {  	s10 =	sshrl.u32 s5, $0x3;
	s18 =	sshrl.u32 s17, $0x1;
	s13 =	smul.u32 $0x2840, s13  }
0xb: {  	s5 =	sadd.s32 s5, s7;
	s7 =	smul.u32 $0x2840, s8;
	s16 =	sadd.s32 s10, s1  }
0xc: {  	s22 =	sshrl.u32 s21, $0x2;
	s5 =	sshrl.u32 s5, $0x3;
	s8 =	sadd.s32 $0x52200, s16  }
0xd: {  	s6 =	sadd.s32 s13, s6;
	s1 =	sadd.s32 s5, s1;
	s11 =	sshrl.u32 s7, $0x3  }
0xe: {  	s5 =	ssub.s32 s17, s18;
	s20 =	sadd.s32 $0xB8, s7;
	[dreg:$0x10] =	wrdreg s8  }
0xf: {  	s25 =	sadd.s32 $0x228, s7;
	s13 =	sadd.s32 $0x678, s6;
	s17 =	sadd.s32 $0x5C0, s6  }
0x10: {  	s7 =	sadd.s32 $0x398, s7;
	s19 =	sadd.s32 s0, s11;
	s12 =	sadd.s32 s9, s11  }
0x11: {  	s10 =	sshrl.u32 s20, $0x3;
	s24 =	sadd.s32 $0x2E, s11;
	[dreg:$0xb] =	wrdreg s19  }
0x12: {  	s15 =	sshrl.u32 s13, $0x3;
	s1 =	sadd.s32 $0x7A200, s1;
	[dreg:$0xc] =	wrdreg s12  }
0x13: {  	s18 =	sshrl.u32 s17, $0x3;
	s14 =	sadd.s32 s0, s10;
	[dreg:$0x1a] =	wrdreg s1  }
0x14: {  	s11 =	sadd.s32 $0x5C, s11;
	s10 =	sadd.s32 s9, s10;
	[dreg:$0xd] =	wrdreg s14  }
0x15: {  	s7 =	sshrl.u32 s7, $0x3;
	s26 =	sadd.s32 s0, s24;
	[dreg:$0xe] =	wrdreg s10  }
0x16: {  	s13 =	simm.s32 $0x3;
	s8 =	sadd.s32 s9, s24;
	[dreg:$0x12] =	wrdreg s26  }
0x17: {  	s17 =	simm.s32 $0x8;
	s16 =	sadd.s32 s15, s9;
	[dreg:$0x13] =	wrdreg s8  }
0x18: {  	s19 =	sor.u32 $0x1C0D, s23;
	s21 =	sadd.s32 s0, s11;
	[dreg:$0x3] =	wrdreg s16  }
0x19: {  	s20 =	sadd.s32 s18, s9;
	s11 =	sadd.s32 s9, s11;
	[dreg:$0x16] =	wrdreg s21  }
0x1a: {  	s24 =	sadd.s32 s0, s7;
	s7 =	sadd.s32 s9, s7;
	[dreg:$0x5] =	wrdreg s20  }
0x1b: {  	s1 =	simm.s32 $0x14800;
	s12 =	simm.s32 $0xA;
	[dreg:$0x17] =	wrdreg s11  }
0x1c: {  	s10 =	sadd.s32 s22, s2;
	s8 =	sadd.s32 s15, s0;
	[dreg:$0x18] =	wrdreg s24  }
0x1d: {  	s22 =	sadd.s32 $0x508, s6;
	s6 =	sadd.s32 $0x450, s6;
	[dreg:$0x19] =	wrdreg s7  }
0x1e: {  	s26 =	smax.u32 s5, $0x1;
	s24 =	simm.s32 $0x14100;
	s20 =	simm.s32 $0xD  }
0x1f: {  	s5 =	simm.s32 $0x9;
	s7 =	simm.s32 $0x6;
	[dreg:$0x11] =	wrdreg s19  }
0x20: {  	s15 =	simm.s32 $0xB;
	s16 =	simm.s32 $0x4;
	[dreg:$0xf] =	wrdreg s10  }
0x21: {  	s21 =	simm.s32 $0x0;
	s10 =	sshrl.u32 s25, $0x3;
	[dreg:$0x4] =	wrdreg s8  }
0x22: {  	s8 =	sshrl.u32 s22, $0x3;
	[dreg:$0x1b] =	wrdreg s26;
	s14 =	sadd.s32 s0, s10  }
0x23: {  	s6 =	sshrl.u32 s6, $0x3;
	s10 =	sadd.s32 s9, s10;
	[dreg:$0x14] =	wrdreg s14  }
0x24: {  	s22 =	simm.s32 $0x14000;
	s23 =	sadd.s32 s8, s9;
	[dreg:$0x15] =	wrdreg s10  }
0x25: {  	s8 =	sadd.s32 s8, s0;
	s25 =	sadd.s32 s6, s9;
	[dreg:$0x7] =	wrdreg s23  }
0x26: {  	s9 =	simm.s32 $0x14700;
	s10 =	sadd.s32 s18, s0;
	[dreg:$0x8] =	wrdreg s8  }
0x27: {  	[dreg:$0x9] =	wrdreg s25;
	s0 =	sadd.s32 s6, s0;
	s23 =	simm.s32 $0x14400  }
0x28: {  	s25 =	simm.s32 $0x14500;
	s6 =	simm.s32 $0x2;
	s8 =	simm.s32 $0x14300  }
0x29: {  	s14 =	simm.s32 $0x7;
	s18 =	simm.s32 $0xC;
	[dreg:$0x6] =	wrdreg s10  }
0x2a: {  	[dreg:$0xa] =	wrdreg s0;
	s0 =	simm.s32 $0xB8;
	s10 =	simm.s32 $0x1A400  }
.LBB2_1:
0x2b: {  	[dreg:$0x1c] =	wrdreg s21  }
0x2c: {  	s11 =	rddreg [dreg:$0xb]  }
0x2d: {  	s21 =	rddreg [dreg:$0xc]  }
0x2e: {  	[tilespmem:s22], [sflag:$0x1] =	stream.linear.gather [hbm4b:s11+s3], $0xB8, $0x38;
	v63 =	vld [tilespmem:$0x0]  }
0x2f: {  	s26 =	rddreg [dreg:$0xd]  }
0x30: {  	[tilespmem:s23], [sflag:$0x5] =	stream.linear.gather [hbm4b:s21+s3], $0xB8, $0x38;
	v63 =	vld [tilespmem:$0x0]  }
0x31: {  	s21 =	rddreg [dreg:$0xe]  }
0x32: {  	[tilespmem:s24], [sflag:$0x2] =	stream.linear.gather [hbm4b:s26+s3], $0xB8, $0x38;
	v63 =	vld [tilespmem:$0x0]  }
0x33: {  	s26 =	rddreg [dreg:$0xf]  }
0x34: {  	s11 =	sshrl.u32 s26, $0x3;
	s26 =	rddreg [dreg:$0x10]  }
0x35: {  	[tilespmem:s25], [sflag:$0x6] =	stream.linear.gather [hbm4b:s21+s3], $0xB8, $0x38;
	v63 =	vld [tilespmem:$0x0]  }
0x36: {  	[dreg:$0x1d] =	wrdreg s11  }
0x37: {  	[spmem:s11], [sflag:s19] =	dma.local [hbm:s26], $0x2800  }
0x38: {  	_ =	swait.ge [sflag:s20], $0x2800  }
0x39: {  	[sflag:s20] =	ssyncset.done $0x0  }
0x3a: {  	[sflag:s20] =	ssyncadd.s32 $0xFFFFD800  }
0x3b: {  	[bflag:$0x0] =	sbarrier.arrive $0xFFFF  }
0x3c: {  	_ =	swait.ge [sflag:s28], $0xB8  }
0x3d: {  	[sflag:s28] =	ssyncset.done $0x0  }
0x3e: {  	[sflag:s28] =	ssyncadd.s32 $0xFFFFFF48  }
0x3f: {  	_ =	swait.ge [sflag:s29], $0xB8  }
0x40: {  	[sflag:s29] =	ssyncset.done $0x0  }
0x41: {  	s19 =	rddreg [dreg:$0x12];
	[sflag:s29] =	ssyncadd.s32 $0xFFFFFF48  }
0x42: {  	[tilespmem:s30], [sflag:$0x3] =	stream.linear.gather [hbm4b:s19+s3], $0xB8, $0x38;
	v63 =	vld [tilespmem:$0x0]  }
0x43: {  	s20 =	rddreg [dreg:$0x13]  }
0x44: {  	[tilespmem:s31], [sflag:$0x7] =	stream.linear.gather [hbm4b:s20+s3], $0xB8, $0x38;
	v63 =	vld [tilespmem:$0x0]  }
0x45: {  	_ = 	snop  }
0x46: {  	[tilespmem:s1], [sflag:$0x9] =	stream.indirect.gather [hbm4b:s4+s0], $0x80, s22, s0, $0xb8;
	v63 =	vld [tilespmem:$0x0]  }
0x47: {  	_ =	swait.ge [sflag:s5], $0x5C00  }
0x48: {  	[sflag:s5] =	ssyncset.done $0x0  }
0x49: {  	[sflag:s5] =	ssyncadd.s32 $0xFFFFA400  }
0x4a: {  	[spmem:s2] =	stream.indirect.scatter.add.f32 [tilespmem:s1], [sflag:$0xB], $0x80, s23, s0, $0xb8;
	v63 =	vld [tilespmem:$0x0]  }
0x4b: {  	_ =	swait.ge [sflag:s6], $0xB8  }
0x4c: {  	[sflag:s6] =	ssyncset.done $0x0  }
0x4d: {  	[sflag:s6] =	ssyncadd.s32 $0xFFFFFF48  }
0x4e: {  	_ =	swait.ge [sflag:s7], $0xB8  }
0x4f: {  	[sflag:s7] =	ssyncset.done $0x0  }
0x50: {  	s21 =	rddreg [dreg:$0x14];
	[sflag:s7] =	ssyncadd.s32 $0xFFFFFF48  }
0x51: {  	[tilespmem:s8], [sflag:$0x4] =	stream.linear.gather [hbm4b:s21+s3], $0xB8, $0x38;
	v63 =	vld [tilespmem:$0x0]  }
0x52: {  	s26 =	rddreg [dreg:$0x15]  }
0x53: {  	[tilespmem:s9], [sflag:$0x8] =	stream.linear.gather [hbm4b:s26+s3], $0xB8, $0x38;
	v63 =	vld [tilespmem:$0x0]  }
0x54: {  	_ = 	snop  }
0x55: {  	[tilespmem:s10], [sflag:$0xA] =	stream.indirect.gather [hbm4b:s4+s0], $0x80, s24, s0, $0xb8;
	v63 =	vld [tilespmem:$0x0]  }
0x56: {  	_ =	swait.ge [sflag:s12], $0x5C00  }
0x57: {  	[sflag:s12] =	ssyncset.done $0x0  }
0x58: {  	[sflag:s12] =	ssyncadd.s32 $0xFFFFA400  }
0x59: {  	[spmem:s2] =	stream.indirect.scatter.add.f32 [tilespmem:s10], [sflag:$0xC], $0x80, s25, s0, $0xb8;
	v63 =	vld [tilespmem:$0x0]  }
0x5a: {  	_ =	swait.ge [sflag:s13], $0xB8  }
0x5b: {  	[sflag:s13] =	ssyncset.done $0x0  }
0x5c: {  	[sflag:s13] =	ssyncadd.s32 $0xFFFFFF48  }
0x5d: {  	_ =	swait.ge [sflag:s14], $0xB8  }
0x5e: {  	[sflag:s14] =	ssyncset.done $0x0  }
0x5f: {  	[sflag:s14] =	ssyncadd.s32 $0xFFFFFF48  }
0x60: {  	_ =	swait.ge [sflag:s15], $0x5C00  }
0x61: {  	[sflag:s15] =	ssyncset.done $0x0  }
0x62: {  	s19 =	rddreg [dreg:$0x16];
	[sflag:s15] =	ssyncadd.s32 $0xFFFFA400  }
0x63: {  	[tilespmem:s22], [sflag:$0x1] =	stream.linear.gather [hbm4b:s19+s3], $0xB8, $0x38;
	v63 =	vld [tilespmem:$0x0]  }
0x64: {  	s20 =	rddreg [dreg:$0x17]  }
0x65: {  	[tilespmem:s23], [sflag:$0x5] =	stream.linear.gather [hbm4b:s20+s3], $0xB8, $0x38;
	v63 =	vld [tilespmem:$0x0]  }
0x66: {  	_ = 	snop  }
0x67: {  	[tilespmem:s1], [sflag:$0x9] =	stream.indirect.gather [hbm4b:s4+s0], $0x80, s30, s0, $0xb8;
	v63 =	vld [tilespmem:$0x0]  }
0x68: {  	_ =	swait.ge [sflag:s5], $0x5C00  }
0x69: {  	[sflag:s5] =	ssyncset.done $0x0  }
0x6a: {  	[sflag:s5] =	ssyncadd.s32 $0xFFFFA400  }
0x6b: {  	[spmem:s2] =	stream.indirect.scatter.add.f32 [tilespmem:s1], [sflag:$0xB], $0x80, s31, s0, $0xb8;
	v63 =	vld [tilespmem:$0x0]  }
0x6c: {  	_ =	swait.ge [sflag:s16], $0xB8  }
0x6d: {  	[sflag:s16] =	ssyncset.done $0x0  }
0x6e: {  	[sflag:s16] =	ssyncadd.s32 $0xFFFFFF48  }
0x6f: {  	_ =	swait.ge [sflag:s17], $0xB8  }
0x70: {  	[sflag:s17] =	ssyncset.done $0x0  }
0x71: {  	[sflag:s17] =	ssyncadd.s32 $0xFFFFFF48  }
0x72: {  	_ =	swait.ge [sflag:s18], $0x5C00  }
0x73: {  	[sflag:s18] =	ssyncset.done $0x0  }
0x74: {  	s21 =	rddreg [dreg:$0x18];
	[sflag:s18] =	ssyncadd.s32 $0xFFFFA400  }
0x75: {  	[tilespmem:s24], [sflag:$0x2] =	stream.linear.gather [hbm4b:s21+s3], $0xB8, $0x38;
	v63 =	vld [tilespmem:$0x0]  }
0x76: {  	s26 =	rddreg [dreg:$0x19]  }
0x77: {  	[tilespmem:s25], [sflag:$0x6] =	stream.linear.gather [hbm4b:s26+s3], $0xB8, $0x38;
	v63 =	vld [tilespmem:$0x0]  }
0x78: {  	_ = 	snop  }
0x79: {  	[tilespmem:s10], [sflag:$0xA] =	stream.indirect.gather [hbm4b:s4+s0], $0x80, s8, s0, $0xb8;
	v63 =	vld [tilespmem:$0x0]  }
0x7a: {  	_ =	swait.ge [sflag:s12], $0x5C00  }
0x7b: {  	[sflag:s12] =	ssyncset.done $0x0  }
0x7c: {  	[sflag:s12] =	ssyncadd.s32 $0xFFFFA400  }
0x7d: {  	[spmem:s2] =	stream.indirect.scatter.add.f32 [tilespmem:s10], [sflag:$0xC], $0x80, s9, s0, $0xb8;
	v63 =	vld [tilespmem:$0x0]  }
0x7e: {  	_ =	swait.ge [sflag:s28], $0xB8  }
0x7f: {  	[sflag:s28] =	ssyncset.done $0x0  }
0x80: {  	[sflag:s28] =	ssyncadd.s32 $0xFFFFFF48  }
0x81: {  	_ =	swait.ge [sflag:s29], $0xB8  }
0x82: {  	[sflag:s29] =	ssyncset.done $0x0  }
0x83: {  	[sflag:s29] =	ssyncadd.s32 $0xFFFFFF48  }
0x84: {  	_ =	swait.ge [sflag:s15], $0x5C00  }
0x85: {  	s19 =	rddreg [dreg:$0xa];
	[sflag:s15] =	ssyncset.done $0x0  }
0x86: {  	s20 =	rddreg [dreg:$0x9];
	[sflag:s15] =	ssyncadd.s32 $0xFFFFA400;
	s11 =	sadd.s32 $0x0, s19  }
0x87: {  	[tilespmem:s30], [sflag:$0x3] =	stream.linear.gather [hbm4b:s11+s3], $0xB8, $0x38;
	v63 =	vld [tilespmem:$0x0]  }
0x88: {  	s26 =	sadd.s32 $0x0, s20  }
0x89: {  	[tilespmem:s31], [sflag:$0x7] =	stream.linear.gather [hbm4b:s26+s3], $0xB8, $0x38;
	v63 =	vld [tilespmem:$0x0]  }
0x8a: {  	_ = 	snop  }
0x8b: {  	[tilespmem:s1], [sflag:$0x9] =	stream.indirect.gather [hbm4b:s4+s0], $0x80, s22, s0, $0xb8;
	v63 =	vld [tilespmem:$0x0]  }
0x8c: {  	_ =	swait.ge [sflag:s5], $0x5C00  }
0x8d: {  	[sflag:s5] =	ssyncset.done $0x0  }
0x8e: {  	[sflag:s5] =	ssyncadd.s32 $0xFFFFA400  }
0x8f: {  	[spmem:s2] =	stream.indirect.scatter.add.f32 [tilespmem:s1], [sflag:$0xB], $0x80, s23, s0, $0xb8;
	v63 =	vld [tilespmem:$0x0]  }
0x90: {  	_ =	swait.ge [sflag:s6], $0xB8  }
0x91: {  	[sflag:s6] =	ssyncset.done $0x0  }
0x92: {  	[sflag:s6] =	ssyncadd.s32 $0xFFFFFF48  }
0x93: {  	_ =	swait.ge [sflag:s7], $0xB8  }
0x94: {  	[sflag:s7] =	ssyncset.done $0x0  }
0x95: {  	[sflag:s7] =	ssyncadd.s32 $0xFFFFFF48  }
0x96: {  	_ =	swait.ge [sflag:s18], $0x5C00  }
0x97: {  	s19 =	rddreg [dreg:$0x8];
	[sflag:s18] =	ssyncset.done $0x0  }
0x98: {  	s20 =	rddreg [dreg:$0x7];
	[sflag:s18] =	ssyncadd.s32 $0xFFFFA400;
	s11 =	sadd.s32 $0x0, s19  }
0x99: {  	[tilespmem:s8], [sflag:$0x4] =	stream.linear.gather [hbm4b:s11+s3], $0xB8, $0x38;
	v63 =	vld [tilespmem:$0x0]  }
0x9a: {  	s26 =	sadd.s32 $0x0, s20  }
0x9b: {  	[tilespmem:s9], [sflag:$0x8] =	stream.linear.gather [hbm4b:s26+s3], $0xB8, $0x38;
	v63 =	vld [tilespmem:$0x0]  }
0x9c: {  	_ = 	snop  }
0x9d: {  	[tilespmem:s10], [sflag:$0xA] =	stream.indirect.gather [hbm4b:s4+s0], $0x80, s24, s0, $0xb8;
	v63 =	vld [tilespmem:$0x0]  }
0x9e: {  	_ =	swait.ge [sflag:s12], $0x5C00  }
0x9f: {  	[sflag:s12] =	ssyncset.done $0x0  }
0xa0: {  	[sflag:s12] =	ssyncadd.s32 $0xFFFFA400  }
0xa1: {  	[spmem:s2] =	stream.indirect.scatter.add.f32 [tilespmem:s10], [sflag:$0xC], $0x80, s25, s0, $0xb8;
	v63 =	vld [tilespmem:$0x0]  }
0xa2: {  	_ =	swait.ge [sflag:s13], $0xB8  }
0xa3: {  	[sflag:s13] =	ssyncset.done $0x0  }
0xa4: {  	[sflag:s13] =	ssyncadd.s32 $0xFFFFFF48  }
0xa5: {  	_ =	swait.ge [sflag:s14], $0xB8  }
0xa6: {  	[sflag:s14] =	ssyncset.done $0x0  }
0xa7: {  	p0 =	por $0x0, $0x0;
	[sflag:s14] =	ssyncadd.s32 $0xFFFFFF48  }
0xa8: {  	s20 =	simm.s32 @!p0 $0x14000;
	_ =	swait.ge [sflag:s15], $0x5C00  }
0xa9: {  	s26 =	simm.s32 @!p0 $0x0;
	s11 =	rddreg [dreg:$0x6];
	[sflag:s15] =	ssyncset.done $0x0  }
0xaa: {  	s21 =	rddreg [dreg:$0x5];
	[sflag:s15] =	ssyncadd.s32 $0xFFFFA400;
	s11 =	sadd.s32 @!p0 $0x0, s11  }
0xab: {  	[tilespmem:s20], [sflag:$0x1] =	stream.linear.gather @!p0 [hbm4b:s11+s26], $0xB8, $0x38;
	v63 =	vld [tilespmem:$0x0]  }
0xac: {  	s11 =	simm.s32 @!p0 $0x14400;
	s20 =	sadd.s32 @!p0 $0x0, s21  }
0xad: {  	[tilespmem:s11], [sflag:$0x5] =	stream.linear.gather @!p0 [hbm4b:s20+s26], $0xB8, $0x38;
	v63 =	vld [tilespmem:$0x0]  }
0xae: {  	_ = 	snop  }
0xaf: {  	[tilespmem:s1], [sflag:$0x9] =	stream.indirect.gather [hbm4b:s4+s0], $0x80, s30, s0, $0xb8;
	v63 =	vld [tilespmem:$0x0]  }
0xb0: {  	_ =	swait.ge [sflag:s5], $0x5C00  }
0xb1: {  	[sflag:s5] =	ssyncset.done $0x0  }
0xb2: {  	[sflag:s5] =	ssyncadd.s32 $0xFFFFA400  }
0xb3: {  	[spmem:s2] =	stream.indirect.scatter.add.f32 [tilespmem:s1], [sflag:$0xB], $0x80, s31, s0, $0xb8;
	v63 =	vld [tilespmem:$0x0]  }
0xb4: {  	_ =	swait.ge [sflag:s16], $0xB8  }
0xb5: {  	[sflag:s16] =	ssyncset.done $0x0  }
0xb6: {  	[sflag:s16] =	ssyncadd.s32 $0xFFFFFF48  }
0xb7: {  	_ =	swait.ge [sflag:s17], $0xB8  }
0xb8: {  	[sflag:s17] =	ssyncset.done $0x0  }
0xb9: {  	[sflag:s17] =	ssyncadd.s32 $0xFFFFFF48  }
0xba: {  	_ =	swait.ge [sflag:s18], $0x5C00  }
0xbb: {  	s21 =	simm.s32 @!p0 $0x14100;
	s11 =	rddreg [dreg:$0x4];
	[sflag:s18] =	ssyncset.done $0x0  }
0xbc: {  	s20 =	rddreg [dreg:$0x3];
	[sflag:s18] =	ssyncadd.s32 $0xFFFFA400;
	s11 =	sadd.s32 @!p0 $0x0, s11  }
0xbd: {  	[tilespmem:s21], [sflag:$0x2] =	stream.linear.gather @!p0 [hbm4b:s11+s26], $0xB8, $0x38;
	v63 =	vld [tilespmem:$0x0]  }
0xbe: {  	s20 =	sadd.s32 @!p0 $0x0, s20;
	s11 =	simm.s32 @!p0 $0x14500  }
0xbf: {  	[tilespmem:s11], [sflag:$0x6] =	stream.linear.gather @!p0 [hbm4b:s20+s26], $0xB8, $0x38;
	v63 =	vld [tilespmem:$0x0]  }
0xc0: {  	_ = 	snop  }
0xc1: {  	[tilespmem:s10], [sflag:$0xA] =	stream.indirect.gather [hbm4b:s4+s0], $0x80, s8, s0, $0xb8;
	v63 =	vld [tilespmem:$0x0]  }
0xc2: {  	_ =	swait.ge [sflag:s12], $0x5C00  }
0xc3: {  	s21 =	simm.s32 $0x5C;
	[sflag:s12] =	ssyncset.done $0x0  }
.LBB2_2:
0xc4: {  	[sflag:s12] =	ssyncadd.s32 $0xFFFFA400  }
0xc5: {  	[spmem:s2] =	stream.indirect.scatter.add.f32 [tilespmem:s10], [sflag:$0xC], $0x80, s9, s0, $0xb8;
	v63 =	vld [tilespmem:$0x0]  }
0xc6: {  	_ =	swait.ge [sflag:s28], $0xB8  }
0xc7: {  	[sflag:s28] =	ssyncset.done $0x0  }
0xc8: {  	[sflag:s28] =	ssyncadd.s32 $0xFFFFFF48  }
0xc9: {  	_ =	swait.ge [sflag:s29], $0xB8  }
0xca: {  	[sflag:s29] =	ssyncset.done $0x0  }
0xcb: {  	[sflag:s29] =	ssyncadd.s32 $0xFFFFFF48  }
0xcc: {  	_ =	swait.ge [sflag:s15], $0x5C00  }
0xcd: {  	s11 =	smov.u32 s21;
	s20 =	rddreg [dreg:$0xa];
	[sflag:s15] =	ssyncset.done $0x0  }
0xce: {  	s26 =	rddreg [dreg:$0x9];
	[sflag:s15] =	ssyncadd.s32 $0xFFFFA400;
	s20 =	sadd.s32 s11, s20  }
0xcf: {  	[tilespmem:s30], [sflag:$0x3] =	stream.linear.gather [hbm4b:s20+s3], $0xB8, $0x38;
	v63 =	vld [tilespmem:$0x0]  }
0xd0: {  	s19 =	sadd.s32 s11, s26  }
0xd1: {  	[tilespmem:s31], [sflag:$0x7] =	stream.linear.gather [hbm4b:s19+s3], $0xB8, $0x38;
	v63 =	vld [tilespmem:$0x0]  }
0xd2: {  	_ = 	snop  }
0xd3: {  	[tilespmem:s1], [sflag:$0x9] =	stream.indirect.gather [hbm4b:s4+s0], $0x80, s22, s0, $0xb8;
	v63 =	vld [tilespmem:$0x0]  }
0xd4: {  	_ =	swait.ge [sflag:s5], $0x5C00  }
0xd5: {  	[sflag:s5] =	ssyncset.done $0x0  }
0xd6: {  	[sflag:s5] =	ssyncadd.s32 $0xFFFFA400  }
0xd7: {  	[spmem:s2] =	stream.indirect.scatter.add.f32 [tilespmem:s1], [sflag:$0xB], $0x80, s23, s0, $0xb8;
	v63 =	vld [tilespmem:$0x0]  }
0xd8: {  	_ =	swait.ge [sflag:s6], $0xB8  }
0xd9: {  	[sflag:s6] =	ssyncset.done $0x0  }
0xda: {  	[sflag:s6] =	ssyncadd.s32 $0xFFFFFF48  }
0xdb: {  	_ =	swait.ge [sflag:s7], $0xB8  }
0xdc: {  	[sflag:s7] =	ssyncset.done $0x0  }
0xdd: {  	[sflag:s7] =	ssyncadd.s32 $0xFFFFFF48  }
0xde: {  	_ =	swait.ge [sflag:s18], $0x5C00  }
0xdf: {  	s22 =	rddreg [dreg:$0x8];
	[sflag:s18] =	ssyncset.done $0x0  }
0xe0: {  	s23 =	rddreg [dreg:$0x7];
	[sflag:s18] =	ssyncadd.s32 $0xFFFFA400;
	s20 =	sadd.s32 s11, s22  }
0xe1: {  	[tilespmem:s8], [sflag:$0x4] =	stream.linear.gather [hbm4b:s20+s3], $0xB8, $0x38;
	v63 =	vld [tilespmem:$0x0]  }
0xe2: {  	s26 =	sadd.s32 s11, s23  }
0xe3: {  	[tilespmem:s9], [sflag:$0x8] =	stream.linear.gather [hbm4b:s26+s3], $0xB8, $0x38;
	v63 =	vld [tilespmem:$0x0]  }
0xe4: {  	_ = 	snop  }
0xe5: {  	[tilespmem:s10], [sflag:$0xA] =	stream.indirect.gather [hbm4b:s4+s0], $0x80, s24, s0, $0xb8;
	v63 =	vld [tilespmem:$0x0]  }
0xe6: {  	_ =	swait.ge [sflag:s12], $0x5C00  }
0xe7: {  	[sflag:s12] =	ssyncset.done $0x0  }
0xe8: {  	[sflag:s12] =	ssyncadd.s32 $0xFFFFA400  }
0xe9: {  	[spmem:s2] =	stream.indirect.scatter.add.f32 [tilespmem:s10], [sflag:$0xC], $0x80, s25, s0, $0xb8;
	v63 =	vld [tilespmem:$0x0]  }
0xea: {  	_ =	swait.ge [sflag:s13], $0xB8  }
0xeb: {  	[sflag:s13] =	ssyncset.done $0x0  }
0xec: {  	[sflag:s13] =	ssyncadd.s32 $0xFFFFFF48  }
0xed: {  	_ =	swait.ge [sflag:s14], $0xB8  }
0xee: {  	[sflag:s14] =	ssyncset.done $0x0  }
0xef: {  	p1 =	seq.s32 s11, $0x450;
	[sflag:s14] =	ssyncadd.s32 $0xFFFFFF48  }
0xf0: {  	s19 =	simm.s32 @!p1 $0x0;
	_ =	swait.ge [sflag:s15], $0x5C00  }
0xf1: {  	s22 =	simm.s32 @!p1 $0x14000;
	s20 =	rddreg [dreg:$0x6];
	[sflag:s15] =	ssyncset.done $0x0  }
0xf2: {  	s26 =	rddreg [dreg:$0x5];
	[sflag:s15] =	ssyncadd.s32 $0xFFFFA400;
	s20 =	sadd.s32 @!p1 s11, s20  }
0xf3: {  	[tilespmem:s22], [sflag:$0x1] =	stream.linear.gather @!p1 [hbm4b:s20+s19], $0xB8, $0x38;
	v63 =	vld [tilespmem:$0x0]  }
0xf4: {  	s23 =	simm.s32 @!p1 $0x14400;
	s20 =	sadd.s32 @!p1 s11, s26  }
0xf5: {  	[tilespmem:s23], [sflag:$0x5] =	stream.linear.gather @!p1 [hbm4b:s20+s19], $0xB8, $0x38;
	v63 =	vld [tilespmem:$0x0]  }
0xf6: {  	_ = 	snop  }
0xf7: {  	[tilespmem:s1], [sflag:$0x9] =	stream.indirect.gather [hbm4b:s4+s0], $0x80, s30, s0, $0xb8;
	v63 =	vld [tilespmem:$0x0]  }
0xf8: {  	_ =	swait.ge [sflag:s5], $0x5C00  }
0xf9: {  	[sflag:s5] =	ssyncset.done $0x0  }
0xfa: {  	[sflag:s5] =	ssyncadd.s32 $0xFFFFA400  }
0xfb: {  	[spmem:s2] =	stream.indirect.scatter.add.f32 [tilespmem:s1], [sflag:$0xB], $0x80, s31, s0, $0xb8;
	v63 =	vld [tilespmem:$0x0]  }
0xfc: {  	_ =	swait.ge [sflag:s16], $0xB8  }
0xfd: {  	[sflag:s16] =	ssyncset.done $0x0  }
0xfe: {  	[sflag:s16] =	ssyncadd.s32 $0xFFFFFF48  }
0xff: {  	_ =	swait.ge [sflag:s17], $0xB8  }
0x100: {  	[sflag:s17] =	ssyncset.done $0x0  }
0x101: {  	[sflag:s17] =	ssyncadd.s32 $0xFFFFFF48  }
0x102: {  	s21 =	sadd.s32 $0x5C, s21;
	_ =	swait.ge [sflag:s18], $0x5C00  }
0x103: {  	s23 =	simm.s32 @!p1 $0x14100;
	s20 =	rddreg [dreg:$0x4];
	[sflag:s18] =	ssyncset.done $0x0  }
0x104: {  	s22 =	rddreg [dreg:$0x3];
	[sflag:s18] =	ssyncadd.s32 $0xFFFFA400;
	s20 =	sadd.s32 @!p1 s11, s20  }
0x105: {  	[tilespmem:s23], [sflag:$0x2] =	stream.linear.gather @!p1 [hbm4b:s20+s19], $0xB8, $0x38;
	v63 =	vld [tilespmem:$0x0]  }
0x106: {  	p0 =	sne.s32 s21, $0x4AC;
	s26 =	simm.s32 @!p1 $0x14500;
	s11 =	sadd.s32 @!p1 s11, s22  }
0x107: {  	[tilespmem:s26], [sflag:$0x6] =	stream.linear.gather @!p1 [hbm4b:s11+s19], $0xB8, $0x38;
	v63 =	vld [tilespmem:$0x0]  }
.Ltmp0:
0x108: {  	_ = 	snop;
	(pc) =	sbr.rel @p0 .LBB2_2-.Ltmp0, $4  }
0x109: {  	_ = 	snop  }
0x10a: {  	[tilespmem:s10], [sflag:$0xA] =	stream.indirect.gather [hbm4b:s4+s0], $0x80, s8, s0, $0xb8;
	v63 =	vld [tilespmem:$0x0]  }
0x10b: {  	_ =	swait.ge [sflag:s12], $0x5C00  }
0x10c: {  	s22 =	simm.s32 $0x14000;
	s23 =	simm.s32 $0x14400;
	[sflag:s12] =	ssyncset.done $0x0  }
0x10d: {  	[sflag:s12] =	ssyncadd.s32 $0xFFFFA400  }
0x10e: {  	[spmem:s2] =	stream.indirect.scatter.add.f32 [tilespmem:s10], [sflag:$0xC], $0x80, s9, s0, $0xb8;
	v63 =	vld [tilespmem:$0x0]  }
0x10f: {  	_ =	swait.ge [sflag:s15], $0x5C00  }
0x110: {  	[sflag:s15] =	ssyncset.done $0x0  }
0x111: {  	[sflag:s15] =	ssyncadd.s32 $0xFFFFA400  }
0x112: {  	_ =	swait.ge [sflag:s18], $0x5C00  }
0x113: {  	[sflag:s18] =	ssyncset.done $0x0  }
0x114: {  	[sflag:s18] =	ssyncadd.s32 $0xFFFFA400  }
0x115: {  	[bflag:$0x0] =	sbarrier.arrive $0xFFFF  }
0x116: {  	s19 =	rddreg [dreg:$0x11]  }
0x117: {  	s11 =	rddreg [dreg:$0x1a]  }
0x118: {  	s20 =	rddreg [dreg:$0x1d]  }
0x119: {  	[hbm:s11], [sflag:s19] =	dma.local [spmem:s20], $0x2800  }
0x11a: {  	s20 =	simm.s32 $0xD  }
0x11b: {  	_ =	swait.ge [sflag:s20], $0x2800  }
0x11c: {  	s21 =	rddreg [dreg:$0x1c]  }
0x11d: {  	s26 =	rddreg [dreg:$0x1b];
	s21 =	sadd.s32 $0x1, s21  }
0x11e: {  	p0 =	sne.s32 s21, s26  }
.Ltmp1:
0x11f: {  	_ = 	snop;
	(pc) =	sbr.rel @p0 .LBB2_1-.Ltmp1, $3  }
0x120: {  	_ =	sdelay $0x1  }
0x121: {  	[sflag:s20] =	ssyncset.done $0x0  }
0x122: {  	[sflag:s20] =	ssyncadd.s32 $0xFFFFD800  }
0x123: {  	_ =	sfence.sel $0x180000  }
0x124: {  	[bflag:$0x0] =	sbarrier.arrive $0xFFFF  }
0x125: {  	_ =	strace $0x9000004A  }
0x126: {  	s0 =	stileid.u32;
	[bflag:$0x2] =	sbarrier.arrive $0xFFFF  }
0x127: {  	p0 =	sne.s32 s0, $0x0;
	s0 =	rddreg [dreg:$0x2]  }
0x128: {  	s0 =	sadd.s32 @!p0 $0x100000, s0  }
0x129: {  	[sflag:s0] =	ssyncadd.tile.s32 @!p0 $0x1;
	_ =	shalt  }
.Lfunc_end2:
_tile_overlayer_lowered:
.L_overlay_start_2:
0x12a: {  	(tag) =	ssettag $0x2  }
0x12b: {  	s0 =	rddreg [dreg:$0x0];
	s2 =	stileid.u32  }
0x12c: {  	s1 =	rddreg [dreg:$0x1];
	p0 =	sne.s32 s2, $0x0  }
0x12d: {  	s3 =	rddreg [dreg:$0x2];
	[bflag:$0x3] =	sbarrier.arrive $0xFFFF;
	s2 =	simm.s32 @!p0 $0x1C0D  }
0x12e: {  	[timem:s3], [sflag:s2] =	dma.local @!p0 [hbm:s0], s1  }
0x12f: {  	s0 =	simm.s32 @!p0 $0xD  }
0x130: {  	_ =	swait.ge @!p0 [sflag:s0], s1  }
0x131: {  	s1 =	ssub.s32 @!p0 $0x0, s1;
	[sflag:s0] =	ssyncset.done @!p0 $0x0  }
0x132: {  	[sflag:s0] =	ssyncadd.s32 @!p0 s1  }
0x133: {  	[bflag:$0x3] =	sbarrier.arrive $0xFFFF  }
0x134: {  	_ =	shalt  }

// kernel: kernel.14.cloned.1.call-start
scs
__scs_entry_jumppad:
0x0: {  	(pc) =	sbr.rel $0x88, $3  }
0x1: {  	(tag) =	ssettag $0x0;
	lr =	simm.s32 $0x1  }
0x2: {  	[smem:$0x3F99] =	sst lr;
	_ =	strace $0xD0000000  }
0x3: {  	_ = 	snop  }
0x4: {  	_ = 	snop  }
0x5: {  	_ = 	snop  }
0x6: {  	_ = 	snop  }
0x7: {  	_ = 	snop  }
__scs_overlays_trampoline_lowered:
0x8: {  	[smem:$0x3FA8] =	sst s0  }
0x9: {  	[smem:$0x3FA9] =	sst s1  }
0xa: {  	[smem:$0x3FAA] =	sst s2  }
0xb: {  	[smem:$0x3FAB] =	sst s3  }
0xc: {  	[smem:$0x3FAC] =	sst s4  }
0xd: {  	[smem:$0x3FAD] =	sst s5  }
0xe: {  	[smem:$0x3FAE] =	sst s6  }
0xf: {  	[smem:$0x3FAF] =	sst s7  }
0x10: {  	[smem:$0x3FB0] =	sst s8  }
0x11: {  	[smem:$0x3FB1] =	sst s9;
	s0 =	simm.s32 @!p0 $0x0  }
0x12: {  	s1 =	sld [smem:$0x3F97];
	s0 =	simm.s32 @p0 $0x1  }
0x13: {  	[smem:$0x3FB2] =	sst s0;
	s0 =	simm.s32 @!p1 $0x0  }
0x14: {  	s2 =	sld [smem:$0x3F96];
	s0 =	simm.s32 @p1 $0x1  }
0x15: {  	[smem:$0x3FB3] =	sst s0;
	s0 =	simm.s32 @!p2 $0x0  }
0x16: {  	s3 =	sld [smem:$0x3FDB];
	s0 =	simm.s32 @p2 $0x1  }
0x17: {  	s4 =	simm.s32 $0x1BF5;
	[smem:$0x3FB5] =	sst s0  }
0x18: {  	s0 =	sld [smem:$0x3F98];
	_ =	swait.ge [sflag:s4], $0x0  }
0x19: {  	s7 =	sld [smem:$0x3F99]  }
0x1a: {  	s8 =	sadd.s32 $0xFFFFE003, lr  }
0x1b: {  	s9 =	sadd.s32 $0xFFFFFEF7, lr;
	s5 =	simm.s32 $0xFFFFFFFF;
	p2 =	slt.u32 s8, $0xFFFFF086  }
0x1c: {  	p1 =	slt.u32 s9, $0xF7A;
	s5 =	simm.s32 @!p2 $0x0  }
0x1d: {  	s5 =	simm.s32 @p1 $0x1;
	p0 =	seq.s32 s7, s2  }
0x1e: {  	s7 =	smul.u32 @!p0 $0xF7A, s2;
	p2 =	seq.s32 @!p0 s5, $0x0  }
0x1f: {  	s9 =	smul.u32 $0xF7A, s1;
	s8 =	simm.s32 @!p0 $0x1BF5;
	p2 =	por !p2, p0  }
0x20: {  	[sflag:s8] =	ssyncset.s32 @!p0 $0xFFFFF086;
	s6 =	sadd.s32 @!p0 s3, s7;
	s7 =	simm.s32 @!p0 $0x108  }
0x21: {  	s3 =	sadd.s32 s3, s9;
	s6 =	sadd.s32 @!p0 $0x88, s6;
	s7 =	simm.s32 @p2 $0x1082  }
0x22: {  	[simem:s7], [sflag:s8] =	dma.local @!p0 [hbm:s6], $0xF7A  }
0x23: {  	s9 =	sor.u32 $0xD0000000, s2;
	s6 =	simm.s32 $0x108;
	_ =	swait.ge @!p0 [sflag:s8], $0x0  }
0x24: {  	s3 =	sadd.s32 $0x88, s3;
	s6 =	simm.s32 @!p1 $0x1082;
	[sflag:s4] =	ssyncset.s32 $0xFFFFF086  }
0x25: {  	[simem:s6], [sflag:s4] =	dma.local [hbm:s3], $0xF7A  }
0x26: {  	[smem:$0x3F99] =	sst s1;
	(tag) =	ssettag s2;
	_ =	strace s9  }
0x27: {  	s1 =	sld [smem:$0x3FA9]  }
0x28: {  	s2 =	sld [smem:$0x3FAA]  }
0x29: {  	s4 =	sld [smem:$0x3FAC]  }
0x2a: {  	p0 =	seq.s32 s5, $0x0;
	s5 =	sld [smem:$0x3FAD]  }
0x2b: {  	s6 =	sld [smem:$0x3FAE]  }
0x2c: {  	s7 =	sld [smem:$0x3FAF]  }
0x2d: {  	s3 =	simm.s32 $0x108;
	s8 =	sld [smem:$0x3FB0]  }
0x2e: {  	s3 =	simm.s32 @!p0 $0x1082;
	s9 =	sld [smem:$0x3FB1]  }
0x2f: {  	lr =	sadd.s32 s0, s3;
	s0 =	sld [smem:$0x3FA8]  }
0x30: {  	s3 =	sld [smem:$0x3FAB]  }
0x31: {  	[smem:$0x3FB4] =	sst s10  }
0x32: {  	s10 =	sld [smem:$0x3FB2];
	_ =	sdelay $0x3  }
0x33: {  	p0 =	seq.s32 s10, $0x1;
	s10 =	sld [smem:$0x3FB4];
	_ =	sdelay $0x3  }
0x34: {  	[smem:$0x3FB4] =	sst s10  }
0x35: {  	s10 =	sld [smem:$0x3FB3];
	_ =	sdelay $0x3  }
0x36: {  	p1 =	seq.s32 s10, $0x1;
	s10 =	sld [smem:$0x3FB4];
	_ =	sdelay $0x3  }
0x37: {  	[smem:$0x3FB4] =	sst s10  }
0x38: {  	s10 =	sld [smem:$0x3FB5]  }
0x39: {  	_ = 	snop;
	(pc) =	sbr.ind lr, $3  }
0x3a: {  	_ = 	snop  }
0x3b: {  	_ = 	snop  }
0x3c: {  	p2 =	seq.s32 s10, $0x1;
	s10 =	sld [smem:$0x3FB4]  }
0x3d: {  	_ =	shalt  }
0x3e: {  	_ =	shalt  }
0x3f: {  	_ =	shalt  }
0x40: {  	_ =	shalt  }
0x41: {  	_ =	shalt  }
0x42: {  	_ =	shalt  }
0x43: {  	_ =	shalt  }
0x44: {  	_ =	shalt  }
0x45: {  	_ =	shalt  }
0x46: {  	_ =	shalt  }
0x47: {  	_ =	shalt  }
0x48: {  	_ =	shalt  }
0x49: {  	_ =	shalt  }
0x4a: {  	_ =	shalt  }
0x4b: {  	_ =	shalt  }
0x4c: {  	_ =	shalt  }
0x4d: {  	_ =	shalt  }
0x4e: {  	_ =	shalt  }
0x4f: {  	_ =	shalt  }
0x50: {  	_ =	shalt  }
0x51: {  	_ =	shalt  }
0x52: {  	_ =	shalt  }
0x53: {  	_ =	shalt  }
0x54: {  	_ =	shalt  }
0x55: {  	_ =	shalt  }
0x56: {  	_ =	shalt  }
0x57: {  	_ =	shalt  }
0x58: {  	_ =	shalt  }
0x59: {  	_ =	shalt  }
0x5a: {  	_ =	shalt  }
0x5b: {  	_ =	shalt  }
0x5c: {  	_ =	shalt  }
0x5d: {  	_ =	shalt  }
0x5e: {  	_ =	shalt  }
0x5f: {  	_ =	shalt  }
0x60: {  	_ =	shalt  }
0x61: {  	_ =	shalt  }
0x62: {  	_ =	shalt  }
0x63: {  	_ =	shalt  }
0x64: {  	_ =	shalt  }
0x65: {  	_ =	shalt  }
0x66: {  	_ =	shalt  }
0x67: {  	_ =	shalt  }
0x68: {  	_ =	shalt  }
0x69: {  	_ =	shalt  }
0x6a: {  	_ =	shalt  }
0x6b: {  	_ =	shalt  }
0x6c: {  	_ =	shalt  }
0x6d: {  	_ =	shalt  }
0x6e: {  	_ =	shalt  }
0x6f: {  	_ =	shalt  }
0x70: {  	_ =	shalt  }
0x71: {  	_ =	shalt  }
0x72: {  	_ =	shalt  }
0x73: {  	_ =	shalt  }
0x74: {  	_ =	shalt  }
0x75: {  	_ =	shalt  }
0x76: {  	_ =	shalt  }
0x77: {  	_ =	shalt  }
0x78: {  	_ =	shalt  }
0x79: {  	_ =	shalt  }
0x7a: {  	_ =	shalt  }
0x7b: {  	_ =	shalt  }
0x7c: {  	_ =	shalt  }
0x7d: {  	_ =	shalt  }
0x7e: {  	_ =	shalt  }
0x7f: {  	_ =	shalt  }
0x80: {  	_ =	shalt  }
0x81: {  	_ =	shalt  }
0x82: {  	_ =	shalt  }
0x83: {  	_ =	shalt  }
0x84: {  	_ =	shalt  }
0x85: {  	_ =	shalt  }
0x86: {  	_ =	shalt  }
0x87: {  	_ =	shalt  }
.Lfunc_end0:
.L_simem_size_0:
called_computation.2_lowered:
.L_overlay_start_0:
0x88: {  	s2 =	sld [smem:$0x3FD9]  }
0x89: {  	s3 =	sld [smem:$0x3FFE];
	_ =	sdelay $0x1  }
0x8a: {  	s1 =	srdreg.scid  }
0x8b: {  	s0 =	sand.u32 $0x1, s1  }
0x8c: {  	s16 =	sshll.u32 s0, $0xA;
	s2 =	sadd.s32 s3, s2  }
0x8d: {  	s2 =	sadd.s32 s2, s16  }
0x8e: {  	[smem:$0x3FC0] =	sst s2  }
0x8f: {  	_ = 	snop  }
0x90: {  	(tm) =	ssettm $0x1  }
0x91: {  	s17 =	sld [smem:$0x3FFB];
	_ =	sdelay $0x3  }
0x92: {  	_ =	strace s17  }
0x93: {  	s2 =	sld [smem:$0x3FFC];
	_ =	sdelay $0x3  }
0x94: {  	_ =	strace s2  }
0x95: {  	s2 =	sld [smem:$0x3FFD];
	_ =	sdelay $0x3  }
0x96: {  	_ =	strace s2  }
0x97: {  	_ =	strace $0x8FFFFFFF  }
0x98: {  	s18 =	sld [smem:$0x3FDB];
	_ =	sdelay $0x1  }
0x99: {  	s19 =	simm.s32 $_scs_section_size  }
0x9a: {  	s4 =	simm.s32 $_size__tile_overlayer_lowered;
	s5 =	simm.s32 $_tile_overlayer_lowered  }
0x9b: {  	s22 =	simm.s32 $0x1BFF;
	s21 =	sshll.u32 s5, $0x1;
	s2 =	sadd.s32 s19, s18  }
0x9c: {  	s6 =	simm.s32 $0x0;
	s20 =	sshll.u32 s4, $0x1;
	s4 =	sadd.s32 s21, s2  }
0x9d: {  	[timem:s6], [sflag:s22] =	dma.local [hbm:s4], s20  }
0x9e: {  	_ =	swait.ge [sflag:s22], s20  }
0x9f: {  	s3 =	ssub.s32 $0x0, s20;
	[sflag:s22] =	ssyncset.done $0x0  }
0xa0: {  	[sflag:s22] =	ssyncadd.s32 s3;
	_ =	sdelay $0x1  }
0xa1: {  	s23 =	simm.s32 $0x1B8B  }
0xa2: {  	_ =	swait.ge [sflag:s23], $0x1  }
0xa3: {  	[sflag:s23] =	ssyncset.done $0x0  }
0xa4: {  	s25 =	simm.s32 $0x1B8E;
	s24 =	sld [smem:$0x3FFE];
	[sflag:s23] =	ssyncadd.s32 $0xFFFFFFFF  }
0xa5: {  	s26 =	simm.s32 $execute0_lowered;
	[smem:$0x3FD2] =	sst s25  }
0xa6: {  	s4 =	sshll.u32 s26, $0x1;
	_ =	strace $0x8000004C;
	[dreg:$0x1] =	wrdreg $0xFFFFFFFF  }
0xa7: {  	s28 =	simm.s32 $_size_execute0_lowered;
	s2 =	sadd.s32 s2, s4;
	[dreg:$0x0] =	wrdreg $0x0  }
0xa8: {  	s4 =	sshll.u32 s28, $0x1;
	[dreg:$0x2] =	wrdreg s2  }
0xa9: {  	[dreg:$0x3] =	wrdreg s4  }
0xaa: {  	[dreg:$0x4] =	wrdreg $0xC0  }
0xab: {  	_ =	task [dreg:s6], $0x5FFFF  }
0xac: {  	[dreg:$0x1] =	wrdreg $0xFFFFFFFF  }
0xad: {  	[dreg:$0x0] =	wrdreg $0x60  }
0xae: {  	[dreg:$0x2] =	wrdreg s24  }
0xaf: {  	[dreg:$0x3] =	wrdreg $0x0  }
0xb0: {  	[dreg:$0x4] =	wrdreg $0x9  }
0xb1: {  	_ =	task.clear_ibuf [dreg:s6], $0x5FFFF;
	_ =	strace $0x9000004C  }
0xb2: {  	s29 =	simm.s32 $0x9;
	_ =	strace $0x8000004E  }
0xb3: {  	_ =	swait.ge [sflag:s29], $0x1  }
0xb4: {  	[sflag:s29] =	ssyncadd.s32 $0xFFFFFFFF  }
0xb5: {  	_ =	strace $0x9000004E  }
0xb6: {  	_ =	sfence  }
0xb7: {  	s30 =	sld [smem:$0x0];
	_ =	sdelay $0x2  }
0xb8: {  	s31 =	sshll.u32 s1, $0xD;
	s1 =	sshrl.u32 s1, $0x2  }
0xb9: {  	s3 =	sand.u32 $0x4000, s31;
	s1 =	sadd.s32 s1, s30  }
0xba: {  	s0 =	sor.u32 s3, s0;
	s1 =	sshll.u32 s1, $0x11  }
0xbb: {  	s0 =	sor.u32 s1, s0  }
0xbc: {  	s0 =	sadd.s32 $0x8F2B, s0  }
0xbd: {  	[sflag:s0] =	ssyncadd.remote.s32 $0x1  }
0xbe: {  	_ =	sfence.sel $0xFFFF  }
0xbf: {  	[dreg:$0x0] =	wrdreg $0xFFFFFFFF;
	(pc) =	sbr.abs _section_cstart, $3  }
0xc0: {  	[dreg:$0x1] =	wrdreg $0xFFFFFFFF  }
0xc1: {  	_ =	task.clear_ibuf [dreg:s6], $0x2FFFF;
	_ =	strace $0x9FFFFFFF  }
0xc2: {  	(tm) =	ssettm $0x7FFFFFFF  }
0xc3: {  	_ =	shalt  }
tec
execute0_lowered:
.L_overlay_start_1:
0x0: {  	(tag) =	ssettag $0x1  }
0x1: {  	s1 =	rddreg [dreg:$0x0]  }
0x2: {  	s2 =	rddreg [dreg:$0x1]  }
0x3: {  	s3 =	simm.s32 $0x0;
	s13 =	stileid.u32;
	s0 =	srdreg.scid  }
0x4: {  	s28 =	simm.s32 $0x1;
	s29 =	simm.s32 $0x5;
	s30 =	simm.s32 $0x14200  }
0x5: {  	s31 =	simm.s32 $0x14600;
	[smem:$0x7FF] =	sst s3;
	s5 =	smul.u32 $0x14000, s13  }
0x6: {  	s6 =	sand.u32 $0x1, s0;
	s4 =	sadd.s32 $0x2A200, s1;
	s0 =	sadd.s32 $0x15E00, s1  }
0x7: {  	s9 =	sadd.s32 $0x20000, s1;
	s21 =	smul.u32 $0x50000, s13;
	s23 =	sshll.u32 s13, $0x6  }
0x8: {  	_ =	strace $0x8000004D;
	s7 =	smul.u32 $0x140000, s6;
	s8 =	sshll.u32 s6, $0x4  }
0x9: {  	s17 =	ssub.s32 $0x2, s6;
	s6 =	smul.u32 $0x28400, s6;
	s8 =	sor.u32 s13, s8  }
0xa: {  	s10 =	sshrl.u32 s5, $0x3;
	s18 =	sshrl.u32 s17, $0x1;
	s13 =	smul.u32 $0x2840, s13  }
0xb: {  	s5 =	sadd.s32 s5, s7;
	s7 =	smul.u32 $0x2840, s8;
	s16 =	sadd.s32 s10, s1  }
0xc: {  	s22 =	sshrl.u32 s21, $0x2;
	s5 =	sshrl.u32 s5, $0x3;
	s8 =	sadd.s32 $0x52200, s16  }
0xd: {  	s6 =	sadd.s32 s13, s6;
	s1 =	sadd.s32 s5, s1;
	s11 =	sshrl.u32 s7, $0x3  }
0xe: {  	s5 =	ssub.s32 s17, s18;
	s20 =	sadd.s32 $0xB8, s7;
	[dreg:$0x10] =	wrdreg s8  }
0xf: {  	s25 =	sadd.s32 $0x228, s7;
	s13 =	sadd.s32 $0x678, s6;
	s17 =	sadd.s32 $0x5C0, s6  }
0x10: {  	s7 =	sadd.s32 $0x398, s7;
	s19 =	sadd.s32 s0, s11;
	s12 =	sadd.s32 s9, s11  }
0x11: {  	s10 =	sshrl.u32 s20, $0x3;
	s24 =	sadd.s32 $0x2E, s11;
	[dreg:$0xb] =	wrdreg s19  }
0x12: {  	s15 =	sshrl.u32 s13, $0x3;
	s1 =	sadd.s32 $0x7A200, s1;
	[dreg:$0xc] =	wrdreg s12  }
0x13: {  	s18 =	sshrl.u32 s17, $0x3;
	s14 =	sadd.s32 s0, s10;
	[dreg:$0x1a] =	wrdreg s1  }
0x14: {  	s11 =	sadd.s32 $0x5C, s11;
	s10 =	sadd.s32 s9, s10;
	[dreg:$0xd] =	wrdreg s14  }
0x15: {  	s7 =	sshrl.u32 s7, $0x3;
	s26 =	sadd.s32 s0, s24;
	[dreg:$0xe] =	wrdreg s10  }
0x16: {  	s13 =	simm.s32 $0x3;
	s8 =	sadd.s32 s9, s24;
	[dreg:$0x12] =	wrdreg s26  }
0x17: {  	s17 =	simm.s32 $0x8;
	s16 =	sadd.s32 s15, s9;
	[dreg:$0x13] =	wrdreg s8  }
0x18: {  	s19 =	sor.u32 $0x1C0D, s23;
	s21 =	sadd.s32 s0, s11;
	[dreg:$0x3] =	wrdreg s16  }
0x19: {  	s20 =	sadd.s32 s18, s9;
	s11 =	sadd.s32 s9, s11;
	[dreg:$0x16] =	wrdreg s21  }
0x1a: {  	s24 =	sadd.s32 s0, s7;
	s7 =	sadd.s32 s9, s7;
	[dreg:$0x5] =	wrdreg s20  }
0x1b: {  	s1 =	simm.s32 $0x14800;
	s12 =	simm.s32 $0xA;
	[dreg:$0x17] =	wrdreg s11  }
0x1c: {  	s10 =	sadd.s32 s22, s2;
	s8 =	sadd.s32 s15, s0;
	[dreg:$0x18] =	wrdreg s24  }
0x1d: {  	s22 =	sadd.s32 $0x508, s6;
	s6 =	sadd.s32 $0x450, s6;
	[dreg:$0x19] =	wrdreg s7  }
0x1e: {  	s26 =	smax.u32 s5, $0x1;
	s24 =	simm.s32 $0x14100;
	s20 =	simm.s32 $0xD  }
0x1f: {  	s5 =	simm.s32 $0x9;
	s7 =	simm.s32 $0x6;
	[dreg:$0x11] =	wrdreg s19  }
0x20: {  	s15 =	simm.s32 $0xB;
	s16 =	simm.s32 $0x4;
	[dreg:$0xf] =	wrdreg s10  }
0x21: {  	s21 =	simm.s32 $0x0;
	s10 =	sshrl.u32 s25, $0x3;
	[dreg:$0x4] =	wrdreg s8  }
0x22: {  	s8 =	sshrl.u32 s22, $0x3;
	[dreg:$0x1b] =	wrdreg s26;
	s14 =	sadd.s32 s0, s10  }
0x23: {  	s6 =	sshrl.u32 s6, $0x3;
	s10 =	sadd.s32 s9, s10;
	[dreg:$0x14] =	wrdreg s14  }
0x24: {  	s22 =	simm.s32 $0x14000;
	s23 =	sadd.s32 s8, s9;
	[dreg:$0x15] =	wrdreg s10  }
0x25: {  	s8 =	sadd.s32 s8, s0;
	s25 =	sadd.s32 s6, s9;
	[dreg:$0x7] =	wrdreg s23  }
0x26: {  	s9 =	simm.s32 $0x14700;
	s10 =	sadd.s32 s18, s0;
	[dreg:$0x8] =	wrdreg s8  }
0x27: {  	[dreg:$0x9] =	wrdreg s25;
	s0 =	sadd.s32 s6, s0;
	s23 =	simm.s32 $0x14400  }
0x28: {  	s25 =	simm.s32 $0x14500;
	s6 =	simm.s32 $0x2;
	s8 =	simm.s32 $0x14300  }
0x29: {  	s14 =	simm.s32 $0x7;
	s18 =	simm.s32 $0xC;
	[dreg:$0x6] =	wrdreg s10  }
0x2a: {  	[dreg:$0xa] =	wrdreg s0;
	s0 =	simm.s32 $0xB8;
	s10 =	simm.s32 $0x1A400  }
.LBB2_1:
0x2b: {  	[dreg:$0x1c] =	wrdreg s21  }
0x2c: {  	s11 =	rddreg [dreg:$0xb]  }
0x2d: {  	s21 =	rddreg [dreg:$0xc]  }
0x2e: {  	[tilespmem:s22], [sflag:$0x1] =	stream.linear.gather [hbm4b:s11+s3], $0xB8, $0x38;
	v63 =	vld [tilespmem:$0x0]  }
0x2f: {  	s26 =	rddreg [dreg:$0xd]  }
0x30: {  	[tilespmem:s23], [sflag:$0x5] =	stream.linear.gather [hbm4b:s21+s3], $0xB8, $0x38;
	v63 =	vld [tilespmem:$0x0]  }
0x31: {  	s21 =	rddreg [dreg:$0xe]  }
0x32: {  	[tilespmem:s24], [sflag:$0x2] =	stream.linear.gather [hbm4b:s26+s3], $0xB8, $0x38;
	v63 =	vld [tilespmem:$0x0]  }
0x33: {  	s26 =	rddreg [dreg:$0xf]  }
0x34: {  	s11 =	sshrl.u32 s26, $0x3;
	s26 =	rddreg [dreg:$0x10]  }
0x35: {  	[tilespmem:s25], [sflag:$0x6] =	stream.linear.gather [hbm4b:s21+s3], $0xB8, $0x38;
	v63 =	vld [tilespmem:$0x0]  }
0x36: {  	[dreg:$0x1d] =	wrdreg s11  }
0x37: {  	[spmem:s11], [sflag:s19] =	dma.local [hbm:s26], $0x2800  }
0x38: {  	_ =	swait.ge [sflag:s20], $0x2800  }
0x39: {  	[sflag:s20] =	ssyncset.done $0x0  }
0x3a: {  	[sflag:s20] =	ssyncadd.s32 $0xFFFFD800  }
0x3b: {  	[bflag:$0x0] =	sbarrier.arrive $0xFFFF  }
0x3c: {  	_ =	swait.ge [sflag:s28], $0xB8  }
0x3d: {  	[sflag:s28] =	ssyncset.done $0x0  }
0x3e: {  	[sflag:s28] =	ssyncadd.s32 $0xFFFFFF48  }
0x3f: {  	_ =	swait.ge [sflag:s29], $0xB8  }
0x40: {  	[sflag:s29] =	ssyncset.done $0x0  }
0x41: {  	s19 =	rddreg [dreg:$0x12];
	[sflag:s29] =	ssyncadd.s32 $0xFFFFFF48  }
0x42: {  	[tilespmem:s30], [sflag:$0x3] =	stream.linear.gather [hbm4b:s19+s3], $0xB8, $0x38;
	v63 =	vld [tilespmem:$0x0]  }
0x43: {  	s20 =	rddreg [dreg:$0x13]  }
0x44: {  	[tilespmem:s31], [sflag:$0x7] =	stream.linear.gather [hbm4b:s20+s3], $0xB8, $0x38;
	v63 =	vld [tilespmem:$0x0]  }
0x45: {  	_ = 	snop  }
0x46: {  	[tilespmem:s1], [sflag:$0x9] =	stream.indirect.gather [hbm4b:s4+s0], $0x80, s22, s0, $0xb8;
	v63 =	vld [tilespmem:$0x0]  }
0x47: {  	_ =	swait.ge [sflag:s5], $0x5C00  }
0x48: {  	[sflag:s5] =	ssyncset.done $0x0  }
0x49: {  	[sflag:s5] =	ssyncadd.s32 $0xFFFFA400  }
0x4a: {  	[spmem:s2] =	stream.indirect.scatter.add.f32 [tilespmem:s1], [sflag:$0xB], $0x80, s23, s0, $0xb8;
	v63 =	vld [tilespmem:$0x0]  }
0x4b: {  	_ =	swait.ge [sflag:s6], $0xB8  }
0x4c: {  	[sflag:s6] =	ssyncset.done $0x0  }
0x4d: {  	[sflag:s6] =	ssyncadd.s32 $0xFFFFFF48  }
0x4e: {  	_ =	swait.ge [sflag:s7], $0xB8  }
0x4f: {  	[sflag:s7] =	ssyncset.done $0x0  }
0x50: {  	s21 =	rddreg [dreg:$0x14];
	[sflag:s7] =	ssyncadd.s32 $0xFFFFFF48  }
0x51: {  	[tilespmem:s8], [sflag:$0x4] =	stream.linear.gather [hbm4b:s21+s3], $0xB8, $0x38;
	v63 =	vld [tilespmem:$0x0]  }
0x52: {  	s26 =	rddreg [dreg:$0x15]  }
0x53: {  	[tilespmem:s9], [sflag:$0x8] =	stream.linear.gather [hbm4b:s26+s3], $0xB8, $0x38;
	v63 =	vld [tilespmem:$0x0]  }
0x54: {  	_ = 	snop  }
0x55: {  	[tilespmem:s10], [sflag:$0xA] =	stream.indirect.gather [hbm4b:s4+s0], $0x80, s24, s0, $0xb8;
	v63 =	vld [tilespmem:$0x0]  }
0x56: {  	_ =	swait.ge [sflag:s12], $0x5C00  }
0x57: {  	[sflag:s12] =	ssyncset.done $0x0  }
0x58: {  	[sflag:s12] =	ssyncadd.s32 $0xFFFFA400  }
0x59: {  	[spmem:s2] =	stream.indirect.scatter.add.f32 [tilespmem:s10], [sflag:$0xC], $0x80, s25, s0, $0xb8;
	v63 =	vld [tilespmem:$0x0]  }
0x5a: {  	_ =	swait.ge [sflag:s13], $0xB8  }
0x5b: {  	[sflag:s13] =	ssyncset.done $0x0  }
0x5c: {  	[sflag:s13] =	ssyncadd.s32 $0xFFFFFF48  }
0x5d: {  	_ =	swait.ge [sflag:s14], $0xB8  }
0x5e: {  	[sflag:s14] =	ssyncset.done $0x0  }
0x5f: {  	[sflag:s14] =	ssyncadd.s32 $0xFFFFFF48  }
0x60: {  	_ =	swait.ge [sflag:s15], $0x5C00  }
0x61: {  	[sflag:s15] =	ssyncset.done $0x0  }
0x62: {  	s19 =	rddreg [dreg:$0x16];
	[sflag:s15] =	ssyncadd.s32 $0xFFFFA400  }
0x63: {  	[tilespmem:s22], [sflag:$0x1] =	stream.linear.gather [hbm4b:s19+s3], $0xB8, $0x38;
	v63 =	vld [tilespmem:$0x0]  }
0x64: {  	s20 =	rddreg [dreg:$0x17]  }
0x65: {  	[tilespmem:s23], [sflag:$0x5] =	stream.linear.gather [hbm4b:s20+s3], $0xB8, $0x38;
	v63 =	vld [tilespmem:$0x0]  }
0x66: {  	_ = 	snop  }
0x67: {  	[tilespmem:s1], [sflag:$0x9] =	stream.indirect.gather [hbm4b:s4+s0], $0x80, s30, s0, $0xb8;
	v63 =	vld [tilespmem:$0x0]  }
0x68: {  	_ =	swait.ge [sflag:s5], $0x5C00  }
0x69: {  	[sflag:s5] =	ssyncset.done $0x0  }
0x6a: {  	[sflag:s5] =	ssyncadd.s32 $0xFFFFA400  }
0x6b: {  	[spmem:s2] =	stream.indirect.scatter.add.f32 [tilespmem:s1], [sflag:$0xB], $0x80, s31, s0, $0xb8;
	v63 =	vld [tilespmem:$0x0]  }
0x6c: {  	_ =	swait.ge [sflag:s16], $0xB8  }
0x6d: {  	[sflag:s16] =	ssyncset.done $0x0  }
0x6e: {  	[sflag:s16] =	ssyncadd.s32 $0xFFFFFF48  }
0x6f: {  	_ =	swait.ge [sflag:s17], $0xB8  }
0x70: {  	[sflag:s17] =	ssyncset.done $0x0  }
0x71: {  	[sflag:s17] =	ssyncadd.s32 $0xFFFFFF48  }
0x72: {  	_ =	swait.ge [sflag:s18], $0x5C00  }
0x73: {  	[sflag:s18] =	ssyncset.done $0x0  }
0x74: {  	s21 =	rddreg [dreg:$0x18];
	[sflag:s18] =	ssyncadd.s32 $0xFFFFA400  }
0x75: {  	[tilespmem:s24], [sflag:$0x2] =	stream.linear.gather [hbm4b:s21+s3], $0xB8, $0x38;
	v63 =	vld [tilespmem:$0x0]  }
0x76: {  	s26 =	rddreg [dreg:$0x19]  }
0x77: {  	[tilespmem:s25], [sflag:$0x6] =	stream.linear.gather [hbm4b:s26+s3], $0xB8, $0x38;
	v63 =	vld [tilespmem:$0x0]  }
0x78: {  	_ = 	snop  }
0x79: {  	[tilespmem:s10], [sflag:$0xA] =	stream.indirect.gather [hbm4b:s4+s0], $0x80, s8, s0, $0xb8;
	v63 =	vld [tilespmem:$0x0]  }
0x7a: {  	_ =	swait.ge [sflag:s12], $0x5C00  }
0x7b: {  	[sflag:s12] =	ssyncset.done $0x0  }
0x7c: {  	[sflag:s12] =	ssyncadd.s32 $0xFFFFA400  }
0x7d: {  	[spmem:s2] =	stream.indirect.scatter.add.f32 [tilespmem:s10], [sflag:$0xC], $0x80, s9, s0, $0xb8;
	v63 =	vld [tilespmem:$0x0]  }
0x7e: {  	_ =	swait.ge [sflag:s28], $0xB8  }
0x7f: {  	[sflag:s28] =	ssyncset.done $0x0  }
0x80: {  	[sflag:s28] =	ssyncadd.s32 $0xFFFFFF48  }
0x81: {  	_ =	swait.ge [sflag:s29], $0xB8  }
0x82: {  	[sflag:s29] =	ssyncset.done $0x0  }
0x83: {  	[sflag:s29] =	ssyncadd.s32 $0xFFFFFF48  }
0x84: {  	_ =	swait.ge [sflag:s15], $0x5C00  }
0x85: {  	s19 =	rddreg [dreg:$0xa];
	[sflag:s15] =	ssyncset.done $0x0  }
0x86: {  	s20 =	rddreg [dreg:$0x9];
	[sflag:s15] =	ssyncadd.s32 $0xFFFFA400;
	s11 =	sadd.s32 $0x0, s19  }
0x87: {  	[tilespmem:s30], [sflag:$0x3] =	stream.linear.gather [hbm4b:s11+s3], $0xB8, $0x38;
	v63 =	vld [tilespmem:$0x0]  }
0x88: {  	s26 =	sadd.s32 $0x0, s20  }
0x89: {  	[tilespmem:s31], [sflag:$0x7] =	stream.linear.gather [hbm4b:s26+s3], $0xB8, $0x38;
	v63 =	vld [tilespmem:$0x0]  }
0x8a: {  	_ = 	snop  }
0x8b: {  	[tilespmem:s1], [sflag:$0x9] =	stream.indirect.gather [hbm4b:s4+s0], $0x80, s22, s0, $0xb8;
	v63 =	vld [tilespmem:$0x0]  }
0x8c: {  	_ =	swait.ge [sflag:s5], $0x5C00  }
0x8d: {  	[sflag:s5] =	ssyncset.done $0x0  }
0x8e: {  	[sflag:s5] =	ssyncadd.s32 $0xFFFFA400  }
0x8f: {  	[spmem:s2] =	stream.indirect.scatter.add.f32 [tilespmem:s1], [sflag:$0xB], $0x80, s23, s0, $0xb8;
	v63 =	vld [tilespmem:$0x0]  }
0x90: {  	_ =	swait.ge [sflag:s6], $0xB8  }
0x91: {  	[sflag:s6] =	ssyncset.done $0x0  }
0x92: {  	[sflag:s6] =	ssyncadd.s32 $0xFFFFFF48  }
0x93: {  	_ =	swait.ge [sflag:s7], $0xB8  }
0x94: {  	[sflag:s7] =	ssyncset.done $0x0  }
0x95: {  	[sflag:s7] =	ssyncadd.s32 $0xFFFFFF48  }
0x96: {  	_ =	swait.ge [sflag:s18], $0x5C00  }
0x97: {  	s19 =	rddreg [dreg:$0x8];
	[sflag:s18] =	ssyncset.done $0x0  }
0x98: {  	s20 =	rddreg [dreg:$0x7];
	[sflag:s18] =	ssyncadd.s32 $0xFFFFA400;
	s11 =	sadd.s32 $0x0, s19  }
0x99: {  	[tilespmem:s8], [sflag:$0x4] =	stream.linear.gather [hbm4b:s11+s3], $0xB8, $0x38;
	v63 =	vld [tilespmem:$0x0]  }
0x9a: {  	s26 =	sadd.s32 $0x0, s20  }
0x9b: {  	[tilespmem:s9], [sflag:$0x8] =	stream.linear.gather [hbm4b:s26+s3], $0xB8, $0x38;
	v63 =	vld [tilespmem:$0x0]  }
0x9c: {  	_ = 	snop  }
0x9d: {  	[tilespmem:s10], [sflag:$0xA] =	stream.indirect.gather [hbm4b:s4+s0], $0x80, s24, s0, $0xb8;
	v63 =	vld [tilespmem:$0x0]  }
0x9e: {  	_ =	swait.ge [sflag:s12], $0x5C00  }
0x9f: {  	[sflag:s12] =	ssyncset.done $0x0  }
0xa0: {  	[sflag:s12] =	ssyncadd.s32 $0xFFFFA400  }
0xa1: {  	[spmem:s2] =	stream.indirect.scatter.add.f32 [tilespmem:s10], [sflag:$0xC], $0x80, s25, s0, $0xb8;
	v63 =	vld [tilespmem:$0x0]  }
0xa2: {  	_ =	swait.ge [sflag:s13], $0xB8  }
0xa3: {  	[sflag:s13] =	ssyncset.done $0x0  }
0xa4: {  	[sflag:s13] =	ssyncadd.s32 $0xFFFFFF48  }
0xa5: {  	_ =	swait.ge [sflag:s14], $0xB8  }
0xa6: {  	[sflag:s14] =	ssyncset.done $0x0  }
0xa7: {  	p0 =	por $0x0, $0x0;
	[sflag:s14] =	ssyncadd.s32 $0xFFFFFF48  }
0xa8: {  	s20 =	simm.s32 @!p0 $0x14000;
	_ =	swait.ge [sflag:s15], $0x5C00  }
0xa9: {  	s26 =	simm.s32 @!p0 $0x0;
	s11 =	rddreg [dreg:$0x6];
	[sflag:s15] =	ssyncset.done $0x0  }
0xaa: {  	s21 =	rddreg [dreg:$0x5];
	[sflag:s15] =	ssyncadd.s32 $0xFFFFA400;
	s11 =	sadd.s32 @!p0 $0x0, s11  }
0xab: {  	[tilespmem:s20], [sflag:$0x1] =	stream.linear.gather @!p0 [hbm4b:s11+s26], $0xB8, $0x38;
	v63 =	vld [tilespmem:$0x0]  }
0xac: {  	s11 =	simm.s32 @!p0 $0x14400;
	s20 =	sadd.s32 @!p0 $0x0, s21  }
0xad: {  	[tilespmem:s11], [sflag:$0x5] =	stream.linear.gather @!p0 [hbm4b:s20+s26], $0xB8, $0x38;
	v63 =	vld [tilespmem:$0x0]  }
0xae: {  	_ = 	snop  }
0xaf: {  	[tilespmem:s1], [sflag:$0x9] =	stream.indirect.gather [hbm4b:s4+s0], $0x80, s30, s0, $0xb8;
	v63 =	vld [tilespmem:$0x0]  }
0xb0: {  	_ =	swait.ge [sflag:s5], $0x5C00  }
0xb1: {  	[sflag:s5] =	ssyncset.done $0x0  }
0xb2: {  	[sflag:s5] =	ssyncadd.s32 $0xFFFFA400  }
0xb3: {  	[spmem:s2] =	stream.indirect.scatter.add.f32 [tilespmem:s1], [sflag:$0xB], $0x80, s31, s0, $0xb8;
	v63 =	vld [tilespmem:$0x0]  }
0xb4: {  	_ =	swait.ge [sflag:s16], $0xB8  }
0xb5: {  	[sflag:s16] =	ssyncset.done $0x0  }
0xb6: {  	[sflag:s16] =	ssyncadd.s32 $0xFFFFFF48  }
0xb7: {  	_ =	swait.ge [sflag:s17], $0xB8  }
0xb8: {  	[sflag:s17] =	ssyncset.done $0x0  }
0xb9: {  	[sflag:s17] =	ssyncadd.s32 $0xFFFFFF48  }
0xba: {  	_ =	swait.ge [sflag:s18], $0x5C00  }
0xbb: {  	s21 =	simm.s32 @!p0 $0x14100;
	s11 =	rddreg [dreg:$0x4];
	[sflag:s18] =	ssyncset.done $0x0  }
0xbc: {  	s20 =	rddreg [dreg:$0x3];
	[sflag:s18] =	ssyncadd.s32 $0xFFFFA400;
	s11 =	sadd.s32 @!p0 $0x0, s11  }
0xbd: {  	[tilespmem:s21], [sflag:$0x2] =	stream.linear.gather @!p0 [hbm4b:s11+s26], $0xB8, $0x38;
	v63 =	vld [tilespmem:$0x0]  }
0xbe: {  	s20 =	sadd.s32 @!p0 $0x0, s20;
	s11 =	simm.s32 @!p0 $0x14500  }
0xbf: {  	[tilespmem:s11], [sflag:$0x6] =	stream.linear.gather @!p0 [hbm4b:s20+s26], $0xB8, $0x38;
	v63 =	vld [tilespmem:$0x0]  }
0xc0: {  	_ = 	snop  }
0xc1: {  	[tilespmem:s10], [sflag:$0xA] =	stream.indirect.gather [hbm4b:s4+s0], $0x80, s8, s0, $0xb8;
	v63 =	vld [tilespmem:$0x0]  }
0xc2: {  	_ =	swait.ge [sflag:s12], $0x5C00  }
0xc3: {  	s21 =	simm.s32 $0x5C;
	[sflag:s12] =	ssyncset.done $0x0  }
.LBB2_2:
0xc4: {  	[sflag:s12] =	ssyncadd.s32 $0xFFFFA400  }
0xc5: {  	[spmem:s2] =	stream.indirect.scatter.add.f32 [tilespmem:s10], [sflag:$0xC], $0x80, s9, s0, $0xb8;
	v63 =	vld [tilespmem:$0x0]  }
0xc6: {  	_ =	swait.ge [sflag:s28], $0xB8  }
0xc7: {  	[sflag:s28] =	ssyncset.done $0x0  }
0xc8: {  	[sflag:s28] =	ssyncadd.s32 $0xFFFFFF48  }
0xc9: {  	_ =	swait.ge [sflag:s29], $0xB8  }
0xca: {  	[sflag:s29] =	ssyncset.done $0x0  }
0xcb: {  	[sflag:s29] =	ssyncadd.s32 $0xFFFFFF48  }
0xcc: {  	_ =	swait.ge [sflag:s15], $0x5C00  }
0xcd: {  	s11 =	smov.u32 s21;
	s20 =	rddreg [dreg:$0xa];
	[sflag:s15] =	ssyncset.done $0x0  }
0xce: {  	s26 =	rddreg [dreg:$0x9];
	[sflag:s15] =	ssyncadd.s32 $0xFFFFA400;
	s20 =	sadd.s32 s11, s20  }
0xcf: {  	[tilespmem:s30], [sflag:$0x3] =	stream.linear.gather [hbm4b:s20+s3], $0xB8, $0x38;
	v63 =	vld [tilespmem:$0x0]  }
0xd0: {  	s19 =	sadd.s32 s11, s26  }
0xd1: {  	[tilespmem:s31], [sflag:$0x7] =	stream.linear.gather [hbm4b:s19+s3], $0xB8, $0x38;
	v63 =	vld [tilespmem:$0x0]  }
0xd2: {  	_ = 	snop  }
0xd3: {  	[tilespmem:s1], [sflag:$0x9] =	stream.indirect.gather [hbm4b:s4+s0], $0x80, s22, s0, $0xb8;
	v63 =	vld [tilespmem:$0x0]  }
0xd4: {  	_ =	swait.ge [sflag:s5], $0x5C00  }
0xd5: {  	[sflag:s5] =	ssyncset.done $0x0  }
0xd6: {  	[sflag:s5] =	ssyncadd.s32 $0xFFFFA400  }
0xd7: {  	[spmem:s2] =	stream.indirect.scatter.add.f32 [tilespmem:s1], [sflag:$0xB], $0x80, s23, s0, $0xb8;
	v63 =	vld [tilespmem:$0x0]  }
0xd8: {  	_ =	swait.ge [sflag:s6], $0xB8  }
0xd9: {  	[sflag:s6] =	ssyncset.done $0x0  }
0xda: {  	[sflag:s6] =	ssyncadd.s32 $0xFFFFFF48  }
0xdb: {  	_ =	swait.ge [sflag:s7], $0xB8  }
0xdc: {  	[sflag:s7] =	ssyncset.done $0x0  }
0xdd: {  	[sflag:s7] =	ssyncadd.s32 $0xFFFFFF48  }
0xde: {  	_ =	swait.ge [sflag:s18], $0x5C00  }
0xdf: {  	s22 =	rddreg [dreg:$0x8];
	[sflag:s18] =	ssyncset.done $0x0  }
0xe0: {  	s23 =	rddreg [dreg:$0x7];
	[sflag:s18] =	ssyncadd.s32 $0xFFFFA400;
	s20 =	sadd.s32 s11, s22  }
0xe1: {  	[tilespmem:s8], [sflag:$0x4] =	stream.linear.gather [hbm4b:s20+s3], $0xB8, $0x38;
	v63 =	vld [tilespmem:$0x0]  }
0xe2: {  	s26 =	sadd.s32 s11, s23  }
0xe3: {  	[tilespmem:s9], [sflag:$0x8] =	stream.linear.gather [hbm4b:s26+s3], $0xB8, $0x38;
	v63 =	vld [tilespmem:$0x0]  }
0xe4: {  	_ = 	snop  }
0xe5: {  	[tilespmem:s10], [sflag:$0xA] =	stream.indirect.gather [hbm4b:s4+s0], $0x80, s24, s0, $0xb8;
	v63 =	vld [tilespmem:$0x0]  }
0xe6: {  	_ =	swait.ge [sflag:s12], $0x5C00  }
0xe7: {  	[sflag:s12] =	ssyncset.done $0x0  }
0xe8: {  	[sflag:s12] =	ssyncadd.s32 $0xFFFFA400  }
0xe9: {  	[spmem:s2] =	stream.indirect.scatter.add.f32 [tilespmem:s10], [sflag:$0xC], $0x80, s25, s0, $0xb8;
	v63 =	vld [tilespmem:$0x0]  }
0xea: {  	_ =	swait.ge [sflag:s13], $0xB8  }
0xeb: {  	[sflag:s13] =	ssyncset.done $0x0  }
0xec: {  	[sflag:s13] =	ssyncadd.s32 $0xFFFFFF48  }
0xed: {  	_ =	swait.ge [sflag:s14], $0xB8  }
0xee: {  	[sflag:s14] =	ssyncset.done $0x0  }
0xef: {  	p1 =	seq.s32 s11, $0x450;
	[sflag:s14] =	ssyncadd.s32 $0xFFFFFF48  }
0xf0: {  	s19 =	simm.s32 @!p1 $0x0;
	_ =	swait.ge [sflag:s15], $0x5C00  }
0xf1: {  	s22 =	simm.s32 @!p1 $0x14000;
	s20 =	rddreg [dreg:$0x6];
	[sflag:s15] =	ssyncset.done $0x0  }
0xf2: {  	s26 =	rddreg [dreg:$0x5];
	[sflag:s15] =	ssyncadd.s32 $0xFFFFA400;
	s20 =	sadd.s32 @!p1 s11, s20  }
0xf3: {  	[tilespmem:s22], [sflag:$0x1] =	stream.linear.gather @!p1 [hbm4b:s20+s19], $0xB8, $0x38;
	v63 =	vld [tilespmem:$0x0]  }
0xf4: {  	s23 =	simm.s32 @!p1 $0x14400;
	s20 =	sadd.s32 @!p1 s11, s26  }
0xf5: {  	[tilespmem:s23], [sflag:$0x5] =	stream.linear.gather @!p1 [hbm4b:s20+s19], $0xB8, $0x38;
	v63 =	vld [tilespmem:$0x0]  }
0xf6: {  	_ = 	snop  }
0xf7: {  	[tilespmem:s1], [sflag:$0x9] =	stream.indirect.gather [hbm4b:s4+s0], $0x80, s30, s0, $0xb8;
	v63 =	vld [tilespmem:$0x0]  }
0xf8: {  	_ =	swait.ge [sflag:s5], $0x5C00  }
0xf9: {  	[sflag:s5] =	ssyncset.done $0x0  }
0xfa: {  	[sflag:s5] =	ssyncadd.s32 $0xFFFFA400  }
0xfb: {  	[spmem:s2] =	stream.indirect.scatter.add.f32 [tilespmem:s1], [sflag:$0xB], $0x80, s31, s0, $0xb8;
	v63 =	vld [tilespmem:$0x0]  }
0xfc: {  	_ =	swait.ge [sflag:s16], $0xB8  }
0xfd: {  	[sflag:s16] =	ssyncset.done $0x0  }
0xfe: {  	[sflag:s16] =	ssyncadd.s32 $0xFFFFFF48  }
0xff: {  	_ =	swait.ge [sflag:s17], $0xB8  }
0x100: {  	[sflag:s17] =	ssyncset.done $0x0  }
0x101: {  	[sflag:s17] =	ssyncadd.s32 $0xFFFFFF48  }
0x102: {  	s21 =	sadd.s32 $0x5C, s21;
	_ =	swait.ge [sflag:s18], $0x5C00  }
0x103: {  	s23 =	simm.s32 @!p1 $0x14100;
	s20 =	rddreg [dreg:$0x4];
	[sflag:s18] =	ssyncset.done $0x0  }
0x104: {  	s22 =	rddreg [dreg:$0x3];
	[sflag:s18] =	ssyncadd.s32 $0xFFFFA400;
	s20 =	sadd.s32 @!p1 s11, s20  }
0x105: {  	[tilespmem:s23], [sflag:$0x2] =	stream.linear.gather @!p1 [hbm4b:s20+s19], $0xB8, $0x38;
	v63 =	vld [tilespmem:$0x0]  }
0x106: {  	p0 =	sne.s32 s21, $0x4AC;
	s26 =	simm.s32 @!p1 $0x14500;
	s11 =	sadd.s32 @!p1 s11, s22  }
0x107: {  	[tilespmem:s26], [sflag:$0x6] =	stream.linear.gather @!p1 [hbm4b:s11+s19], $0xB8, $0x38;
	v63 =	vld [tilespmem:$0x0]  }
.Ltmp0:
0x108: {  	_ = 	snop;
	(pc) =	sbr.rel @p0 .LBB2_2-.Ltmp0, $4  }
0x109: {  	_ = 	snop  }
0x10a: {  	[tilespmem:s10], [sflag:$0xA] =	stream.indirect.gather [hbm4b:s4+s0], $0x80, s8, s0, $0xb8;
	v63 =	vld [tilespmem:$0x0]  }
0x10b: {  	_ =	swait.ge [sflag:s12], $0x5C00  }
0x10c: {  	s22 =	simm.s32 $0x14000;
	s23 =	simm.s32 $0x14400;
	[sflag:s12] =	ssyncset.done $0x0  }
0x10d: {  	[sflag:s12] =	ssyncadd.s32 $0xFFFFA400  }
0x10e: {  	[spmem:s2] =	stream.indirect.scatter.add.f32 [tilespmem:s10], [sflag:$0xC], $0x80, s9, s0, $0xb8;
	v63 =	vld [tilespmem:$0x0]  }
0x10f: {  	_ =	swait.ge [sflag:s15], $0x5C00  }
0x110: {  	[sflag:s15] =	ssyncset.done $0x0  }
0x111: {  	[sflag:s15] =	ssyncadd.s32 $0xFFFFA400  }
0x112: {  	_ =	swait.ge [sflag:s18], $0x5C00  }
0x113: {  	[sflag:s18] =	ssyncset.done $0x0  }
0x114: {  	[sflag:s18] =	ssyncadd.s32 $0xFFFFA400  }
0x115: {  	[bflag:$0x0] =	sbarrier.arrive $0xFFFF  }
0x116: {  	s19 =	rddreg [dreg:$0x11]  }
0x117: {  	s11 =	rddreg [dreg:$0x1a]  }
0x118: {  	s20 =	rddreg [dreg:$0x1d]  }
0x119: {  	[hbm:s11], [sflag:s19] =	dma.local [spmem:s20], $0x2800  }
0x11a: {  	s20 =	simm.s32 $0xD  }
0x11b: {  	_ =	swait.ge [sflag:s20], $0x2800  }
0x11c: {  	s21 =	rddreg [dreg:$0x1c]  }
0x11d: {  	s26 =	rddreg [dreg:$0x1b];
	s21 =	sadd.s32 $0x1, s21  }
0x11e: {  	p0 =	sne.s32 s21, s26  }
.Ltmp1:
0x11f: {  	_ = 	snop;
	(pc) =	sbr.rel @p0 .LBB2_1-.Ltmp1, $3  }
0x120: {  	_ =	sdelay $0x1  }
0x121: {  	[sflag:s20] =	ssyncset.done $0x0  }
0x122: {  	[sflag:s20] =	ssyncadd.s32 $0xFFFFD800  }
0x123: {  	_ =	sfence.sel $0x180000  }
0x124: {  	[bflag:$0x0] =	sbarrier.arrive $0xFFFF  }
0x125: {  	_ =	strace $0x9000004D  }
0x126: {  	s0 =	stileid.u32;
	[bflag:$0x2] =	sbarrier.arrive $0xFFFF  }
0x127: {  	p0 =	sne.s32 s0, $0x0;
	s0 =	rddreg [dreg:$0x2]  }
0x128: {  	s0 =	sadd.s32 @!p0 $0x100000, s0  }
0x129: {  	[sflag:s0] =	ssyncadd.tile.s32 @!p0 $0x1;
	_ =	shalt  }
.Lfunc_end2:
_tile_overlayer_lowered:
.L_overlay_start_2:
0x12a: {  	(tag) =	ssettag $0x2  }
0x12b: {  	s0 =	rddreg [dreg:$0x0];
	s2 =	stileid.u32  }
0x12c: {  	s1 =	rddreg [dreg:$0x1];
	p0 =	sne.s32 s2, $0x0  }
0x12d: {  	s3 =	rddreg [dreg:$0x2];
	[bflag:$0x3] =	sbarrier.arrive $0xFFFF;
	s2 =	simm.s32 @!p0 $0x1C0D  }
0x12e: {  	[timem:s3], [sflag:s2] =	dma.local @!p0 [hbm:s0], s1  }
0x12f: {  	s0 =	simm.s32 @!p0 $0xD  }
0x130: {  	_ =	swait.ge @!p0 [sflag:s0], s1  }
0x131: {  	s1 =	ssub.s32 @!p0 $0x0, s1;
	[sflag:s0] =	ssyncset.done @!p0 $0x0  }
0x132: {  	[sflag:s0] =	ssyncadd.s32 @!p0 s1  }
0x133: {  	[bflag:$0x3] =	sbarrier.arrive $0xFFFF  }
0x134: {  	_ =	shalt  }

// kernel: kernel.8.cloned.1.call-start
scs
__scs_entry_jumppad:
0x0: {  	(pc) =	sbr.rel $0x88, $3  }
0x1: {  	(tag) =	ssettag $0x0;
	lr =	simm.s32 $0x1  }
0x2: {  	[smem:$0x3F99] =	sst lr;
	_ =	strace $0xD0000000  }
0x3: {  	_ = 	snop  }
0x4: {  	_ = 	snop  }
0x5: {  	_ = 	snop  }
0x6: {  	_ = 	snop  }
0x7: {  	_ = 	snop  }
__scs_overlays_trampoline_lowered:
0x8: {  	[smem:$0x3FA8] =	sst s0  }
0x9: {  	[smem:$0x3FA9] =	sst s1  }
0xa: {  	[smem:$0x3FAA] =	sst s2  }
0xb: {  	[smem:$0x3FAB] =	sst s3  }
0xc: {  	[smem:$0x3FAC] =	sst s4  }
0xd: {  	[smem:$0x3FAD] =	sst s5  }
0xe: {  	[smem:$0x3FAE] =	sst s6  }
0xf: {  	[smem:$0x3FAF] =	sst s7  }
0x10: {  	[smem:$0x3FB0] =	sst s8  }
0x11: {  	[smem:$0x3FB1] =	sst s9;
	s0 =	simm.s32 @!p0 $0x0  }
0x12: {  	s1 =	sld [smem:$0x3F97];
	s0 =	simm.s32 @p0 $0x1  }
0x13: {  	[smem:$0x3FB2] =	sst s0;
	s0 =	simm.s32 @!p1 $0x0  }
0x14: {  	s2 =	sld [smem:$0x3F96];
	s0 =	simm.s32 @p1 $0x1  }
0x15: {  	[smem:$0x3FB3] =	sst s0;
	s0 =	simm.s32 @!p2 $0x0  }
0x16: {  	s3 =	sld [smem:$0x3FDB];
	s0 =	simm.s32 @p2 $0x1  }
0x17: {  	s4 =	simm.s32 $0x1BF5;
	[smem:$0x3FB5] =	sst s0  }
0x18: {  	s0 =	sld [smem:$0x3F98];
	_ =	swait.ge [sflag:s4], $0x0  }
0x19: {  	s7 =	sld [smem:$0x3F99]  }
0x1a: {  	s8 =	sadd.s32 $0xFFFFE003, lr  }
0x1b: {  	s9 =	sadd.s32 $0xFFFFFEF7, lr;
	s5 =	simm.s32 $0xFFFFFFFF;
	p2 =	slt.u32 s8, $0xFFFFF086  }
0x1c: {  	p1 =	slt.u32 s9, $0xF7A;
	s5 =	simm.s32 @!p2 $0x0  }
0x1d: {  	s5 =	simm.s32 @p1 $0x1;
	p0 =	seq.s32 s7, s2  }
0x1e: {  	s7 =	smul.u32 @!p0 $0xF7A, s2;
	p2 =	seq.s32 @!p0 s5, $0x0  }
0x1f: {  	s9 =	smul.u32 $0xF7A, s1;
	s8 =	simm.s32 @!p0 $0x1BF5;
	p2 =	por !p2, p0  }
0x20: {  	[sflag:s8] =	ssyncset.s32 @!p0 $0xFFFFF086;
	s6 =	sadd.s32 @!p0 s3, s7;
	s7 =	simm.s32 @!p0 $0x108  }
0x21: {  	s3 =	sadd.s32 s3, s9;
	s6 =	sadd.s32 @!p0 $0x88, s6;
	s7 =	simm.s32 @p2 $0x1082  }
0x22: {  	[simem:s7], [sflag:s8] =	dma.local @!p0 [hbm:s6], $0xF7A  }
0x23: {  	s9 =	sor.u32 $0xD0000000, s2;
	s6 =	simm.s32 $0x108;
	_ =	swait.ge @!p0 [sflag:s8], $0x0  }
0x24: {  	s3 =	sadd.s32 $0x88, s3;
	s6 =	simm.s32 @!p1 $0x1082;
	[sflag:s4] =	ssyncset.s32 $0xFFFFF086  }
0x25: {  	[simem:s6], [sflag:s4] =	dma.local [hbm:s3], $0xF7A  }
0x26: {  	[smem:$0x3F99] =	sst s1;
	(tag) =	ssettag s2;
	_ =	strace s9  }
0x27: {  	s1 =	sld [smem:$0x3FA9]  }
0x28: {  	s2 =	sld [smem:$0x3FAA]  }
0x29: {  	s4 =	sld [smem:$0x3FAC]  }
0x2a: {  	p0 =	seq.s32 s5, $0x0;
	s5 =	sld [smem:$0x3FAD]  }
0x2b: {  	s6 =	sld [smem:$0x3FAE]  }
0x2c: {  	s7 =	sld [smem:$0x3FAF]  }
0x2d: {  	s3 =	simm.s32 $0x108;
	s8 =	sld [smem:$0x3FB0]  }
0x2e: {  	s3 =	simm.s32 @!p0 $0x1082;
	s9 =	sld [smem:$0x3FB1]  }
0x2f: {  	lr =	sadd.s32 s0, s3;
	s0 =	sld [smem:$0x3FA8]  }
0x30: {  	s3 =	sld [smem:$0x3FAB]  }
0x31: {  	[smem:$0x3FB4] =	sst s10  }
0x32: {  	s10 =	sld [smem:$0x3FB2];
	_ =	sdelay $0x3  }
0x33: {  	p0 =	seq.s32 s10, $0x1;
	s10 =	sld [smem:$0x3FB4];
	_ =	sdelay $0x3  }
0x34: {  	[smem:$0x3FB4] =	sst s10  }
0x35: {  	s10 =	sld [smem:$0x3FB3];
	_ =	sdelay $0x3  }
0x36: {  	p1 =	seq.s32 s10, $0x1;
	s10 =	sld [smem:$0x3FB4];
	_ =	sdelay $0x3  }
0x37: {  	[smem:$0x3FB4] =	sst s10  }
0x38: {  	s10 =	sld [smem:$0x3FB5]  }
0x39: {  	_ = 	snop;
	(pc) =	sbr.ind lr, $3  }
0x3a: {  	_ = 	snop  }
0x3b: {  	_ = 	snop  }
0x3c: {  	p2 =	seq.s32 s10, $0x1;
	s10 =	sld [smem:$0x3FB4]  }
0x3d: {  	_ =	shalt  }
0x3e: {  	_ =	shalt  }
0x3f: {  	_ =	shalt  }
0x40: {  	_ =	shalt  }
0x41: {  	_ =	shalt  }
0x42: {  	_ =	shalt  }
0x43: {  	_ =	shalt  }
0x44: {  	_ =	shalt  }
0x45: {  	_ =	shalt  }
0x46: {  	_ =	shalt  }
0x47: {  	_ =	shalt  }
0x48: {  	_ =	shalt  }
0x49: {  	_ =	shalt  }
0x4a: {  	_ =	shalt  }
0x4b: {  	_ =	shalt  }
0x4c: {  	_ =	shalt  }
0x4d: {  	_ =	shalt  }
0x4e: {  	_ =	shalt  }
0x4f: {  	_ =	shalt  }
0x50: {  	_ =	shalt  }
0x51: {  	_ =	shalt  }
0x52: {  	_ =	shalt  }
0x53: {  	_ =	shalt  }
0x54: {  	_ =	shalt  }
0x55: {  	_ =	shalt  }
0x56: {  	_ =	shalt  }
0x57: {  	_ =	shalt  }
0x58: {  	_ =	shalt  }
0x59: {  	_ =	shalt  }
0x5a: {  	_ =	shalt  }
0x5b: {  	_ =	shalt  }
0x5c: {  	_ =	shalt  }
0x5d: {  	_ =	shalt  }
0x5e: {  	_ =	shalt  }
0x5f: {  	_ =	shalt  }
0x60: {  	_ =	shalt  }
0x61: {  	_ =	shalt  }
0x62: {  	_ =	shalt  }
0x63: {  	_ =	shalt  }
0x64: {  	_ =	shalt  }
0x65: {  	_ =	shalt  }
0x66: {  	_ =	shalt  }
0x67: {  	_ =	shalt  }
0x68: {  	_ =	shalt  }
0x69: {  	_ =	shalt  }
0x6a: {  	_ =	shalt  }
0x6b: {  	_ =	shalt  }
0x6c: {  	_ =	shalt  }
0x6d: {  	_ =	shalt  }
0x6e: {  	_ =	shalt  }
0x6f: {  	_ =	shalt  }
0x70: {  	_ =	shalt  }
0x71: {  	_ =	shalt  }
0x72: {  	_ =	shalt  }
0x73: {  	_ =	shalt  }
0x74: {  	_ =	shalt  }
0x75: {  	_ =	shalt  }
0x76: {  	_ =	shalt  }
0x77: {  	_ =	shalt  }
0x78: {  	_ =	shalt  }
0x79: {  	_ =	shalt  }
0x7a: {  	_ =	shalt  }
0x7b: {  	_ =	shalt  }
0x7c: {  	_ =	shalt  }
0x7d: {  	_ =	shalt  }
0x7e: {  	_ =	shalt  }
0x7f: {  	_ =	shalt  }
0x80: {  	_ =	shalt  }
0x81: {  	_ =	shalt  }
0x82: {  	_ =	shalt  }
0x83: {  	_ =	shalt  }
0x84: {  	_ =	shalt  }
0x85: {  	_ =	shalt  }
0x86: {  	_ =	shalt  }
0x87: {  	_ =	shalt  }
.Lfunc_end0:
.L_simem_size_0:
called_computation_lowered:
.L_overlay_start_0:
0x88: {  	s2 =	sld [smem:$0x3FD9]  }
0x89: {  	s3 =	sld [smem:$0x3FFE];
	_ =	sdelay $0x1  }
0x8a: {  	s1 =	srdreg.scid  }
0x8b: {  	s0 =	sand.u32 $0x1, s1  }
0x8c: {  	s16 =	sshll.u32 s0, $0xA;
	s2 =	sadd.s32 s3, s2  }
0x8d: {  	s2 =	sadd.s32 s2, s16  }
0x8e: {  	[smem:$0x3FC0] =	sst s2  }
0x8f: {  	_ = 	snop  }
0x90: {  	(tm) =	ssettm $0x1  }
0x91: {  	s17 =	sld [smem:$0x3FFB];
	_ =	sdelay $0x3  }
0x92: {  	_ =	strace s17  }
0x93: {  	s2 =	sld [smem:$0x3FFC];
	_ =	sdelay $0x3  }
0x94: {  	_ =	strace s2  }
0x95: {  	s2 =	sld [smem:$0x3FFD];
	_ =	sdelay $0x3  }
0x96: {  	_ =	strace s2  }
0x97: {  	_ =	strace $0x8FFFFFFF  }
0x98: {  	s18 =	sld [smem:$0x3FDB];
	_ =	sdelay $0x1  }
0x99: {  	s19 =	simm.s32 $_scs_section_size  }
0x9a: {  	s4 =	simm.s32 $_size__tile_overlayer_lowered;
	s5 =	simm.s32 $_tile_overlayer_lowered  }
0x9b: {  	s22 =	simm.s32 $0x1BFF;
	s21 =	sshll.u32 s5, $0x1;
	s2 =	sadd.s32 s19, s18  }
0x9c: {  	s6 =	simm.s32 $0x0;
	s20 =	sshll.u32 s4, $0x1;
	s4 =	sadd.s32 s21, s2  }
0x9d: {  	[timem:s6], [sflag:s22] =	dma.local [hbm:s4], s20  }
0x9e: {  	_ =	swait.ge [sflag:s22], s20  }
0x9f: {  	s3 =	ssub.s32 $0x0, s20;
	[sflag:s22] =	ssyncset.done $0x0  }
0xa0: {  	[sflag:s22] =	ssyncadd.s32 s3;
	_ =	sdelay $0x1  }
0xa1: {  	s23 =	simm.s32 $0x1B8B  }
0xa2: {  	_ =	swait.ge [sflag:s23], $0x1  }
0xa3: {  	[sflag:s23] =	ssyncset.done $0x0  }
0xa4: {  	s25 =	simm.s32 $0x1B8E;
	s24 =	sld [smem:$0x3FFE];
	[sflag:s23] =	ssyncadd.s32 $0xFFFFFFFF  }
0xa5: {  	s26 =	simm.s32 $execute0_lowered;
	[smem:$0x3FD2] =	sst s25  }
0xa6: {  	s4 =	sshll.u32 s26, $0x1;
	_ =	strace $0x80000046;
	[dreg:$0x1] =	wrdreg $0xFFFFFFFF  }
0xa7: {  	s28 =	simm.s32 $_size_execute0_lowered;
	s2 =	sadd.s32 s2, s4;
	[dreg:$0x0] =	wrdreg $0x0  }
0xa8: {  	s4 =	sshll.u32 s28, $0x1;
	[dreg:$0x2] =	wrdreg s2  }
0xa9: {  	[dreg:$0x3] =	wrdreg s4  }
0xaa: {  	[dreg:$0x4] =	wrdreg $0xC0  }
0xab: {  	_ =	task [dreg:s6], $0x5FFFF  }
0xac: {  	[dreg:$0x1] =	wrdreg $0xFFFFFFFF  }
0xad: {  	[dreg:$0x0] =	wrdreg $0x60  }
0xae: {  	[dreg:$0x2] =	wrdreg s24  }
0xaf: {  	[dreg:$0x3] =	wrdreg $0x9  }
0xb0: {  	_ =	task.clear_ibuf [dreg:s6], $0x4FFFF;
	_ =	strace $0x90000046  }
0xb1: {  	s29 =	simm.s32 $0x9;
	_ =	strace $0x80000048  }
0xb2: {  	_ =	swait.ge [sflag:s29], $0x1  }
0xb3: {  	[sflag:s29] =	ssyncadd.s32 $0xFFFFFFFF  }
0xb4: {  	_ =	strace $0x90000048  }
0xb5: {  	_ =	sfence  }
0xb6: {  	s30 =	sld [smem:$0x0];
	_ =	sdelay $0x2  }
0xb7: {  	s31 =	sshll.u32 s1, $0xD;
	s1 =	sshrl.u32 s1, $0x2  }
0xb8: {  	s3 =	sand.u32 $0x4000, s31;
	s1 =	sadd.s32 s1, s30  }
0xb9: {  	s0 =	sor.u32 s3, s0;
	s1 =	sshll.u32 s1, $0x11  }
0xba: {  	s0 =	sor.u32 s1, s0  }
0xbb: {  	s0 =	sadd.s32 $0x8F2B, s0  }
0xbc: {  	[sflag:s0] =	ssyncadd.remote.s32 $0x1  }
0xbd: {  	_ =	sfence.sel $0xFFFF  }
0xbe: {  	[dreg:$0x0] =	wrdreg $0xFFFFFFFF;
	(pc) =	sbr.abs _section_cstart, $3  }
0xbf: {  	[dreg:$0x1] =	wrdreg $0xFFFFFFFF  }
0xc0: {  	_ =	task.clear_ibuf [dreg:s6], $0x2FFFF;
	_ =	strace $0x9FFFFFFF  }
0xc1: {  	(tm) =	ssettm $0x7FFFFFFF  }
tec
execute0_lowered:
.L_overlay_start_1:
0x0: {  	(tag) =	ssettag $0x1  }
0x1: {  	s0 =	srdreg.scid  }
0x2: {  	s5 =	rddreg [dreg:$0x0];
	s3 =	sand.u32 $0x1, s0  }
0x3: {  	s2 =	simm.s32 $0x0;
	s0 =	stileid.u32;
	s1 =	sshll.u32 s3, $0x4  }
0x4: {  	s8 =	simm.s32 $0x80;
	s9 =	simm.s32 $0x400;
	s4 =	sor.u32 s0, s1  }
0x5: {  	s10 =	simm.s32 $0x0;
	[smem:$0x7FF] =	sst s2;
	s1 =	sshrl.u32 s4, $0x3  }
0x6: {  	s7 =	sshll.u32 s0, $0x7;
	s3 =	ssub.s32 $0x2, s3;
	s6 =	smul.u32 $0x14000, s1  }
0x7: {  	s7 =	sand.u32 $0x380, s7;
	s31 =	sshrl.u32 s3, $0x1;
	s4 =	smul.u32 $0x4E2, s4  }
0x8: {  	s1 =	rddreg [dreg:$0x1];
	_ =	strace $0x80000047;
	s6 =	sor.u32 s7, s6  }
0x9: {  	s4 =	sadd.s32 s4, s5;
	s7 =	simm.s32 $0x1;
	s6 =	sshrl.u32 s6, $0x3  }
0xa: {  	s5 =	sadd.s32 s6, s5;
	s6 =	ssub.s32 s3, s31;
	s3 =	sadd.s32 $0x2000, s4  }
0xb: {  	v0 =	vimm.f32 $0.0e+00;
	v1 =	vimm.f32 $1.000000000e+00;
	s4 =	sadd.s32 $0xBE00, s5;
	s5 =	smax.u32 s6, $0x1;
	s6 =	simm.s32 $0x2800  }
.LBB2_1:
0xc: {  	s11 =	simm.s32 $0x40;
	s12 =	simm.s32 $0x0  }
.LBB2_2:
0xd: {  	p0 =	sne.s32 s11, $0x9FC0;
	[tilespmem:s12+$0x0] =	vst v0;
	s12 =	smov.u32 s11;
	s11 =	sadd.s32 $0x40, s11  }
.Ltmp0:
0xe: {  	(pc) =	sbr.rel @p0 .LBB2_2-.Ltmp0, $2  }
0xf: {  	_ =	sdelay $0x2  }
0x10: {  	s12 =	sshra.s32 s12, $0x2  }
0x11: {  	[tilespmem:s12+$0x0] =	vst v0;
	s11 =	simm.s32 $0x0  }
0x12: {  	[tilespmem:s6], [sflag:$0x1] =	stream.linear.gather [hbm4b:s3+s11], $0x2710, $0x38;
	[tilespmem:$0x4F80] =	vst v63  }
0x13: {  	_ =	swait.ge [sflag:s7], $0x2710  }
0x14: {  	[sflag:s7] =	ssyncset.done $0x0  }
0x15: {  	s12 =	simm.s32 $0x0;
	s11 =	simm.s32 $0x40;
	[sflag:s7] =	ssyncadd.s32 $0xFFFFD8F0  }
.LBB2_4:
0x16: {  	p0 =	sne.s32 s11, $0x9C00;
	v2 =	vld [tilespmem:s12+$0x2800];
	_ =	sdelay $0x3  }
.Ltmp1:
0x17: {  	(pc) =	sbr.rel @p0 .LBB2_4-.Ltmp1, $2  }
0x18: {  	_ =	sdelay $0x2  }
0x19: {  	s12 =	sshra.s32 s11, $0x2;
	s11 =	sadd.s32 $0x40, s11;
	[tilespmem:v2+s2+$0x0] =	vst.idx.add.f32.msk $0xffff, v1  }
0x1a: {  	v2 =	vld [tilespmem:s12+$0x2800];
	_ =	sdelay $0x5  }
0x1b: {  	s10 =	sadd.s32 $0x1, s10  }
0x1c: {  	p0 =	sne.s32 s10, s5  }
.Ltmp2:
0x1d: {  	[tilespmem:v2+s2+$0x0] =	vst.idx.add.f32.msk $0xffff, v1;
	(pc) =	sbr.rel @p0 .LBB2_1-.Ltmp2, $4  }
0x1e: {  	[hbm4b:s4+s8] =	stream.strided.scatter [tilespmem:s2], [sflag:$0x1], $0x2800, s9, s8, $0x38;
	[tilespmem:$0x4F80] =	vst v63  }
0x1f: {  	_ =	swait.ge [sflag:s7], $0x2800  }
0x20: {  	[sflag:s7] =	ssyncset.done $0x0  }
0x21: {  	[sflag:s7] =	ssyncadd.s32 $0xFFFFD800  }
0x22: {  	_ =	sfence.sel $0x180000  }
0x23: {  	[bflag:$0x0] =	sbarrier.arrive $0xFFFF  }
0x24: {  	p0 =	sne.s32 s0, $0x0;
	_ =	strace $0x90000047  }
0x25: {  	s0 =	sadd.s32 @!p0 $0x100000, s1;
	[bflag:$0x2] =	sbarrier.arrive $0xFFFF  }
0x26: {  	[sflag:s0] =	ssyncadd.tile.s32 @!p0 $0x1;
	_ =	shalt  }
.Lfunc_end2:
_tile_overlayer_lowered:
.L_overlay_start_2:
0x27: {  	(tag) =	ssettag $0x2  }
0x28: {  	s0 =	rddreg [dreg:$0x0];
	s2 =	stileid.u32  }
0x29: {  	s1 =	rddreg [dreg:$0x1];
	p0 =	sne.s32 s2, $0x0  }
0x2a: {  	s3 =	rddreg [dreg:$0x2];
	[bflag:$0x3] =	sbarrier.arrive $0xFFFF;
	s2 =	simm.s32 @!p0 $0x1C01  }
0x2b: {  	[timem:s3], [sflag:s2] =	dma.local @!p0 [hbm:s0], s1  }
0x2c: {  	s0 =	simm.s32 @!p0 $0x1  }
0x2d: {  	_ =	swait.ge @!p0 [sflag:s0], s1  }
0x2e: {  	s1 =	ssub.s32 @!p0 $0x0, s1;
	[sflag:s0] =	ssyncset.done @!p0 $0x0  }
0x2f: {  	[sflag:s0] =	ssyncadd.s32 @!p0 s1  }
0x30: {  	[bflag:$0x3] =	sbarrier.arrive $0xFFFF  }
0x31: {  	_ =	shalt  }

</sc_bundles>
